<compile_context>
chip_gen: v7x
topology: tpu7x:2x2x1
jax: 0.10.2.dev20260603
libtpu: 0.0.44.dev20260713+nightly
codegen_flags: <defaults>
</compile_context>

<pallas_src>
import functools

import jax
import jax.numpy as jnp
from jax import lax
from jax.experimental import pallas as pl
from jax.experimental.pallas import tpu as pltpu
from jax.experimental.pallas import tpu_sc as plsc

N = 10000
E = 320000
D = 128
NPAD = 10240
NC = 2
NS = 16
NW = NC * NS
CH = 128
ER = E // CH
NF = ER // NW
NTAIL = ER - NF * NW
CW = 16
RPT = NPAD // NS
MM_BLK = 1024


def _mm_body(x_ref, ws_ref, src_ref):
    src_ref[...] = jnp.dot(
        x_ref[...], ws_ref[...], preferred_element_type=jnp.float32
    )


_mm_call = pl.pallas_call(
    _mm_body,
    grid=(NPAD // MM_BLK,),
    in_specs=[
        pl.BlockSpec((MM_BLK, D), lambda i: (i, 0)),
        pl.BlockSpec((D, D), lambda i: (0, 0)),
    ],
    out_specs=pl.BlockSpec((MM_BLK, D), lambda i: (i, 0)),
    out_shape=jax.ShapeDtypeStruct((NPAD, D), jnp.float32),
)


def _sc_body(
    srcx, se2, out, outc, acc, accc,
    rows0, rows1, si0, si1, si2, si3, di0, di1, di2, di3, ones, zc,
    gs0, gs1, ss0, ss1, is0, is1, is2, is3, sem_t,
):
    c = lax.axis_index("c")
    s = lax.axis_index("s")
    wid = c * NS + s
    rows = (rows0, rows1)
    gsem = (gs0, gs1)
    ssem = (ss0, ss1)
    si = (si0, si1, si2, si3)
    di = (di0, di1, di2, di3)
    isem = (is0, is1, is2, is3)

    z16 = jnp.zeros((16,), jnp.float32)
    lane = lax.iota(jnp.int32, 16)
    one16 = jnp.where(lane == 0, 1.0, 0.0).astype(jnp.float32)

    def _zrow(i, carry):
        for j in range(D // 16):
            rows0[i, pl.ds(j * 16, 16)] = z16
        ones[i, pl.ds(0, 16)] = one16
        return carry

    ZCH = 80
    lax.fori_loop(0, ZCH, _zrow, 0)

    def _zcrow(i, carry):
        zc[i, pl.ds(0, 16)] = z16
        return carry

    lax.fori_loop(0, 16, _zcrow, 0)

    def _onerow(i, carry):
        ones[i, pl.ds(0, 16)] = one16
        return carry

    lax.fori_loop(ZCH, CH, _onerow, 0)
    for k in range(RPT // ZCH):
        pltpu.sync_copy(
            rows0.at[pl.ds(0, ZCH)], acc.at[pl.ds(s * RPT + k * ZCH, ZCH)]
        )
    for k in range(RPT // 16):
        pltpu.sync_copy(zc, accc.at[pl.ds(s * RPT + k * 16, 16)])
    plsc.subcore_barrier()

    def _istart(k, m):
        pltpu.async_copy(se2.at[k * NW + wid], si[m], isem[m])
        pltpu.async_copy(se2.at[ER + k * NW + wid], di[m], isem[m])

    def _iwait(k, m):
        pltpu.make_async_copy(se2.at[k * NW + wid], si[m], isem[m]).wait()
        pltpu.make_async_copy(se2.at[ER + k * NW + wid], di[m], isem[m]).wait()

    def _gstart(m, rb):
        pltpu.async_copy(srcx.at[si[m]], rows[rb], gsem[rb])

    def _gwait(m, rb):
        pltpu.make_async_copy(srcx.at[si[m]], rows[rb], gsem[rb]).wait()

    def _sstart(m, rb):
        pltpu.async_copy(rows[rb], acc.at[di[m]], ssem[rb], add=True)
        pltpu.async_copy(ones, accc.at[di[m]], ssem[rb], add=True)

    def _swait(m, rb):
        pltpu.make_async_copy(rows[rb], acc.at[di[m]], ssem[rb]).wait()
        pltpu.make_async_copy(ones, accc.at[di[m]], ssem[rb]).wait()

    _istart(0, 0)
    _istart(1, 1)
    _istart(2, 2)
    _istart(3, 3)
    _iwait(0, 0)
    _gstart(0, 0)
    _iwait(1, 1)
    _gstart(1, 1)
    _gwait(0, 0)
    _sstart(0, 0)

    def _body(p, carry):
        for t in range(4):
            k = 2 + 4 * p + t
            m, rb = (2 + t) % 4, t % 2
            _swait((m + 2) % 4, rb)
            _istart(jnp.minimum(k + 2, NF - 1), (m + 2) % 4)
            _iwait(k, m)
            _gstart(m, rb)
            _gwait((m + 3) % 4, (rb + 1) % 2)
            _sstart((m + 3) % 4, (rb + 1) % 2)
        return carry

    lax.fori_loop(0, (NF - 2) // 4, _body, 0)

    _gwait(1, 1)
    _sstart(1, 1)
    _swait(0, 0)
    _swait(1, 1)
    _iwait(NF - 1, 2)
    _iwait(NF - 1, 3)

    @pl.when(wid < NTAIL)
    def _tail():
        row = NF * NW + wid
        pltpu.async_copy(se2.at[row], si0, sem_t)
        pltpu.async_copy(se2.at[ER + row], di0, sem_t)
        pltpu.make_async_copy(se2.at[row], si0, sem_t).wait()
        pltpu.make_async_copy(se2.at[ER + row], di0, sem_t).wait()
        pltpu.async_copy(srcx.at[si0], rows0, sem_t)
        pltpu.make_async_copy(srcx.at[si0], rows0, sem_t).wait()
        pltpu.sync_copy(rows0, acc.at[di0], add=True)
        pltpu.sync_copy(ones, accc.at[di0], add=True)

    plsc.subcore_barrier()

    pltpu.sync_copy(acc.at[pl.ds(s * RPT, RPT)], out.at[c, pl.ds(s * RPT, RPT)])
    pltpu.sync_copy(
        accc.at[pl.ds(s * RPT, RPT)], outc.at[c, pl.ds(s * RPT, RPT)]
    )


@functools.cache
def _sc_call():
    mesh = plsc.VectorSubcoreMesh(
        core_axis_name="c", subcore_axis_name="s", num_cores=NC, num_subcores=NS
    )
    return pl.kernel(
        _sc_body,
        mesh=mesh,
        out_type=(
            jax.ShapeDtypeStruct((NC, NPAD, D), jnp.float32),
            jax.ShapeDtypeStruct((NC, NPAD, CW), jnp.float32),
        ),
        scratch_types=[
            pltpu.VMEM_SHARED((NPAD, D), jnp.float32),
            pltpu.VMEM_SHARED((NPAD, CW), jnp.float32),
            pltpu.VMEM((CH, D), jnp.float32),
            pltpu.VMEM((CH, D), jnp.float32),
            pltpu.VMEM((CH,), jnp.int32),
            pltpu.VMEM((CH,), jnp.int32),
            pltpu.VMEM((CH,), jnp.int32),
            pltpu.VMEM((CH,), jnp.int32),
            pltpu.VMEM((CH,), jnp.int32),
            pltpu.VMEM((CH,), jnp.int32),
            pltpu.VMEM((CH,), jnp.int32),
            pltpu.VMEM((CH,), jnp.int32),
            pltpu.VMEM((CH, CW), jnp.float32),
            pltpu.VMEM((16, CW), jnp.float32),
            pltpu.SemaphoreType.DMA,
            pltpu.SemaphoreType.DMA,
            pltpu.SemaphoreType.DMA,
            pltpu.SemaphoreType.DMA,
            pltpu.SemaphoreType.DMA,
            pltpu.SemaphoreType.DMA,
            pltpu.SemaphoreType.DMA,
            pltpu.SemaphoreType.DMA,
            pltpu.SemaphoreType.DMA,
        ],
        compiler_params=pltpu.CompilerParams(use_tc_tiling_on_sc=False),
    )


def _combine_body(p_ref, c_ref, x_ref, wt_ref, o_ref):
    p = p_ref[...]
    cc = c_ref[...]
    total = p[0] + p[1]
    cnt = jnp.sum(cc[0] + cc[1], axis=1, keepdims=True)
    mean = total * (1.0 / jnp.maximum(cnt, 1.0))
    tgt = jnp.dot(x_ref[...], wt_ref[...], preferred_element_type=jnp.float32)
    o_ref[...] = jnp.maximum(tgt + mean, 0.0)


_combine_call = pl.pallas_call(
    _combine_body,
    grid=(NPAD // MM_BLK,),
    in_specs=[
        pl.BlockSpec((NC, MM_BLK, D), lambda i: (0, i, 0)),
        pl.BlockSpec((NC, MM_BLK, CW), lambda i: (0, i, 0)),
        pl.BlockSpec((MM_BLK, D), lambda i: (i, 0)),
        pl.BlockSpec((D, D), lambda i: (0, 0)),
    ],
    out_specs=pl.BlockSpec((MM_BLK, D), lambda i: (i, 0)),
    out_shape=jax.ShapeDtypeStruct((N, D), jnp.float32),
)


def kernel(x, edge_index, W_source, W_target):
    srcx = _mm_call(x, W_source)
    e2 = edge_index.reshape(2 * ER, CH)
    partials, counts = _sc_call()(srcx, e2)
    return _combine_call(partials, counts, x, W_target)

# --- scband reference (transcript-rebuilt; emitter-appended) ---
"""Pipeline reference for scband-hetero-sageconv-16767552323880 (READ-ONLY COPY).

The authoritative reference and input builder live on the scoring server;
editing this copy changes nothing except your own understanding.
"""

import jax, jax.numpy as jnp
import numpy as np

N = 10000
E = 320000
D_IN = 128
D_OUT = 128

def setup_inputs(seed: int = 0):
    key = jax.random.key(seed)
    k1, k2, k3, k4 = jax.random.split(key, 4)
    x = jax.random.normal(k1, (N, D_IN), dtype=jnp.float32)
    edge_index = jax.random.randint(k2, (2, E), 0, N, dtype=jnp.int32)
    s = float(np.sqrt(6.0 / (D_IN + D_OUT)))  # glorot uniform
    W_source = jax.random.uniform(k3, (D_IN, D_OUT), minval=-s, maxval=s, dtype=jnp.float32)
    W_target = jax.random.uniform(k4, (D_IN, D_OUT), minval=-s, maxval=s, dtype=jnp.float32)
    return {"x": x, "edge_index": edge_index, "W_source": W_source, "W_target": W_target}


def reference(x, edge_index, W_source, W_target):
    # Single edge type ('node','to','node'); div['node'] == 1; dropout inactive (eval mode).
    source_x = x @ W_source            # linear '__source' (no bias)
    target_x = x @ W_target            # linear '__target' (no bias)
    src = edge_index[0].reshape(-1)
    dst = edge_index[1].reshape(-1)
    msgs = source_x[src]               # gather over edges
    sums = jax.ops.segment_sum(msgs, dst, num_segments=N)
    counts = jax.ops.segment_sum(jnp.ones((E,), dtype=jnp.float32), dst, num_segments=N)
    mean = sums / jnp.maximum(counts, 1.0)[:, None]   # scatter reduce='mean' into zeros
    out = target_x + mean
    out = jax.nn.relu(out / 1.0)       # (v / div).relu() with div=1
    out = jax.nn.relu(out)             # ReLU flag is True
    return out

if __name__ == "__main__":
    import jax
    _d = setup_inputs()
    print(jax.jit(kernel)(*tuple(_d.values())))

</pallas_src>

<mosaic_0001>
#map = affine_map<(d0, d1) -> (0, 0)>
#map1 = affine_map<(d0, d1) -> (0, 0, 0)>
module attributes {stable_mosaic.version = 14 : i64} {
  func.func @_sc_body(%arg0: i32, %arg1: i32, %arg2: memref<10240x128xf32, #tpu.memory_space<hbm>>, %arg3: memref<5000x128xi32, #tpu.memory_space<hbm>>, %arg4: memref<2x10240x128xf32, #tpu.memory_space<hbm>>, %arg5: memref<2x10240x16xf32, #tpu.memory_space<hbm>>, %arg6: memref<10240x128xf32, #tpu.memory_space<vmem_shared>>, %arg7: memref<10240x16xf32, #tpu.memory_space<vmem_shared>>, %arg8: memref<128x128xf32, #tpu.memory_space<vmem>>, %arg9: memref<128x128xf32, #tpu.memory_space<vmem>>, %arg10: memref<128xi32, #tpu.memory_space<vmem>>, %arg11: memref<128xi32, #tpu.memory_space<vmem>>, %arg12: memref<128xi32, #tpu.memory_space<vmem>>, %arg13: memref<128xi32, #tpu.memory_space<vmem>>, %arg14: memref<128xi32, #tpu.memory_space<vmem>>, %arg15: memref<128xi32, #tpu.memory_space<vmem>>, %arg16: memref<128xi32, #tpu.memory_space<vmem>>, %arg17: memref<128xi32, #tpu.memory_space<vmem>>, %arg18: memref<128x16xf32, #tpu.memory_space<vmem>>, %arg19: memref<16x16xf32, #tpu.memory_space<vmem>>, %arg20: memref<!tpu.dma_semaphore, #tpu.memory_space<semaphore_mem>>, %arg21: memref<!tpu.dma_semaphore, #tpu.memory_space<semaphore_mem>>, %arg22: memref<!tpu.dma_semaphore, #tpu.memory_space<semaphore_mem>>, %arg23: memref<!tpu.dma_semaphore, #tpu.memory_space<semaphore_mem>>, %arg24: memref<!tpu.dma_semaphore, #tpu.memory_space<semaphore_mem>>, %arg25: memref<!tpu.dma_semaphore, #tpu.memory_space<semaphore_mem>>, %arg26: memref<!tpu.dma_semaphore, #tpu.memory_space<semaphore_mem>>, %arg27: memref<!tpu.dma_semaphore, #tpu.memory_space<semaphore_mem>>, %arg28: memref<!tpu.dma_semaphore, #tpu.memory_space<semaphore_mem>>) attributes {dimension_semantics = [#tpu.dimension_semantics<core_parallel>, #tpu.dimension_semantics<subcore_parallel>], iteration_bounds = array<i64: 2, 16>, scalar_prefetch = 0 : i64, scratch_operands = 23 : i64, tpu.core_type = #tpu.core_type<sc_vector_subcore>, window_params = [{transform_indices = #map}, {transform_indices = #map}, {transform_indices = #map1}, {transform_indices = #map1}]} {
    %mul3A = arith.constant 16 : i32
    %mul3A_0 = arith.muli %arg0, %mul3A : i32
    %add3A = arith.addi %mul3A_0, %arg1 : i32
    %broadcast_in_dim3A = arith.constant 0.000000e+00 : f32
    %broadcast_in_dim3A_1 = vector.broadcast %broadcast_in_dim3A : f32 to vector<16xf32>
    %iota3A = tpu.iota {dimensions = array<i32: 0>} : vector<16xi32>
    %eq3A = arith.constant 0 : i32
    %eq3A_2 = vector.broadcast %eq3A : i32 to vector<16xi32>
    %eq3A_3 = arith.cmpi eq, %iota3A, %eq3A_2 : vector<16xi32>
    %jit3A = arith.constant 1.000000e+00 : f32
    %jit3A_4 = arith.constant 0.000000e+00 : f32
    %broadcast_in_dim3A_5 = vector.broadcast %jit3A : f32 to vector<16xf32>
    %broadcast_in_dim3A_6 = vector.broadcast %jit3A_4 : f32 to vector<16xf32>
    %select_n3A = arith.select %eq3A_3, %broadcast_in_dim3A_5, %broadcast_in_dim3A_6 : vector<16xi1>, vector<16xf32>
    %scan3A = arith.constant 0 : i32
    %scan3A_7 = arith.constant 0 : i32
    %scan3A_8 = arith.constant 80 : i32
    %scan3A_9 = arith.addi %scan3A_7, %scan3A_8 : i32
    %scan3A_10 = arith.constant 1 : i32
    scf.for %scan3A_395 = %scan3A_7 to %scan3A_9 step %scan3A_10  : i32 {
      %swap3A = arith.index_cast %scan3A_395 : i32 to index
      %swap3A_396 = arith.constant 0 : index
      %swap3A_397 = tpu.vector_load %arg8[%swap3A, %swap3A_396] {strides = array<i32>} : memref<128x128xf32, #tpu.memory_space<vmem>>, vector<1x16xf32>,
      %swap3A_398 = vector.shape_cast %swap3A_397 : vector<1x16xf32> to vector<16xf32>
      %swap3A_399 = vector.shape_cast %broadcast_in_dim3A_1 : vector<16xf32> to vector<1x16xf32>
      tpu.vector_store %arg8[%swap3A, %swap3A_396], %swap3A_399 {strides = array<i32>} : memref<128x128xf32, #tpu.memory_space<vmem>>, vector<1x16xf32>,
      %swap3A_400 = arith.index_cast %scan3A_395 : i32 to index
      %swap3A_401 = arith.constant 16 : index
      %swap3A_402 = tpu.vector_load %arg8[%swap3A_400, %swap3A_401] {strides = array<i32>} : memref<128x128xf32, #tpu.memory_space<vmem>>, vector<1x16xf32>,
      %swap3A_403 = vector.shape_cast %swap3A_402 : vector<1x16xf32> to vector<16xf32>
      %swap3A_404 = vector.shape_cast %broadcast_in_dim3A_1 : vector<16xf32> to vector<1x16xf32>
      tpu.vector_store %arg8[%swap3A_400, %swap3A_401], %swap3A_404 {strides = array<i32>} : memref<128x128xf32, #tpu.memory_space<vmem>>, vector<1x16xf32>,
      %swap3A_405 = arith.index_cast %scan3A_395 : i32 to index
      %swap3A_406 = arith.constant 32 : index
      %swap3A_407 = tpu.vector_load %arg8[%swap3A_405, %swap3A_406] {strides = array<i32>} : memref<128x128xf32, #tpu.memory_space<vmem>>, vector<1x16xf32>,
      %swap3A_408 = vector.shape_cast %swap3A_407 : vector<1x16xf32> to vector<16xf32>
      %swap3A_409 = vector.shape_cast %broadcast_in_dim3A_1 : vector<16xf32> to vector<1x16xf32>
      tpu.vector_store %arg8[%swap3A_405, %swap3A_406], %swap3A_409 {strides = array<i32>} : memref<128x128xf32, #tpu.memory_space<vmem>>, vector<1x16xf32>,
      %swap3A_410 = arith.index_cast %scan3A_395 : i32 to index
      %swap3A_411 = arith.constant 48 : index
      %swap3A_412 = tpu.vector_load %arg8[%swap3A_410, %swap3A_411] {strides = array<i32>} : memref<128x128xf32, #tpu.memory_space<vmem>>, vector<1x16xf32>,
      %swap3A_413 = vector.shape_cast %swap3A_412 : vector<1x16xf32> to vector<16xf32>
      %swap3A_414 = vector.shape_cast %broadcast_in_dim3A_1 : vector<16xf32> to vector<1x16xf32>
      tpu.vector_store %arg8[%swap3A_410, %swap3A_411], %swap3A_414 {strides = array<i32>} : memref<128x128xf32, #tpu.memory_space<vmem>>, vector<1x16xf32>,
      %swap3A_415 = arith.index_cast %scan3A_395 : i32 to index
      %swap3A_416 = arith.constant 64 : index
      %swap3A_417 = tpu.vector_load %arg8[%swap3A_415, %swap3A_416] {strides = array<i32>} : memref<128x128xf32, #tpu.memory_space<vmem>>, vector<1x16xf32>,
      %swap3A_418 = vector.shape_cast %swap3A_417 : vector<1x16xf32> to vector<16xf32>
      %swap3A_419 = vector.shape_cast %broadcast_in_dim3A_1 : vector<16xf32> to vector<1x16xf32>
      tpu.vector_store %arg8[%swap3A_415, %swap3A_416], %swap3A_419 {strides = array<i32>} : memref<128x128xf32, #tpu.memory_space<vmem>>, vector<1x16xf32>,
      %swap3A_420 = arith.index_cast %scan3A_395 : i32 to index
      %swap3A_421 = arith.constant 80 : index
      %swap3A_422 = tpu.vector_load %arg8[%swap3A_420, %swap3A_421] {strides = array<i32>} : memref<128x128xf32, #tpu.memory_space<vmem>>, vector<1x16xf32>,
      %swap3A_423 = vector.shape_cast %swap3A_422 : vector<1x16xf32> to vector<16xf32>
      %swap3A_424 = vector.shape_cast %broadcast_in_dim3A_1 : vector<16xf32> to vector<1x16xf32>
      tpu.vector_store %arg8[%swap3A_420, %swap3A_421], %swap3A_424 {strides = array<i32>} : memref<128x128xf32, #tpu.memory_space<vmem>>, vector<1x16xf32>,
      %swap3A_425 = arith.index_cast %scan3A_395 : i32 to index
      %swap3A_426 = arith.constant 96 : index
      %swap3A_427 = tpu.vector_load %arg8[%swap3A_425, %swap3A_426] {strides = array<i32>} : memref<128x128xf32, #tpu.memory_space<vmem>>, vector<1x16xf32>,
      %swap3A_428 = vector.shape_cast %swap3A_427 : vector<1x16xf32> to vector<16xf32>
      %swap3A_429 = vector.shape_cast %broadcast_in_dim3A_1 : vector<16xf32> to vector<1x16xf32>
      tpu.vector_store %arg8[%swap3A_425, %swap3A_426], %swap3A_429 {strides = array<i32>} : memref<128x128xf32, #tpu.memory_space<vmem>>, vector<1x16xf32>,
      %swap3A_430 = arith.index_cast %scan3A_395 : i32 to index
      %swap3A_431 = arith.constant 112 : index
      %swap3A_432 = tpu.vector_load %arg8[%swap3A_430, %swap3A_431] {strides = array<i32>} : memref<128x128xf32, #tpu.memory_space<vmem>>, vector<1x16xf32>,
      %swap3A_433 = vector.shape_cast %swap3A_432 : vector<1x16xf32> to vector<16xf32>
      %swap3A_434 = vector.shape_cast %broadcast_in_dim3A_1 : vector<16xf32> to vector<1x16xf32>
      tpu.vector_store %arg8[%swap3A_430, %swap3A_431], %swap3A_434 {strides = array<i32>} : memref<128x128xf32, #tpu.memory_space<vmem>>, vector<1x16xf32>,
      %swap3A_435 = arith.index_cast %scan3A_395 : i32 to index
      %swap3A_436 = arith.constant 0 : index
      %swap3A_437 = tpu.vector_load %arg18[%swap3A_435, %swap3A_436] {strides = array<i32>} : memref<128x16xf32, #tpu.memory_space<vmem>>, vector<1x16xf32>,
      %swap3A_438 = vector.shape_cast %swap3A_437 : vector<1x16xf32> to vector<16xf32>
      %swap3A_439 = vector.shape_cast %select_n3A : vector<16xf32> to vector<1x16xf32>
      tpu.vector_store %arg18[%swap3A_435, %swap3A_436], %swap3A_439 {strides = array<i32>} : memref<128x16xf32, #tpu.memory_space<vmem>>, vector<1x16xf32>,
    }
    %scan3A_11 = arith.constant 80 : i32
    %scan3A_12 = arith.constant 0 : i32
    %scan3A_13 = arith.constant 0 : i32
    %scan3A_14 = arith.constant 16 : i32
    %scan3A_15 = arith.addi %scan3A_13, %scan3A_14 : i32
    %scan3A_16 = arith.constant 1 : i32
    scf.for %scan3A_395 = %scan3A_13 to %scan3A_15 step %scan3A_16  : i32 {
      %swap3A = arith.index_cast %scan3A_395 : i32 to index
      %swap3A_396 = arith.constant 0 : index
      %swap3A_397 = tpu.vector_load %arg19[%swap3A, %swap3A_396] {strides = array<i32>} : memref<16x16xf32, #tpu.memory_space<vmem>>, vector<1x16xf32>,
      %swap3A_398 = vector.shape_cast %swap3A_397 : vector<1x16xf32> to vector<16xf32>
      %swap3A_399 = vector.shape_cast %broadcast_in_dim3A_1 : vector<16xf32> to vector<1x16xf32>
      tpu.vector_store %arg19[%swap3A, %swap3A_396], %swap3A_399 {strides = array<i32>} : memref<16x16xf32, #tpu.memory_space<vmem>>, vector<1x16xf32>,
    }
    %scan3A_17 = arith.constant 16 : i32
    %scan3A_18 = arith.constant 0 : i32
    %scan3A_19 = arith.constant 80 : i32
    %scan3A_20 = arith.constant 48 : i32
    %scan3A_21 = arith.addi %scan3A_19, %scan3A_20 : i32
    %scan3A_22 = arith.constant 1 : i32
    scf.for %scan3A_395 = %scan3A_19 to %scan3A_21 step %scan3A_22  : i32 {
      %swap3A = arith.index_cast %scan3A_395 : i32 to index
      %swap3A_396 = arith.constant 0 : index
      %swap3A_397 = tpu.vector_load %arg18[%swap3A, %swap3A_396] {strides = array<i32>} : memref<128x16xf32, #tpu.memory_space<vmem>>, vector<1x16xf32>,
      %swap3A_398 = vector.shape_cast %swap3A_397 : vector<1x16xf32> to vector<16xf32>
      %swap3A_399 = vector.shape_cast %select_n3A : vector<16xf32> to vector<1x16xf32>
      tpu.vector_store %arg18[%swap3A, %swap3A_396], %swap3A_399 {strides = array<i32>} : memref<128x16xf32, #tpu.memory_space<vmem>>, vector<1x16xf32>,
    }
    %scan3A_23 = arith.constant 48 : i32
    %mul3A_24 = arith.constant 640 : i32
    %mul3A_25 = arith.muli %arg1, %mul3A_24 : i32
    %add3A_26 = arith.constant 0 : i32
    %add3A_27 = arith.addi %mul3A_25, %add3A_26 : i32
    "tpu.region"() ({
      %run_scoped3A = tpu.sem_alloc : memref<!tpu.dma_semaphore, #tpu.memory_space<semaphore_mem>>
      %dma_start3A_395 = arith.constant 0 : i32
      %dma_start3A_396 = arith.constant 0 : i32
      %dma_start3A_397 = tpu.memref_slice %arg8[%dma_start3A_395, %dma_start3A_396] : memref<128x128xf32, #tpu.memory_space<vmem>> -> memref<80x128xf32, #tpu.memory_space<vmem>>
      %dma_start3A_398 = arith.constant 0 : i32
      %dma_start3A_399 = tpu.memref_slice %arg6[%add3A_27, %dma_start3A_398] : memref<10240x128xf32, #tpu.memory_space<vmem_shared>> -> memref<80x128xf32, #tpu.memory_space<vmem_shared>>
      %dma_start3A_400 = arith.constant 0 : i32
      %dma_start3A_401 = tpu.memref_slice %arg6[%add3A_27, %dma_start3A_400] : memref<10240x128xf32, #tpu.memory_space<vmem_shared>> -> memref<80x128xf32, #tpu.memory_space<vmem_shared>>
      %dma_start3A_402 = arith.constant 0 : i32
      %dma_start3A_403 = arith.constant 0 : i32
      %dma_start3A_404 = tpu.memref_slice %arg8[%dma_start3A_402, %dma_start3A_403] : memref<128x128xf32, #tpu.memory_space<vmem>> -> memref<80x128xf32, #tpu.memory_space<vmem>>
      tpu.enqueue_dma source(%dma_start3A_404 : memref<80x128xf32, #tpu.memory_space<vmem>>) target(%dma_start3A_401 : memref<80x128xf32, #tpu.memory_space<vmem_shared>>) target_semaphore(%run_scoped3A : memref<!tpu.dma_semaphore, #tpu.memory_space<semaphore_mem>>)
      %dma_wait3A_405 = arith.constant 0 : i32
      %dma_wait3A_406 = arith.constant 0 : i32
      %dma_wait3A_407 = tpu.memref_slice %arg8[%dma_wait3A_405, %dma_wait3A_406] : memref<128x128xf32, #tpu.memory_space<vmem>> -> memref<80x128xf32, #tpu.memory_space<vmem>>
      %dma_wait3A_408 = arith.constant 0 : i32
      %dma_wait3A_409 = tpu.memref_slice %arg6[%add3A_27, %dma_wait3A_408] : memref<10240x128xf32, #tpu.memory_space<vmem_shared>> -> memref<80x128xf32, #tpu.memory_space<vmem_shared>>
      %dma_wait3A_410 = arith.constant 0 : i32
      %dma_wait3A_411 = tpu.memref_slice %arg6[%add3A_27, %dma_wait3A_410] : memref<10240x128xf32, #tpu.memory_space<vmem_shared>> -> memref<80x128xf32, #tpu.memory_space<vmem_shared>>
      %dma_wait3A_412 = arith.constant 0 : i32
      %dma_wait3A_413 = arith.constant 0 : i32
      %dma_wait3A_414 = tpu.memref_slice %arg8[%dma_wait3A_412, %dma_wait3A_413] : memref<128x128xf32, #tpu.memory_space<vmem>> -> memref<80x128xf32, #tpu.memory_space<vmem>>
      tpu.wait_dma2 semaphore(%run_scoped3A : memref<!tpu.dma_semaphore, #tpu.memory_space<semaphore_mem>>) src(%dma_wait3A_414 : memref<80x128xf32, #tpu.memory_space<vmem>>) dst(%dma_wait3A_411 : memref<80x128xf32, #tpu.memory_space<vmem_shared>>)
      tpu.yield
    }) : () -> ()
    %mul3A_28 = arith.constant 640 : i32
    %mul3A_29 = arith.muli %arg1, %mul3A_28 : i32
    %add3A_30 = arith.constant 80 : i32
    %add3A_31 = arith.addi %mul3A_29, %add3A_30 : i32
    "tpu.region"() ({
      %run_scoped3A = tpu.sem_alloc : memref<!tpu.dma_semaphore, #tpu.memory_space<semaphore_mem>>
      %dma_start3A_395 = arith.constant 0 : i32
      %dma_start3A_396 = arith.constant 0 : i32
      %dma_start3A_397 = tpu.memref_slice %arg8[%dma_start3A_395, %dma_start3A_396] : memref<128x128xf32, #tpu.memory_space<vmem>> -> memref<80x128xf32, #tpu.memory_space<vmem>>
      %dma_start3A_398 = arith.constant 0 : i32
      %dma_start3A_399 = tpu.memref_slice %arg6[%add3A_31, %dma_start3A_398] : memref<10240x128xf32, #tpu.memory_space<vmem_shared>> -> memref<80x128xf32, #tpu.memory_space<vmem_shared>>
      %dma_start3A_400 = arith.constant 0 : i32
      %dma_start3A_401 = tpu.memref_slice %arg6[%add3A_31, %dma_start3A_400] : memref<10240x128xf32, #tpu.memory_space<vmem_shared>> -> memref<80x128xf32, #tpu.memory_space<vmem_shared>>
      %dma_start3A_402 = arith.constant 0 : i32
      %dma_start3A_403 = arith.constant 0 : i32
      %dma_start3A_404 = tpu.memref_slice %arg8[%dma_start3A_402, %dma_start3A_403] : memref<128x128xf32, #tpu.memory_space<vmem>> -> memref<80x128xf32, #tpu.memory_space<vmem>>
      tpu.enqueue_dma source(%dma_start3A_404 : memref<80x128xf32, #tpu.memory_space<vmem>>) target(%dma_start3A_401 : memref<80x128xf32, #tpu.memory_space<vmem_shared>>) target_semaphore(%run_scoped3A : memref<!tpu.dma_semaphore, #tpu.memory_space<semaphore_mem>>)
      %dma_wait3A_405 = arith.constant 0 : i32
      %dma_wait3A_406 = arith.constant 0 : i32
      %dma_wait3A_407 = tpu.memref_slice %arg8[%dma_wait3A_405, %dma_wait3A_406] : memref<128x128xf32, #tpu.memory_space<vmem>> -> memref<80x128xf32, #tpu.memory_space<vmem>>
      %dma_wait3A_408 = arith.constant 0 : i32
      %dma_wait3A_409 = tpu.memref_slice %arg6[%add3A_31, %dma_wait3A_408] : memref<10240x128xf32, #tpu.memory_space<vmem_shared>> -> memref<80x128xf32, #tpu.memory_space<vmem_shared>>
      %dma_wait3A_410 = arith.constant 0 : i32
      %dma_wait3A_411 = tpu.memref_slice %arg6[%add3A_31, %dma_wait3A_410] : memref<10240x128xf32, #tpu.memory_space<vmem_shared>> -> memref<80x128xf32, #tpu.memory_space<vmem_shared>>
      %dma_wait3A_412 = arith.constant 0 : i32
      %dma_wait3A_413 = arith.constant 0 : i32
      %dma_wait3A_414 = tpu.memref_slice %arg8[%dma_wait3A_412, %dma_wait3A_413] : memref<128x128xf32, #tpu.memory_space<vmem>> -> memref<80x128xf32, #tpu.memory_space<vmem>>
      tpu.wait_dma2 semaphore(%run_scoped3A : memref<!tpu.dma_semaphore, #tpu.memory_space<semaphore_mem>>) src(%dma_wait3A_414 : memref<80x128xf32, #tpu.memory_space<vmem>>) dst(%dma_wait3A_411 : memref<80x128xf32, #tpu.memory_space<vmem_shared>>)
      tpu.yield
    }) : () -> ()
    %mul3A_32 = arith.constant 640 : i32
    %mul3A_33 = arith.muli %arg1, %mul3A_32 : i32
    %add3A_34 = arith.constant 160 : i32
    %add3A_35 = arith.addi %mul3A_33, %add3A_34 : i32
    "tpu.region"() ({
      %run_scoped3A = tpu.sem_alloc : memref<!tpu.dma_semaphore, #tpu.memory_space<semaphore_mem>>
      %dma_start3A_395 = arith.constant 0 : i32
      %dma_start3A_396 = arith.constant 0 : i32
      %dma_start3A_397 = tpu.memref_slice %arg8[%dma_start3A_395, %dma_start3A_396] : memref<128x128xf32, #tpu.memory_space<vmem>> -> memref<80x128xf32, #tpu.memory_space<vmem>>
      %dma_start3A_398 = arith.constant 0 : i32
      %dma_start3A_399 = tpu.memref_slice %arg6[%add3A_35, %dma_start3A_398] : memref<10240x128xf32, #tpu.memory_space<vmem_shared>> -> memref<80x128xf32, #tpu.memory_space<vmem_shared>>
      %dma_start3A_400 = arith.constant 0 : i32
      %dma_start3A_401 = tpu.memref_slice %arg6[%add3A_35, %dma_start3A_400] : memref<10240x128xf32, #tpu.memory_space<vmem_shared>> -> memref<80x128xf32, #tpu.memory_space<vmem_shared>>
      %dma_start3A_402 = arith.constant 0 : i32
      %dma_start3A_403 = arith.constant 0 : i32
      %dma_start3A_404 = tpu.memref_slice %arg8[%dma_start3A_402, %dma_start3A_403] : memref<128x128xf32, #tpu.memory_space<vmem>> -> memref<80x128xf32, #tpu.memory_space<vmem>>
      tpu.enqueue_dma source(%dma_start3A_404 : memref<80x128xf32, #tpu.memory_space<vmem>>) target(%dma_start3A_401 : memref<80x128xf32, #tpu.memory_space<vmem_shared>>) target_semaphore(%run_scoped3A : memref<!tpu.dma_semaphore, #tpu.memory_space<semaphore_mem>>)
      %dma_wait3A_405 = arith.constant 0 : i32
      %dma_wait3A_406 = arith.constant 0 : i32
      %dma_wait3A_407 = tpu.memref_slice %arg8[%dma_wait3A_405, %dma_wait3A_406] : memref<128x128xf32, #tpu.memory_space<vmem>> -> memref<80x128xf32, #tpu.memory_space<vmem>>
      %dma_wait3A_408 = arith.constant 0 : i32
      %dma_wait3A_409 = tpu.memref_slice %arg6[%add3A_35, %dma_wait3A_408] : memref<10240x128xf32, #tpu.memory_space<vmem_shared>> -> memref<80x128xf32, #tpu.memory_space<vmem_shared>>
      %dma_wait3A_410 = arith.constant 0 : i32
      %dma_wait3A_411 = tpu.memref_slice %arg6[%add3A_35, %dma_wait3A_410] : memref<10240x128xf32, #tpu.memory_space<vmem_shared>> -> memref<80x128xf32, #tpu.memory_space<vmem_shared>>
      %dma_wait3A_412 = arith.constant 0 : i32
      %dma_wait3A_413 = arith.constant 0 : i32
      %dma_wait3A_414 = tpu.memref_slice %arg8[%dma_wait3A_412, %dma_wait3A_413] : memref<128x128xf32, #tpu.memory_space<vmem>> -> memref<80x128xf32, #tpu.memory_space<vmem>>
      tpu.wait_dma2 semaphore(%run_scoped3A : memref<!tpu.dma_semaphore, #tpu.memory_space<semaphore_mem>>) src(%dma_wait3A_414 : memref<80x128xf32, #tpu.memory_space<vmem>>) dst(%dma_wait3A_411 : memref<80x128xf32, #tpu.memory_space<vmem_shared>>)
      tpu.yield
    }) : () -> ()
    %mul3A_36 = arith.constant 640 : i32
    %mul3A_37 = arith.muli %arg1, %mul3A_36 : i32
    %add3A_38 = arith.constant 240 : i32
    %add3A_39 = arith.addi %mul3A_37, %add3A_38 : i32
    "tpu.region"() ({
      %run_scoped3A = tpu.sem_alloc : memref<!tpu.dma_semaphore, #tpu.memory_space<semaphore_mem>>
      %dma_start3A_395 = arith.constant 0 : i32
      %dma_start3A_396 = arith.constant 0 : i32
      %dma_start3A_397 = tpu.memref_slice %arg8[%dma_start3A_395, %dma_start3A_396] : memref<128x128xf32, #tpu.memory_space<vmem>> -> memref<80x128xf32, #tpu.memory_space<vmem>>
      %dma_start3A_398 = arith.constant 0 : i32
      %dma_start3A_399 = tpu.memref_slice %arg6[%add3A_39, %dma_start3A_398] : memref<10240x128xf32, #tpu.memory_space<vmem_shared>> -> memref<80x128xf32, #tpu.memory_space<vmem_shared>>
      %dma_start3A_400 = arith.constant 0 : i32
      %dma_start3A_401 = tpu.memref_slice %arg6[%add3A_39, %dma_start3A_400] : memref<10240x128xf32, #tpu.memory_space<vmem_shared>> -> memref<80x128xf32, #tpu.memory_space<vmem_shared>>
      %dma_start3A_402 = arith.constant 0 : i32
      %dma_start3A_403 = arith.constant 0 : i32
      %dma_start3A_404 = tpu.memref_slice %arg8[%dma_start3A_402, %dma_start3A_403] : memref<128x128xf32, #tpu.memory_space<vmem>> -> memref<80x128xf32, #tpu.memory_space<vmem>>
      tpu.enqueue_dma source(%dma_start3A_404 : memref<80x128xf32, #tpu.memory_space<vmem>>) target(%dma_start3A_401 : memref<80x128xf32, #tpu.memory_space<vmem_shared>>) target_semaphore(%run_scoped3A : memref<!tpu.dma_semaphore, #tpu.memory_space<semaphore_mem>>)
      %dma_wait3A_405 = arith.constant 0 : i32
      %dma_wait3A_406 = arith.constant 0 : i32
      %dma_wait3A_407 = tpu.memref_slice %arg8[%dma_wait3A_405, %dma_wait3A_406] : memref<128x128xf32, #tpu.memory_space<vmem>> -> memref<80x128xf32, #tpu.memory_space<vmem>>
      %dma_wait3A_408 = arith.constant 0 : i32
      %dma_wait3A_409 = tpu.memref_slice %arg6[%add3A_39, %dma_wait3A_408] : memref<10240x128xf32, #tpu.memory_space<vmem_shared>> -> memref<80x128xf32, #tpu.memory_space<vmem_shared>>
      %dma_wait3A_410 = arith.constant 0 : i32
      %dma_wait3A_411 = tpu.memref_slice %arg6[%add3A_39, %dma_wait3A_410] : memref<10240x128xf32, #tpu.memory_space<vmem_shared>> -> memref<80x128xf32, #tpu.memory_space<vmem_shared>>
      %dma_wait3A_412 = arith.constant 0 : i32
      %dma_wait3A_413 = arith.constant 0 : i32
      %dma_wait3A_414 = tpu.memref_slice %arg8[%dma_wait3A_412, %dma_wait3A_413] : memref<128x128xf32, #tpu.memory_space<vmem>> -> memref<80x128xf32, #tpu.memory_space<vmem>>
      tpu.wait_dma2 semaphore(%run_scoped3A : memref<!tpu.dma_semaphore, #tpu.memory_space<semaphore_mem>>) src(%dma_wait3A_414 : memref<80x128xf32, #tpu.memory_space<vmem>>) dst(%dma_wait3A_411 : memref<80x128xf32, #tpu.memory_space<vmem_shared>>)
      tpu.yield
    }) : () -> ()
    %mul3A_40 = arith.constant 640 : i32
    %mul3A_41 = arith.muli %arg1, %mul3A_40 : i32
    %add3A_42 = arith.constant 320 : i32
    %add3A_43 = arith.addi %mul3A_41, %add3A_42 : i32
    "tpu.region"() ({
      %run_scoped3A = tpu.sem_alloc : memref<!tpu.dma_semaphore, #tpu.memory_space<semaphore_mem>>
      %dma_start3A_395 = arith.constant 0 : i32
      %dma_start3A_396 = arith.constant 0 : i32
      %dma_start3A_397 = tpu.memref_slice %arg8[%dma_start3A_395, %dma_start3A_396] : memref<128x128xf32, #tpu.memory_space<vmem>> -> memref<80x128xf32, #tpu.memory_space<vmem>>
      %dma_start3A_398 = arith.constant 0 : i32
      %dma_start3A_399 = tpu.memref_slice %arg6[%add3A_43, %dma_start3A_398] : memref<10240x128xf32, #tpu.memory_space<vmem_shared>> -> memref<80x128xf32, #tpu.memory_space<vmem_shared>>
      %dma_start3A_400 = arith.constant 0 : i32
      %dma_start3A_401 = tpu.memref_slice %arg6[%add3A_43, %dma_start3A_400] : memref<10240x128xf32, #tpu.memory_space<vmem_shared>> -> memref<80x128xf32, #tpu.memory_space<vmem_shared>>
      %dma_start3A_402 = arith.constant 0 : i32
      %dma_start3A_403 = arith.constant 0 : i32
      %dma_start3A_404 = tpu.memref_slice %arg8[%dma_start3A_402, %dma_start3A_403] : memref<128x128xf32, #tpu.memory_space<vmem>> -> memref<80x128xf32, #tpu.memory_space<vmem>>
      tpu.enqueue_dma source(%dma_start3A_404 : memref<80x128xf32, #tpu.memory_space<vmem>>) target(%dma_start3A_401 : memref<80x128xf32, #tpu.memory_space<vmem_shared>>) target_semaphore(%run_scoped3A : memref<!tpu.dma_semaphore, #tpu.memory_space<semaphore_mem>>)
      %dma_wait3A_405 = arith.constant 0 : i32
      %dma_wait3A_406 = arith.constant 0 : i32
      %dma_wait3A_407 = tpu.memref_slice %arg8[%dma_wait3A_405, %dma_wait3A_406] : memref<128x128xf32, #tpu.memory_space<vmem>> -> memref<80x128xf32, #tpu.memory_space<vmem>>
      %dma_wait3A_408 = arith.constant 0 : i32
      %dma_wait3A_409 = tpu.memref_slice %arg6[%add3A_43, %dma_wait3A_408] : memref<10240x128xf32, #tpu.memory_space<vmem_shared>> -> memref<80x128xf32, #tpu.memory_space<vmem_shared>>
      %dma_wait3A_410 = arith.constant 0 : i32
      %dma_wait3A_411 = tpu.memref_slice %arg6[%add3A_43, %dma_wait3A_410] : memref<10240x128xf32, #tpu.memory_space<vmem_shared>> -> memref<80x128xf32, #tpu.memory_space<vmem_shared>>
      %dma_wait3A_412 = arith.constant 0 : i32
      %dma_wait3A_413 = arith.constant 0 : i32
      %dma_wait3A_414 = tpu.memref_slice %arg8[%dma_wait3A_412, %dma_wait3A_413] : memref<128x128xf32, #tpu.memory_space<vmem>> -> memref<80x128xf32, #tpu.memory_space<vmem>>
      tpu.wait_dma2 semaphore(%run_scoped3A : memref<!tpu.dma_semaphore, #tpu.memory_space<semaphore_mem>>) src(%dma_wait3A_414 : memref<80x128xf32, #tpu.memory_space<vmem>>) dst(%dma_wait3A_411 : memref<80x128xf32, #tpu.memory_space<vmem_shared>>)
      tpu.yield
    }) : () -> ()
    %mul3A_44 = arith.constant 640 : i32
    %mul3A_45 = arith.muli %arg1, %mul3A_44 : i32
    %add3A_46 = arith.constant 400 : i32
    %add3A_47 = arith.addi %mul3A_45, %add3A_46 : i32
    "tpu.region"() ({
      %run_scoped3A = tpu.sem_alloc : memref<!tpu.dma_semaphore, #tpu.memory_space<semaphore_mem>>
      %dma_start3A_395 = arith.constant 0 : i32
      %dma_start3A_396 = arith.constant 0 : i32
      %dma_start3A_397 = tpu.memref_slice %arg8[%dma_start3A_395, %dma_start3A_396] : memref<128x128xf32, #tpu.memory_space<vmem>> -> memref<80x128xf32, #tpu.memory_space<vmem>>
      %dma_start3A_398 = arith.constant 0 : i32
      %dma_start3A_399 = tpu.memref_slice %arg6[%add3A_47, %dma_start3A_398] : memref<10240x128xf32, #tpu.memory_space<vmem_shared>> -> memref<80x128xf32, #tpu.memory_space<vmem_shared>>
      %dma_start3A_400 = arith.constant 0 : i32
      %dma_start3A_401 = tpu.memref_slice %arg6[%add3A_47, %dma_start3A_400] : memref<10240x128xf32, #tpu.memory_space<vmem_shared>> -> memref<80x128xf32, #tpu.memory_space<vmem_shared>>
      %dma_start3A_402 = arith.constant 0 : i32
      %dma_start3A_403 = arith.constant 0 : i32
      %dma_start3A_404 = tpu.memref_slice %arg8[%dma_start3A_402, %dma_start3A_403] : memref<128x128xf32, #tpu.memory_space<vmem>> -> memref<80x128xf32, #tpu.memory_space<vmem>>
      tpu.enqueue_dma source(%dma_start3A_404 : memref<80x128xf32, #tpu.memory_space<vmem>>) target(%dma_start3A_401 : memref<80x128xf32, #tpu.memory_space<vmem_shared>>) target_semaphore(%run_scoped3A : memref<!tpu.dma_semaphore, #tpu.memory_space<semaphore_mem>>)
      %dma_wait3A_405 = arith.constant 0 : i32
      %dma_wait3A_406 = arith.constant 0 : i32
      %dma_wait3A_407 = tpu.memref_slice %arg8[%dma_wait3A_405, %dma_wait3A_406] : memref<128x128xf32, #tpu.memory_space<vmem>> -> memref<80x128xf32, #tpu.memory_space<vmem>>
      %dma_wait3A_408 = arith.constant 0 : i32
      %dma_wait3A_409 = tpu.memref_slice %arg6[%add3A_47, %dma_wait3A_408] : memref<10240x128xf32, #tpu.memory_space<vmem_shared>> -> memref<80x128xf32, #tpu.memory_space<vmem_shared>>
      %dma_wait3A_410 = arith.constant 0 : i32
      %dma_wait3A_411 = tpu.memref_slice %arg6[%add3A_47, %dma_wait3A_410] : memref<10240x128xf32, #tpu.memory_space<vmem_shared>> -> memref<80x128xf32, #tpu.memory_space<vmem_shared>>
      %dma_wait3A_412 = arith.constant 0 : i32
      %dma_wait3A_413 = arith.constant 0 : i32
      %dma_wait3A_414 = tpu.memref_slice %arg8[%dma_wait3A_412, %dma_wait3A_413] : memref<128x128xf32, #tpu.memory_space<vmem>> -> memref<80x128xf32, #tpu.memory_space<vmem>>
      tpu.wait_dma2 semaphore(%run_scoped3A : memref<!tpu.dma_semaphore, #tpu.memory_space<semaphore_mem>>) src(%dma_wait3A_414 : memref<80x128xf32, #tpu.memory_space<vmem>>) dst(%dma_wait3A_411 : memref<80x128xf32, #tpu.memory_space<vmem_shared>>)
      tpu.yield
    }) : () -> ()
    %mul3A_48 = arith.constant 640 : i32
    %mul3A_49 = arith.muli %arg1, %mul3A_48 : i32
    %add3A_50 = arith.constant 480 : i32
    %add3A_51 = arith.addi %mul3A_49, %add3A_50 : i32
    "tpu.region"() ({
      %run_scoped3A = tpu.sem_alloc : memref<!tpu.dma_semaphore, #tpu.memory_space<semaphore_mem>>
      %dma_start3A_395 = arith.constant 0 : i32
      %dma_start3A_396 = arith.constant 0 : i32
      %dma_start3A_397 = tpu.memref_slice %arg8[%dma_start3A_395, %dma_start3A_396] : memref<128x128xf32, #tpu.memory_space<vmem>> -> memref<80x128xf32, #tpu.memory_space<vmem>>
      %dma_start3A_398 = arith.constant 0 : i32
      %dma_start3A_399 = tpu.memref_slice %arg6[%add3A_51, %dma_start3A_398] : memref<10240x128xf32, #tpu.memory_space<vmem_shared>> -> memref<80x128xf32, #tpu.memory_space<vmem_shared>>
      %dma_start3A_400 = arith.constant 0 : i32
      %dma_start3A_401 = tpu.memref_slice %arg6[%add3A_51, %dma_start3A_400] : memref<10240x128xf32, #tpu.memory_space<vmem_shared>> -> memref<80x128xf32, #tpu.memory_space<vmem_shared>>
      %dma_start3A_402 = arith.constant 0 : i32
      %dma_start3A_403 = arith.constant 0 : i32
      %dma_start3A_404 = tpu.memref_slice %arg8[%dma_start3A_402, %dma_start3A_403] : memref<128x128xf32, #tpu.memory_space<vmem>> -> memref<80x128xf32, #tpu.memory_space<vmem>>
      tpu.enqueue_dma source(%dma_start3A_404 : memref<80x128xf32, #tpu.memory_space<vmem>>) target(%dma_start3A_401 : memref<80x128xf32, #tpu.memory_space<vmem_shared>>) target_semaphore(%run_scoped3A : memref<!tpu.dma_semaphore, #tpu.memory_space<semaphore_mem>>)
      %dma_wait3A_405 = arith.constant 0 : i32
      %dma_wait3A_406 = arith.constant 0 : i32
      %dma_wait3A_407 = tpu.memref_slice %arg8[%dma_wait3A_405, %dma_wait3A_406] : memref<128x128xf32, #tpu.memory_space<vmem>> -> memref<80x128xf32, #tpu.memory_space<vmem>>
      %dma_wait3A_408 = arith.constant 0 : i32
      %dma_wait3A_409 = tpu.memref_slice %arg6[%add3A_51, %dma_wait3A_408] : memref<10240x128xf32, #tpu.memory_space<vmem_shared>> -> memref<80x128xf32, #tpu.memory_space<vmem_shared>>
      %dma_wait3A_410 = arith.constant 0 : i32
      %dma_wait3A_411 = tpu.memref_slice %arg6[%add3A_51, %dma_wait3A_410] : memref<10240x128xf32, #tpu.memory_space<vmem_shared>> -> memref<80x128xf32, #tpu.memory_space<vmem_shared>>
      %dma_wait3A_412 = arith.constant 0 : i32
      %dma_wait3A_413 = arith.constant 0 : i32
      %dma_wait3A_414 = tpu.memref_slice %arg8[%dma_wait3A_412, %dma_wait3A_413] : memref<128x128xf32, #tpu.memory_space<vmem>> -> memref<80x128xf32, #tpu.memory_space<vmem>>
      tpu.wait_dma2 semaphore(%run_scoped3A : memref<!tpu.dma_semaphore, #tpu.memory_space<semaphore_mem>>) src(%dma_wait3A_414 : memref<80x128xf32, #tpu.memory_space<vmem>>) dst(%dma_wait3A_411 : memref<80x128xf32, #tpu.memory_space<vmem_shared>>)
      tpu.yield
    }) : () -> ()
    %mul3A_52 = arith.constant 640 : i32
    %mul3A_53 = arith.muli %arg1, %mul3A_52 : i32
    %add3A_54 = arith.constant 560 : i32
    %add3A_55 = arith.addi %mul3A_53, %add3A_54 : i32
    "tpu.region"() ({
      %run_scoped3A = tpu.sem_alloc : memref<!tpu.dma_semaphore, #tpu.memory_space<semaphore_mem>>
      %dma_start3A_395 = arith.constant 0 : i32
      %dma_start3A_396 = arith.constant 0 : i32
      %dma_start3A_397 = tpu.memref_slice %arg8[%dma_start3A_395, %dma_start3A_396] : memref<128x128xf32, #tpu.memory_space<vmem>> -> memref<80x128xf32, #tpu.memory_space<vmem>>
      %dma_start3A_398 = arith.constant 0 : i32
      %dma_start3A_399 = tpu.memref_slice %arg6[%add3A_55, %dma_start3A_398] : memref<10240x128xf32, #tpu.memory_space<vmem_shared>> -> memref<80x128xf32, #tpu.memory_space<vmem_shared>>
      %dma_start3A_400 = arith.constant 0 : i32
      %dma_start3A_401 = tpu.memref_slice %arg6[%add3A_55, %dma_start3A_400] : memref<10240x128xf32, #tpu.memory_space<vmem_shared>> -> memref<80x128xf32, #tpu.memory_space<vmem_shared>>
      %dma_start3A_402 = arith.constant 0 : i32
      %dma_start3A_403 = arith.constant 0 : i32
      %dma_start3A_404 = tpu.memref_slice %arg8[%dma_start3A_402, %dma_start3A_403] : memref<128x128xf32, #tpu.memory_space<vmem>> -> memref<80x128xf32, #tpu.memory_space<vmem>>
      tpu.enqueue_dma source(%dma_start3A_404 : memref<80x128xf32, #tpu.memory_space<vmem>>) target(%dma_start3A_401 : memref<80x128xf32, #tpu.memory_space<vmem_shared>>) target_semaphore(%run_scoped3A : memref<!tpu.dma_semaphore, #tpu.memory_space<semaphore_mem>>)
      %dma_wait3A_405 = arith.constant 0 : i32
      %dma_wait3A_406 = arith.constant 0 : i32
      %dma_wait3A_407 = tpu.memref_slice %arg8[%dma_wait3A_405, %dma_wait3A_406] : memref<128x128xf32, #tpu.memory_space<vmem>> -> memref<80x128xf32, #tpu.memory_space<vmem>>
      %dma_wait3A_408 = arith.constant 0 : i32
      %dma_wait3A_409 = tpu.memref_slice %arg6[%add3A_55, %dma_wait3A_408] : memref<10240x128xf32, #tpu.memory_space<vmem_shared>> -> memref<80x128xf32, #tpu.memory_space<vmem_shared>>
      %dma_wait3A_410 = arith.constant 0 : i32
      %dma_wait3A_411 = tpu.memref_slice %arg6[%add3A_55, %dma_wait3A_410] : memref<10240x128xf32, #tpu.memory_space<vmem_shared>> -> memref<80x128xf32, #tpu.memory_space<vmem_shared>>
      %dma_wait3A_412 = arith.constant 0 : i32
      %dma_wait3A_413 = arith.constant 0 : i32
      %dma_wait3A_414 = tpu.memref_slice %arg8[%dma_wait3A_412, %dma_wait3A_413] : memref<128x128xf32, #tpu.memory_space<vmem>> -> memref<80x128xf32, #tpu.memory_space<vmem>>
      tpu.wait_dma2 semaphore(%run_scoped3A : memref<!tpu.dma_semaphore, #tpu.memory_space<semaphore_mem>>) src(%dma_wait3A_414 : memref<80x128xf32, #tpu.memory_space<vmem>>) dst(%dma_wait3A_411 : memref<80x128xf32, #tpu.memory_space<vmem_shared>>)
      tpu.yield
    }) : () -> ()
    %mul3A_56 = arith.constant 640 : i32
    %mul3A_57 = arith.muli %arg1, %mul3A_56 : i32
    %add3A_58 = arith.constant 0 : i32
    %add3A_59 = arith.addi %mul3A_57, %add3A_58 : i32
    "tpu.region"() ({
      %run_scoped3A = tpu.sem_alloc : memref<!tpu.dma_semaphore, #tpu.memory_space<semaphore_mem>>
      %dma_start3A_395 = arith.constant 0 : i32
      %dma_start3A_396 = tpu.memref_slice %arg7[%add3A_59, %dma_start3A_395] : memref<10240x16xf32, #tpu.memory_space<vmem_shared>> -> memref<16x16xf32, #tpu.memory_space<vmem_shared>>
      %dma_start3A_397 = arith.constant 0 : i32
      %dma_start3A_398 = tpu.memref_slice %arg7[%add3A_59, %dma_start3A_397] : memref<10240x16xf32, #tpu.memory_space<vmem_shared>> -> memref<16x16xf32, #tpu.memory_space<vmem_shared>>
      tpu.enqueue_dma source(%arg19 : memref<16x16xf32, #tpu.memory_space<vmem>>) target(%dma_start3A_398 : memref<16x16xf32, #tpu.memory_space<vmem_shared>>) target_semaphore(%run_scoped3A : memref<!tpu.dma_semaphore, #tpu.memory_space<semaphore_mem>>)
      %dma_wait3A_399 = arith.constant 0 : i32
      %dma_wait3A_400 = tpu.memref_slice %arg7[%add3A_59, %dma_wait3A_399] : memref<10240x16xf32, #tpu.memory_space<vmem_shared>> -> memref<16x16xf32, #tpu.memory_space<vmem_shared>>
      %dma_wait3A_401 = arith.constant 0 : i32
      %dma_wait3A_402 = tpu.memref_slice %arg7[%add3A_59, %dma_wait3A_401] : memref<10240x16xf32, #tpu.memory_space<vmem_shared>> -> memref<16x16xf32, #tpu.memory_space<vmem_shared>>
      tpu.wait_dma2 semaphore(%run_scoped3A : memref<!tpu.dma_semaphore, #tpu.memory_space<semaphore_mem>>) src(%arg19 : memref<16x16xf32, #tpu.memory_space<vmem>>) dst(%dma_wait3A_402 : memref<16x16xf32, #tpu.memory_space<vmem_shared>>)
      tpu.yield
    }) : () -> ()
    %mul3A_60 = arith.constant 640 : i32
    %mul3A_61 = arith.muli %arg1, %mul3A_60 : i32
    %add3A_62 = arith.constant 16 : i32
    %add3A_63 = arith.addi %mul3A_61, %add3A_62 : i32
    "tpu.region"() ({
      %run_scoped3A = tpu.sem_alloc : memref<!tpu.dma_semaphore, #tpu.memory_space<semaphore_mem>>
      %dma_start3A_395 = arith.constant 0 : i32
      %dma_start3A_396 = tpu.memref_slice %arg7[%add3A_63, %dma_start3A_395] : memref<10240x16xf32, #tpu.memory_space<vmem_shared>> -> memref<16x16xf32, #tpu.memory_space<vmem_shared>>
      %dma_start3A_397 = arith.constant 0 : i32
      %dma_start3A_398 = tpu.memref_slice %arg7[%add3A_63, %dma_start3A_397] : memref<10240x16xf32, #tpu.memory_space<vmem_shared>> -> memref<16x16xf32, #tpu.memory_space<vmem_shared>>
      tpu.enqueue_dma source(%arg19 : memref<16x16xf32, #tpu.memory_space<vmem>>) target(%dma_start3A_398 : memref<16x16xf32, #tpu.memory_space<vmem_shared>>) target_semaphore(%run_scoped3A : memref<!tpu.dma_semaphore, #tpu.memory_space<semaphore_mem>>)
      %dma_wait3A_399 = arith.constant 0 : i32
      %dma_wait3A_400 = tpu.memref_slice %arg7[%add3A_63, %dma_wait3A_399] : memref<10240x16xf32, #tpu.memory_space<vmem_shared>> -> memref<16x16xf32, #tpu.memory_space<vmem_shared>>
      %dma_wait3A_401 = arith.constant 0 : i32
      %dma_wait3A_402 = tpu.memref_slice %arg7[%add3A_63, %dma_wait3A_401] : memref<10240x16xf32, #tpu.memory_space<vmem_shared>> -> memref<16x16xf32, #tpu.memory_space<vmem_shared>>
      tpu.wait_dma2 semaphore(%run_scoped3A : memref<!tpu.dma_semaphore, #tpu.memory_space<semaphore_mem>>) src(%arg19 : memref<16x16xf32, #tpu.memory_space<vmem>>) dst(%dma_wait3A_402 : memref<16x16xf32, #tpu.memory_space<vmem_shared>>)
      tpu.yield
    }) : () -> ()
    %mul3A_64 = arith.constant 640 : i32
    %mul3A_65 = arith.muli %arg1, %mul3A_64 : i32
    %add3A_66 = arith.constant 32 : i32
    %add3A_67 = arith.addi %mul3A_65, %add3A_66 : i32
    "tpu.region"() ({
      %run_scoped3A = tpu.sem_alloc : memref<!tpu.dma_semaphore, #tpu.memory_space<semaphore_mem>>
      %dma_start3A_395 = arith.constant 0 : i32
      %dma_start3A_396 = tpu.memref_slice %arg7[%add3A_67, %dma_start3A_395] : memref<10240x16xf32, #tpu.memory_space<vmem_shared>> -> memref<16x16xf32, #tpu.memory_space<vmem_shared>>
      %dma_start3A_397 = arith.constant 0 : i32
      %dma_start3A_398 = tpu.memref_slice %arg7[%add3A_67, %dma_start3A_397] : memref<10240x16xf32, #tpu.memory_space<vmem_shared>> -> memref<16x16xf32, #tpu.memory_space<vmem_shared>>
      tpu.enqueue_dma source(%arg19 : memref<16x16xf32, #tpu.memory_space<vmem>>) target(%dma_start3A_398 : memref<16x16xf32, #tpu.memory_space<vmem_shared>>) target_semaphore(%run_scoped3A : memref<!tpu.dma_semaphore, #tpu.memory_space<semaphore_mem>>)
      %dma_wait3A_399 = arith.constant 0 : i32
      %dma_wait3A_400 = tpu.memref_slice %arg7[%add3A_67, %dma_wait3A_399] : memref<10240x16xf32, #tpu.memory_space<vmem_shared>> -> memref<16x16xf32, #tpu.memory_space<vmem_shared>>
      %dma_wait3A_401 = arith.constant 0 : i32
      %dma_wait3A_402 = tpu.memref_slice %arg7[%add3A_67, %dma_wait3A_401] : memref<10240x16xf32, #tpu.memory_space<vmem_shared>> -> memref<16x16xf32, #tpu.memory_space<vmem_shared>>
      tpu.wait_dma2 semaphore(%run_scoped3A : memref<!tpu.dma_semaphore, #tpu.memory_space<semaphore_mem>>) src(%arg19 : memref<16x16xf32, #tpu.memory_space<vmem>>) dst(%dma_wait3A_402 : memref<16x16xf32, #tpu.memory_space<vmem_shared>>)
      tpu.yield
    }) : () -> ()
    %mul3A_68 = arith.constant 640 : i32
    %mul3A_69 = arith.muli %arg1, %mul3A_68 : i32
    %add3A_70 = arith.constant 48 : i32
    %add3A_71 = arith.addi %mul3A_69, %add3A_70 : i32
    "tpu.region"() ({
      %run_scoped3A = tpu.sem_alloc : memref<!tpu.dma_semaphore, #tpu.memory_space<semaphore_mem>>
      %dma_start3A_395 = arith.constant 0 : i32
      %dma_start3A_396 = tpu.memref_slice %arg7[%add3A_71, %dma_start3A_395] : memref<10240x16xf32, #tpu.memory_space<vmem_shared>> -> memref<16x16xf32, #tpu.memory_space<vmem_shared>>
      %dma_start3A_397 = arith.constant 0 : i32
      %dma_start3A_398 = tpu.memref_slice %arg7[%add3A_71, %dma_start3A_397] : memref<10240x16xf32, #tpu.memory_space<vmem_shared>> -> memref<16x16xf32, #tpu.memory_space<vmem_shared>>
      tpu.enqueue_dma source(%arg19 : memref<16x16xf32, #tpu.memory_space<vmem>>) target(%dma_start3A_398 : memref<16x16xf32, #tpu.memory_space<vmem_shared>>) target_semaphore(%run_scoped3A : memref<!tpu.dma_semaphore, #tpu.memory_space<semaphore_mem>>)
      %dma_wait3A_399 = arith.constant 0 : i32
      %dma_wait3A_400 = tpu.memref_slice %arg7[%add3A_71, %dma_wait3A_399] : memref<10240x16xf32, #tpu.memory_space<vmem_shared>> -> memref<16x16xf32, #tpu.memory_space<vmem_shared>>
      %dma_wait3A_401 = arith.constant 0 : i32
      %dma_wait3A_402 = tpu.memref_slice %arg7[%add3A_71, %dma_wait3A_401] : memref<10240x16xf32, #tpu.memory_space<vmem_shared>> -> memref<16x16xf32, #tpu.memory_space<vmem_shared>>
      tpu.wait_dma2 semaphore(%run_scoped3A : memref<!tpu.dma_semaphore, #tpu.memory_space<semaphore_mem>>) src(%arg19 : memref<16x16xf32, #tpu.memory_space<vmem>>) dst(%dma_wait3A_402 : memref<16x16xf32, #tpu.memory_space<vmem_shared>>)
      tpu.yield
    }) : () -> ()
    %mul3A_72 = arith.constant 640 : i32
    %mul3A_73 = arith.muli %arg1, %mul3A_72 : i32
    %add3A_74 = arith.constant 64 : i32
    %add3A_75 = arith.addi %mul3A_73, %add3A_74 : i32
    "tpu.region"() ({
      %run_scoped3A = tpu.sem_alloc : memref<!tpu.dma_semaphore, #tpu.memory_space<semaphore_mem>>
      %dma_start3A_395 = arith.constant 0 : i32
      %dma_start3A_396 = tpu.memref_slice %arg7[%add3A_75, %dma_start3A_395] : memref<10240x16xf32, #tpu.memory_space<vmem_shared>> -> memref<16x16xf32, #tpu.memory_space<vmem_shared>>
      %dma_start3A_397 = arith.constant 0 : i32
      %dma_start3A_398 = tpu.memref_slice %arg7[%add3A_75, %dma_start3A_397] : memref<10240x16xf32, #tpu.memory_space<vmem_shared>> -> memref<16x16xf32, #tpu.memory_space<vmem_shared>>
      tpu.enqueue_dma source(%arg19 : memref<16x16xf32, #tpu.memory_space<vmem>>) target(%dma_start3A_398 : memref<16x16xf32, #tpu.memory_space<vmem_shared>>) target_semaphore(%run_scoped3A : memref<!tpu.dma_semaphore, #tpu.memory_space<semaphore_mem>>)
      %dma_wait3A_399 = arith.constant 0 : i32
      %dma_wait3A_400 = tpu.memref_slice %arg7[%add3A_75, %dma_wait3A_399] : memref<10240x16xf32, #tpu.memory_space<vmem_shared>> -> memref<16x16xf32, #tpu.memory_space<vmem_shared>>
      %dma_wait3A_401 = arith.constant 0 : i32
      %dma_wait3A_402 = tpu.memref_slice %arg7[%add3A_75, %dma_wait3A_401] : memref<10240x16xf32, #tpu.memory_space<vmem_shared>> -> memref<16x16xf32, #tpu.memory_space<vmem_shared>>
      tpu.wait_dma2 semaphore(%run_scoped3A : memref<!tpu.dma_semaphore, #tpu.memory_space<semaphore_mem>>) src(%arg19 : memref<16x16xf32, #tpu.memory_space<vmem>>) dst(%dma_wait3A_402 : memref<16x16xf32, #tpu.memory_space<vmem_shared>>)
      tpu.yield
    }) : () -> ()
    %mul3A_76 = arith.constant 640 : i32
    %mul3A_77 = arith.muli %arg1, %mul3A_76 : i32
    %add3A_78 = arith.constant 80 : i32
    %add3A_79 = arith.addi %mul3A_77, %add3A_78 : i32
    "tpu.region"() ({
      %run_scoped3A = tpu.sem_alloc : memref<!tpu.dma_semaphore, #tpu.memory_space<semaphore_mem>>
      %dma_start3A_395 = arith.constant 0 : i32
      %dma_start3A_396 = tpu.memref_slice %arg7[%add3A_79, %dma_start3A_395] : memref<10240x16xf32, #tpu.memory_space<vmem_shared>> -> memref<16x16xf32, #tpu.memory_space<vmem_shared>>
      %dma_start3A_397 = arith.constant 0 : i32
      %dma_start3A_398 = tpu.memref_slice %arg7[%add3A_79, %dma_start3A_397] : memref<10240x16xf32, #tpu.memory_space<vmem_shared>> -> memref<16x16xf32, #tpu.memory_space<vmem_shared>>
      tpu.enqueue_dma source(%arg19 : memref<16x16xf32, #tpu.memory_space<vmem>>) target(%dma_start3A_398 : memref<16x16xf32, #tpu.memory_space<vmem_shared>>) target_semaphore(%run_scoped3A : memref<!tpu.dma_semaphore, #tpu.memory_space<semaphore_mem>>)
      %dma_wait3A_399 = arith.constant 0 : i32
      %dma_wait3A_400 = tpu.memref_slice %arg7[%add3A_79, %dma_wait3A_399] : memref<10240x16xf32, #tpu.memory_space<vmem_shared>> -> memref<16x16xf32, #tpu.memory_space<vmem_shared>>
      %dma_wait3A_401 = arith.constant 0 : i32
      %dma_wait3A_402 = tpu.memref_slice %arg7[%add3A_79, %dma_wait3A_401] : memref<10240x16xf32, #tpu.memory_space<vmem_shared>> -> memref<16x16xf32, #tpu.memory_space<vmem_shared>>
      tpu.wait_dma2 semaphore(%run_scoped3A : memref<!tpu.dma_semaphore, #tpu.memory_space<semaphore_mem>>) src(%arg19 : memref<16x16xf32, #tpu.memory_space<vmem>>) dst(%dma_wait3A_402 : memref<16x16xf32, #tpu.memory_space<vmem_shared>>)
      tpu.yield
    }) : () -> ()
    %mul3A_80 = arith.constant 640 : i32
    %mul3A_81 = arith.muli %arg1, %mul3A_80 : i32
    %add3A_82 = arith.constant 96 : i32
    %add3A_83 = arith.addi %mul3A_81, %add3A_82 : i32
    "tpu.region"() ({
      %run_scoped3A = tpu.sem_alloc : memref<!tpu.dma_semaphore, #tpu.memory_space<semaphore_mem>>
      %dma_start3A_395 = arith.constant 0 : i32
      %dma_start3A_396 = tpu.memref_slice %arg7[%add3A_83, %dma_start3A_395] : memref<10240x16xf32, #tpu.memory_space<vmem_shared>> -> memref<16x16xf32, #tpu.memory_space<vmem_shared>>
      %dma_start3A_397 = arith.constant 0 : i32
      %dma_start3A_398 = tpu.memref_slice %arg7[%add3A_83, %dma_start3A_397] : memref<10240x16xf32, #tpu.memory_space<vmem_shared>> -> memref<16x16xf32, #tpu.memory_space<vmem_shared>>
      tpu.enqueue_dma source(%arg19 : memref<16x16xf32, #tpu.memory_space<vmem>>) target(%dma_start3A_398 : memref<16x16xf32, #tpu.memory_space<vmem_shared>>) target_semaphore(%run_scoped3A : memref<!tpu.dma_semaphore, #tpu.memory_space<semaphore_mem>>)
      %dma_wait3A_399 = arith.constant 0 : i32
      %dma_wait3A_400 = tpu.memref_slice %arg7[%add3A_83, %dma_wait3A_399] : memref<10240x16xf32, #tpu.memory_space<vmem_shared>> -> memref<16x16xf32, #tpu.memory_space<vmem_shared>>
      %dma_wait3A_401 = arith.constant 0 : i32
      %dma_wait3A_402 = tpu.memref_slice %arg7[%add3A_83, %dma_wait3A_401] : memref<10240x16xf32, #tpu.memory_space<vmem_shared>> -> memref<16x16xf32, #tpu.memory_space<vmem_shared>>
      tpu.wait_dma2 semaphore(%run_scoped3A : memref<!tpu.dma_semaphore, #tpu.memory_space<semaphore_mem>>) src(%arg19 : memref<16x16xf32, #tpu.memory_space<vmem>>) dst(%dma_wait3A_402 : memref<16x16xf32, #tpu.memory_space<vmem_shared>>)
      tpu.yield
    }) : () -> ()
    %mul3A_84 = arith.constant 640 : i32
    %mul3A_85 = arith.muli %arg1, %mul3A_84 : i32
    %add3A_86 = arith.constant 112 : i32
    %add3A_87 = arith.addi %mul3A_85, %add3A_86 : i32
    "tpu.region"() ({
      %run_scoped3A = tpu.sem_alloc : memref<!tpu.dma_semaphore, #tpu.memory_space<semaphore_mem>>
      %dma_start3A_395 = arith.constant 0 : i32
      %dma_start3A_396 = tpu.memref_slice %arg7[%add3A_87, %dma_start3A_395] : memref<10240x16xf32, #tpu.memory_space<vmem_shared>> -> memref<16x16xf32, #tpu.memory_space<vmem_shared>>
      %dma_start3A_397 = arith.constant 0 : i32
      %dma_start3A_398 = tpu.memref_slice %arg7[%add3A_87, %dma_start3A_397] : memref<10240x16xf32, #tpu.memory_space<vmem_shared>> -> memref<16x16xf32, #tpu.memory_space<vmem_shared>>
      tpu.enqueue_dma source(%arg19 : memref<16x16xf32, #tpu.memory_space<vmem>>) target(%dma_start3A_398 : memref<16x16xf32, #tpu.memory_space<vmem_shared>>) target_semaphore(%run_scoped3A : memref<!tpu.dma_semaphore, #tpu.memory_space<semaphore_mem>>)
      %dma_wait3A_399 = arith.constant 0 : i32
      %dma_wait3A_400 = tpu.memref_slice %arg7[%add3A_87, %dma_wait3A_399] : memref<10240x16xf32, #tpu.memory_space<vmem_shared>> -> memref<16x16xf32, #tpu.memory_space<vmem_shared>>
      %dma_wait3A_401 = arith.constant 0 : i32
      %dma_wait3A_402 = tpu.memref_slice %arg7[%add3A_87, %dma_wait3A_401] : memref<10240x16xf32, #tpu.memory_space<vmem_shared>> -> memref<16x16xf32, #tpu.memory_space<vmem_shared>>
      tpu.wait_dma2 semaphore(%run_scoped3A : memref<!tpu.dma_semaphore, #tpu.memory_space<semaphore_mem>>) src(%arg19 : memref<16x16xf32, #tpu.memory_space<vmem>>) dst(%dma_wait3A_402 : memref<16x16xf32, #tpu.memory_space<vmem_shared>>)
      tpu.yield
    }) : () -> ()
    %mul3A_88 = arith.constant 640 : i32
    %mul3A_89 = arith.muli %arg1, %mul3A_88 : i32
    %add3A_90 = arith.constant 128 : i32
    %add3A_91 = arith.addi %mul3A_89, %add3A_90 : i32
    "tpu.region"() ({
      %run_scoped3A = tpu.sem_alloc : memref<!tpu.dma_semaphore, #tpu.memory_space<semaphore_mem>>
      %dma_start3A_395 = arith.constant 0 : i32
      %dma_start3A_396 = tpu.memref_slice %arg7[%add3A_91, %dma_start3A_395] : memref<10240x16xf32, #tpu.memory_space<vmem_shared>> -> memref<16x16xf32, #tpu.memory_space<vmem_shared>>
      %dma_start3A_397 = arith.constant 0 : i32
      %dma_start3A_398 = tpu.memref_slice %arg7[%add3A_91, %dma_start3A_397] : memref<10240x16xf32, #tpu.memory_space<vmem_shared>> -> memref<16x16xf32, #tpu.memory_space<vmem_shared>>
      tpu.enqueue_dma source(%arg19 : memref<16x16xf32, #tpu.memory_space<vmem>>) target(%dma_start3A_398 : memref<16x16xf32, #tpu.memory_space<vmem_shared>>) target_semaphore(%run_scoped3A : memref<!tpu.dma_semaphore, #tpu.memory_space<semaphore_mem>>)
      %dma_wait3A_399 = arith.constant 0 : i32
      %dma_wait3A_400 = tpu.memref_slice %arg7[%add3A_91, %dma_wait3A_399] : memref<10240x16xf32, #tpu.memory_space<vmem_shared>> -> memref<16x16xf32, #tpu.memory_space<vmem_shared>>
      %dma_wait3A_401 = arith.constant 0 : i32
      %dma_wait3A_402 = tpu.memref_slice %arg7[%add3A_91, %dma_wait3A_401] : memref<10240x16xf32, #tpu.memory_space<vmem_shared>> -> memref<16x16xf32, #tpu.memory_space<vmem_shared>>
      tpu.wait_dma2 semaphore(%run_scoped3A : memref<!tpu.dma_semaphore, #tpu.memory_space<semaphore_mem>>) src(%arg19 : memref<16x16xf32, #tpu.memory_space<vmem>>) dst(%dma_wait3A_402 : memref<16x16xf32, #tpu.memory_space<vmem_shared>>)
      tpu.yield
    }) : () -> ()
    %mul3A_92 = arith.constant 640 : i32
    %mul3A_93 = arith.muli %arg1, %mul3A_92 : i32
    %add3A_94 = arith.constant 144 : i32
    %add3A_95 = arith.addi %mul3A_93, %add3A_94 : i32
    "tpu.region"() ({
      %run_scoped3A = tpu.sem_alloc : memref<!tpu.dma_semaphore, #tpu.memory_space<semaphore_mem>>
      %dma_start3A_395 = arith.constant 0 : i32
      %dma_start3A_396 = tpu.memref_slice %arg7[%add3A_95, %dma_start3A_395] : memref<10240x16xf32, #tpu.memory_space<vmem_shared>> -> memref<16x16xf32, #tpu.memory_space<vmem_shared>>
      %dma_start3A_397 = arith.constant 0 : i32
      %dma_start3A_398 = tpu.memref_slice %arg7[%add3A_95, %dma_start3A_397] : memref<10240x16xf32, #tpu.memory_space<vmem_shared>> -> memref<16x16xf32, #tpu.memory_space<vmem_shared>>
      tpu.enqueue_dma source(%arg19 : memref<16x16xf32, #tpu.memory_space<vmem>>) target(%dma_start3A_398 : memref<16x16xf32, #tpu.memory_space<vmem_shared>>) target_semaphore(%run_scoped3A : memref<!tpu.dma_semaphore, #tpu.memory_space<semaphore_mem>>)
      %dma_wait3A_399 = arith.constant 0 : i32
      %dma_wait3A_400 = tpu.memref_slice %arg7[%add3A_95, %dma_wait3A_399] : memref<10240x16xf32, #tpu.memory_space<vmem_shared>> -> memref<16x16xf32, #tpu.memory_space<vmem_shared>>
      %dma_wait3A_401 = arith.constant 0 : i32
      %dma_wait3A_402 = tpu.memref_slice %arg7[%add3A_95, %dma_wait3A_401] : memref<10240x16xf32, #tpu.memory_space<vmem_shared>> -> memref<16x16xf32, #tpu.memory_space<vmem_shared>>
      tpu.wait_dma2 semaphore(%run_scoped3A : memref<!tpu.dma_semaphore, #tpu.memory_space<semaphore_mem>>) src(%arg19 : memref<16x16xf32, #tpu.memory_space<vmem>>) dst(%dma_wait3A_402 : memref<16x16xf32, #tpu.memory_space<vmem_shared>>)
      tpu.yield
    }) : () -> ()
    %mul3A_96 = arith.constant 640 : i32
    %mul3A_97 = arith.muli %arg1, %mul3A_96 : i32
    %add3A_98 = arith.constant 160 : i32
    %add3A_99 = arith.addi %mul3A_97, %add3A_98 : i32
    "tpu.region"() ({
      %run_scoped3A = tpu.sem_alloc : memref<!tpu.dma_semaphore, #tpu.memory_space<semaphore_mem>>
      %dma_start3A_395 = arith.constant 0 : i32
      %dma_start3A_396 = tpu.memref_slice %arg7[%add3A_99, %dma_start3A_395] : memref<10240x16xf32, #tpu.memory_space<vmem_shared>> -> memref<16x16xf32, #tpu.memory_space<vmem_shared>>
      %dma_start3A_397 = arith.constant 0 : i32
      %dma_start3A_398 = tpu.memref_slice %arg7[%add3A_99, %dma_start3A_397] : memref<10240x16xf32, #tpu.memory_space<vmem_shared>> -> memref<16x16xf32, #tpu.memory_space<vmem_shared>>
      tpu.enqueue_dma source(%arg19 : memref<16x16xf32, #tpu.memory_space<vmem>>) target(%dma_start3A_398 : memref<16x16xf32, #tpu.memory_space<vmem_shared>>) target_semaphore(%run_scoped3A : memref<!tpu.dma_semaphore, #tpu.memory_space<semaphore_mem>>)
      %dma_wait3A_399 = arith.constant 0 : i32
      %dma_wait3A_400 = tpu.memref_slice %arg7[%add3A_99, %dma_wait3A_399] : memref<10240x16xf32, #tpu.memory_space<vmem_shared>> -> memref<16x16xf32, #tpu.memory_space<vmem_shared>>
      %dma_wait3A_401 = arith.constant 0 : i32
      %dma_wait3A_402 = tpu.memref_slice %arg7[%add3A_99, %dma_wait3A_401] : memref<10240x16xf32, #tpu.memory_space<vmem_shared>> -> memref<16x16xf32, #tpu.memory_space<vmem_shared>>
      tpu.wait_dma2 semaphore(%run_scoped3A : memref<!tpu.dma_semaphore, #tpu.memory_space<semaphore_mem>>) src(%arg19 : memref<16x16xf32, #tpu.memory_space<vmem>>) dst(%dma_wait3A_402 : memref<16x16xf32, #tpu.memory_space<vmem_shared>>)
      tpu.yield
    }) : () -> ()
    %mul3A_100 = arith.constant 640 : i32
    %mul3A_101 = arith.muli %arg1, %mul3A_100 : i32
    %add3A_102 = arith.constant 176 : i32
    %add3A_103 = arith.addi %mul3A_101, %add3A_102 : i32
    "tpu.region"() ({
      %run_scoped3A = tpu.sem_alloc : memref<!tpu.dma_semaphore, #tpu.memory_space<semaphore_mem>>
      %dma_start3A_395 = arith.constant 0 : i32
      %dma_start3A_396 = tpu.memref_slice %arg7[%add3A_103, %dma_start3A_395] : memref<10240x16xf32, #tpu.memory_space<vmem_shared>> -> memref<16x16xf32, #tpu.memory_space<vmem_shared>>
      %dma_start3A_397 = arith.constant 0 : i32
      %dma_start3A_398 = tpu.memref_slice %arg7[%add3A_103, %dma_start3A_397] : memref<10240x16xf32, #tpu.memory_space<vmem_shared>> -> memref<16x16xf32, #tpu.memory_space<vmem_shared>>
      tpu.enqueue_dma source(%arg19 : memref<16x16xf32, #tpu.memory_space<vmem>>) target(%dma_start3A_398 : memref<16x16xf32, #tpu.memory_space<vmem_shared>>) target_semaphore(%run_scoped3A : memref<!tpu.dma_semaphore, #tpu.memory_space<semaphore_mem>>)
      %dma_wait3A_399 = arith.constant 0 : i32
      %dma_wait3A_400 = tpu.memref_slice %arg7[%add3A_103, %dma_wait3A_399] : memref<10240x16xf32, #tpu.memory_space<vmem_shared>> -> memref<16x16xf32, #tpu.memory_space<vmem_shared>>
      %dma_wait3A_401 = arith.constant 0 : i32
      %dma_wait3A_402 = tpu.memref_slice %arg7[%add3A_103, %dma_wait3A_401] : memref<10240x16xf32, #tpu.memory_space<vmem_shared>> -> memref<16x16xf32, #tpu.memory_space<vmem_shared>>
      tpu.wait_dma2 semaphore(%run_scoped3A : memref<!tpu.dma_semaphore, #tpu.memory_space<semaphore_mem>>) src(%arg19 : memref<16x16xf32, #tpu.memory_space<vmem>>) dst(%dma_wait3A_402 : memref<16x16xf32, #tpu.memory_space<vmem_shared>>)
      tpu.yield
    }) : () -> ()
    %mul3A_104 = arith.constant 640 : i32
    %mul3A_105 = arith.muli %arg1, %mul3A_104 : i32
    %add3A_106 = arith.constant 192 : i32
    %add3A_107 = arith.addi %mul3A_105, %add3A_106 : i32
    "tpu.region"() ({
      %run_scoped3A = tpu.sem_alloc : memref<!tpu.dma_semaphore, #tpu.memory_space<semaphore_mem>>
      %dma_start3A_395 = arith.constant 0 : i32
      %dma_start3A_396 = tpu.memref_slice %arg7[%add3A_107, %dma_start3A_395] : memref<10240x16xf32, #tpu.memory_space<vmem_shared>> -> memref<16x16xf32, #tpu.memory_space<vmem_shared>>
      %dma_start3A_397 = arith.constant 0 : i32
      %dma_start3A_398 = tpu.memref_slice %arg7[%add3A_107, %dma_start3A_397] : memref<10240x16xf32, #tpu.memory_space<vmem_shared>> -> memref<16x16xf32, #tpu.memory_space<vmem_shared>>
      tpu.enqueue_dma source(%arg19 : memref<16x16xf32, #tpu.memory_space<vmem>>) target(%dma_start3A_398 : memref<16x16xf32, #tpu.memory_space<vmem_shared>>) target_semaphore(%run_scoped3A : memref<!tpu.dma_semaphore, #tpu.memory_space<semaphore_mem>>)
      %dma_wait3A_399 = arith.constant 0 : i32
      %dma_wait3A_400 = tpu.memref_slice %arg7[%add3A_107, %dma_wait3A_399] : memref<10240x16xf32, #tpu.memory_space<vmem_shared>> -> memref<16x16xf32, #tpu.memory_space<vmem_shared>>
      %dma_wait3A_401 = arith.constant 0 : i32
      %dma_wait3A_402 = tpu.memref_slice %arg7[%add3A_107, %dma_wait3A_401] : memref<10240x16xf32, #tpu.memory_space<vmem_shared>> -> memref<16x16xf32, #tpu.memory_space<vmem_shared>>
      tpu.wait_dma2 semaphore(%run_scoped3A : memref<!tpu.dma_semaphore, #tpu.memory_space<semaphore_mem>>) src(%arg19 : memref<16x16xf32, #tpu.memory_space<vmem>>) dst(%dma_wait3A_402 : memref<16x16xf32, #tpu.memory_space<vmem_shared>>)
      tpu.yield
    }) : () -> ()
    %mul3A_108 = arith.constant 640 : i32
    %mul3A_109 = arith.muli %arg1, %mul3A_108 : i32
    %add3A_110 = arith.constant 208 : i32
    %add3A_111 = arith.addi %mul3A_109, %add3A_110 : i32
    "tpu.region"() ({
      %run_scoped3A = tpu.sem_alloc : memref<!tpu.dma_semaphore, #tpu.memory_space<semaphore_mem>>
      %dma_start3A_395 = arith.constant 0 : i32
      %dma_start3A_396 = tpu.memref_slice %arg7[%add3A_111, %dma_start3A_395] : memref<10240x16xf32, #tpu.memory_space<vmem_shared>> -> memref<16x16xf32, #tpu.memory_space<vmem_shared>>
      %dma_start3A_397 = arith.constant 0 : i32
      %dma_start3A_398 = tpu.memref_slice %arg7[%add3A_111, %dma_start3A_397] : memref<10240x16xf32, #tpu.memory_space<vmem_shared>> -> memref<16x16xf32, #tpu.memory_space<vmem_shared>>
      tpu.enqueue_dma source(%arg19 : memref<16x16xf32, #tpu.memory_space<vmem>>) target(%dma_start3A_398 : memref<16x16xf32, #tpu.memory_space<vmem_shared>>) target_semaphore(%run_scoped3A : memref<!tpu.dma_semaphore, #tpu.memory_space<semaphore_mem>>)
      %dma_wait3A_399 = arith.constant 0 : i32
      %dma_wait3A_400 = tpu.memref_slice %arg7[%add3A_111, %dma_wait3A_399] : memref<10240x16xf32, #tpu.memory_space<vmem_shared>> -> memref<16x16xf32, #tpu.memory_space<vmem_shared>>
      %dma_wait3A_401 = arith.constant 0 : i32
      %dma_wait3A_402 = tpu.memref_slice %arg7[%add3A_111, %dma_wait3A_401] : memref<10240x16xf32, #tpu.memory_space<vmem_shared>> -> memref<16x16xf32, #tpu.memory_space<vmem_shared>>
      tpu.wait_dma2 semaphore(%run_scoped3A : memref<!tpu.dma_semaphore, #tpu.memory_space<semaphore_mem>>) src(%arg19 : memref<16x16xf32, #tpu.memory_space<vmem>>) dst(%dma_wait3A_402 : memref<16x16xf32, #tpu.memory_space<vmem_shared>>)
      tpu.yield
    }) : () -> ()
    %mul3A_112 = arith.constant 640 : i32
    %mul3A_113 = arith.muli %arg1, %mul3A_112 : i32
    %add3A_114 = arith.constant 224 : i32
    %add3A_115 = arith.addi %mul3A_113, %add3A_114 : i32
    "tpu.region"() ({
      %run_scoped3A = tpu.sem_alloc : memref<!tpu.dma_semaphore, #tpu.memory_space<semaphore_mem>>
      %dma_start3A_395 = arith.constant 0 : i32
      %dma_start3A_396 = tpu.memref_slice %arg7[%add3A_115, %dma_start3A_395] : memref<10240x16xf32, #tpu.memory_space<vmem_shared>> -> memref<16x16xf32, #tpu.memory_space<vmem_shared>>
      %dma_start3A_397 = arith.constant 0 : i32
      %dma_start3A_398 = tpu.memref_slice %arg7[%add3A_115, %dma_start3A_397] : memref<10240x16xf32, #tpu.memory_space<vmem_shared>> -> memref<16x16xf32, #tpu.memory_space<vmem_shared>>
      tpu.enqueue_dma source(%arg19 : memref<16x16xf32, #tpu.memory_space<vmem>>) target(%dma_start3A_398 : memref<16x16xf32, #tpu.memory_space<vmem_shared>>) target_semaphore(%run_scoped3A : memref<!tpu.dma_semaphore, #tpu.memory_space<semaphore_mem>>)
      %dma_wait3A_399 = arith.constant 0 : i32
      %dma_wait3A_400 = tpu.memref_slice %arg7[%add3A_115, %dma_wait3A_399] : memref<10240x16xf32, #tpu.memory_space<vmem_shared>> -> memref<16x16xf32, #tpu.memory_space<vmem_shared>>
      %dma_wait3A_401 = arith.constant 0 : i32
      %dma_wait3A_402 = tpu.memref_slice %arg7[%add3A_115, %dma_wait3A_401] : memref<10240x16xf32, #tpu.memory_space<vmem_shared>> -> memref<16x16xf32, #tpu.memory_space<vmem_shared>>
      tpu.wait_dma2 semaphore(%run_scoped3A : memref<!tpu.dma_semaphore, #tpu.memory_space<semaphore_mem>>) src(%arg19 : memref<16x16xf32, #tpu.memory_space<vmem>>) dst(%dma_wait3A_402 : memref<16x16xf32, #tpu.memory_space<vmem_shared>>)
      tpu.yield
    }) : () -> ()
    %mul3A_116 = arith.constant 640 : i32
    %mul3A_117 = arith.muli %arg1, %mul3A_116 : i32
    %add3A_118 = arith.constant 240 : i32
    %add3A_119 = arith.addi %mul3A_117, %add3A_118 : i32
    "tpu.region"() ({
      %run_scoped3A = tpu.sem_alloc : memref<!tpu.dma_semaphore, #tpu.memory_space<semaphore_mem>>
      %dma_start3A_395 = arith.constant 0 : i32
      %dma_start3A_396 = tpu.memref_slice %arg7[%add3A_119, %dma_start3A_395] : memref<10240x16xf32, #tpu.memory_space<vmem_shared>> -> memref<16x16xf32, #tpu.memory_space<vmem_shared>>
      %dma_start3A_397 = arith.constant 0 : i32
      %dma_start3A_398 = tpu.memref_slice %arg7[%add3A_119, %dma_start3A_397] : memref<10240x16xf32, #tpu.memory_space<vmem_shared>> -> memref<16x16xf32, #tpu.memory_space<vmem_shared>>
      tpu.enqueue_dma source(%arg19 : memref<16x16xf32, #tpu.memory_space<vmem>>) target(%dma_start3A_398 : memref<16x16xf32, #tpu.memory_space<vmem_shared>>) target_semaphore(%run_scoped3A : memref<!tpu.dma_semaphore, #tpu.memory_space<semaphore_mem>>)
      %dma_wait3A_399 = arith.constant 0 : i32
      %dma_wait3A_400 = tpu.memref_slice %arg7[%add3A_119, %dma_wait3A_399] : memref<10240x16xf32, #tpu.memory_space<vmem_shared>> -> memref<16x16xf32, #tpu.memory_space<vmem_shared>>
      %dma_wait3A_401 = arith.constant 0 : i32
      %dma_wait3A_402 = tpu.memref_slice %arg7[%add3A_119, %dma_wait3A_401] : memref<10240x16xf32, #tpu.memory_space<vmem_shared>> -> memref<16x16xf32, #tpu.memory_space<vmem_shared>>
      tpu.wait_dma2 semaphore(%run_scoped3A : memref<!tpu.dma_semaphore, #tpu.memory_space<semaphore_mem>>) src(%arg19 : memref<16x16xf32, #tpu.memory_space<vmem>>) dst(%dma_wait3A_402 : memref<16x16xf32, #tpu.memory_space<vmem_shared>>)
      tpu.yield
    }) : () -> ()
    %mul3A_120 = arith.constant 640 : i32
    %mul3A_121 = arith.muli %arg1, %mul3A_120 : i32
    %add3A_122 = arith.constant 256 : i32
    %add3A_123 = arith.addi %mul3A_121, %add3A_122 : i32
    "tpu.region"() ({
      %run_scoped3A = tpu.sem_alloc : memref<!tpu.dma_semaphore, #tpu.memory_space<semaphore_mem>>
      %dma_start3A_395 = arith.constant 0 : i32
      %dma_start3A_396 = tpu.memref_slice %arg7[%add3A_123, %dma_start3A_395] : memref<10240x16xf32, #tpu.memory_space<vmem_shared>> -> memref<16x16xf32, #tpu.memory_space<vmem_shared>>
      %dma_start3A_397 = arith.constant 0 : i32
      %dma_start3A_398 = tpu.memref_slice %arg7[%add3A_123, %dma_start3A_397] : memref<10240x16xf32, #tpu.memory_space<vmem_shared>> -> memref<16x16xf32, #tpu.memory_space<vmem_shared>>
      tpu.enqueue_dma source(%arg19 : memref<16x16xf32, #tpu.memory_space<vmem>>) target(%dma_start3A_398 : memref<16x16xf32, #tpu.memory_space<vmem_shared>>) target_semaphore(%run_scoped3A : memref<!tpu.dma_semaphore, #tpu.memory_space<semaphore_mem>>)
      %dma_wait3A_399 = arith.constant 0 : i32
      %dma_wait3A_400 = tpu.memref_slice %arg7[%add3A_123, %dma_wait3A_399] : memref<10240x16xf32, #tpu.memory_space<vmem_shared>> -> memref<16x16xf32, #tpu.memory_space<vmem_shared>>
      %dma_wait3A_401 = arith.constant 0 : i32
      %dma_wait3A_402 = tpu.memref_slice %arg7[%add3A_123, %dma_wait3A_401] : memref<10240x16xf32, #tpu.memory_space<vmem_shared>> -> memref<16x16xf32, #tpu.memory_space<vmem_shared>>
      tpu.wait_dma2 semaphore(%run_scoped3A : memref<!tpu.dma_semaphore, #tpu.memory_space<semaphore_mem>>) src(%arg19 : memref<16x16xf32, #tpu.memory_space<vmem>>) dst(%dma_wait3A_402 : memref<16x16xf32, #tpu.memory_space<vmem_shared>>)
      tpu.yield
    }) : () -> ()
    %mul3A_124 = arith.constant 640 : i32
    %mul3A_125 = arith.muli %arg1, %mul3A_124 : i32
    %add3A_126 = arith.constant 272 : i32
    %add3A_127 = arith.addi %mul3A_125, %add3A_126 : i32
    "tpu.region"() ({
      %run_scoped3A = tpu.sem_alloc : memref<!tpu.dma_semaphore, #tpu.memory_space<semaphore_mem>>
      %dma_start3A_395 = arith.constant 0 : i32
      %dma_start3A_396 = tpu.memref_slice %arg7[%add3A_127, %dma_start3A_395] : memref<10240x16xf32, #tpu.memory_space<vmem_shared>> -> memref<16x16xf32, #tpu.memory_space<vmem_shared>>
      %dma_start3A_397 = arith.constant 0 : i32
      %dma_start3A_398 = tpu.memref_slice %arg7[%add3A_127, %dma_start3A_397] : memref<10240x16xf32, #tpu.memory_space<vmem_shared>> -> memref<16x16xf32, #tpu.memory_space<vmem_shared>>
      tpu.enqueue_dma source(%arg19 : memref<16x16xf32, #tpu.memory_space<vmem>>) target(%dma_start3A_398 : memref<16x16xf32, #tpu.memory_space<vmem_shared>>) target_semaphore(%run_scoped3A : memref<!tpu.dma_semaphore, #tpu.memory_space<semaphore_mem>>)
      %dma_wait3A_399 = arith.constant 0 : i32
      %dma_wait3A_400 = tpu.memref_slice %arg7[%add3A_127, %dma_wait3A_399] : memref<10240x16xf32, #tpu.memory_space<vmem_shared>> -> memref<16x16xf32, #tpu.memory_space<vmem_shared>>
      %dma_wait3A_401 = arith.constant 0 : i32
      %dma_wait3A_402 = tpu.memref_slice %arg7[%add3A_127, %dma_wait3A_401] : memref<10240x16xf32, #tpu.memory_space<vmem_shared>> -> memref<16x16xf32, #tpu.memory_space<vmem_shared>>
      tpu.wait_dma2 semaphore(%run_scoped3A : memref<!tpu.dma_semaphore, #tpu.memory_space<semaphore_mem>>) src(%arg19 : memref<16x16xf32, #tpu.memory_space<vmem>>) dst(%dma_wait3A_402 : memref<16x16xf32, #tpu.memory_space<vmem_shared>>)
      tpu.yield
    }) : () -> ()
    %mul3A_128 = arith.constant 640 : i32
    %mul3A_129 = arith.muli %arg1, %mul3A_128 : i32
    %add3A_130 = arith.constant 288 : i32
    %add3A_131 = arith.addi %mul3A_129, %add3A_130 : i32
    "tpu.region"() ({
      %run_scoped3A = tpu.sem_alloc : memref<!tpu.dma_semaphore, #tpu.memory_space<semaphore_mem>>
      %dma_start3A_395 = arith.constant 0 : i32
      %dma_start3A_396 = tpu.memref_slice %arg7[%add3A_131, %dma_start3A_395] : memref<10240x16xf32, #tpu.memory_space<vmem_shared>> -> memref<16x16xf32, #tpu.memory_space<vmem_shared>>
      %dma_start3A_397 = arith.constant 0 : i32
      %dma_start3A_398 = tpu.memref_slice %arg7[%add3A_131, %dma_start3A_397] : memref<10240x16xf32, #tpu.memory_space<vmem_shared>> -> memref<16x16xf32, #tpu.memory_space<vmem_shared>>
      tpu.enqueue_dma source(%arg19 : memref<16x16xf32, #tpu.memory_space<vmem>>) target(%dma_start3A_398 : memref<16x16xf32, #tpu.memory_space<vmem_shared>>) target_semaphore(%run_scoped3A : memref<!tpu.dma_semaphore, #tpu.memory_space<semaphore_mem>>)
      %dma_wait3A_399 = arith.constant 0 : i32
      %dma_wait3A_400 = tpu.memref_slice %arg7[%add3A_131, %dma_wait3A_399] : memref<10240x16xf32, #tpu.memory_space<vmem_shared>> -> memref<16x16xf32, #tpu.memory_space<vmem_shared>>
      %dma_wait3A_401 = arith.constant 0 : i32
      %dma_wait3A_402 = tpu.memref_slice %arg7[%add3A_131, %dma_wait3A_401] : memref<10240x16xf32, #tpu.memory_space<vmem_shared>> -> memref<16x16xf32, #tpu.memory_space<vmem_shared>>
      tpu.wait_dma2 semaphore(%run_scoped3A : memref<!tpu.dma_semaphore, #tpu.memory_space<semaphore_mem>>) src(%arg19 : memref<16x16xf32, #tpu.memory_space<vmem>>) dst(%dma_wait3A_402 : memref<16x16xf32, #tpu.memory_space<vmem_shared>>)
      tpu.yield
    }) : () -> ()
    %mul3A_132 = arith.constant 640 : i32
    %mul3A_133 = arith.muli %arg1, %mul3A_132 : i32
    %add3A_134 = arith.constant 304 : i32
    %add3A_135 = arith.addi %mul3A_133, %add3A_134 : i32
    "tpu.region"() ({
      %run_scoped3A = tpu.sem_alloc : memref<!tpu.dma_semaphore, #tpu.memory_space<semaphore_mem>>
      %dma_start3A_395 = arith.constant 0 : i32
      %dma_start3A_396 = tpu.memref_slice %arg7[%add3A_135, %dma_start3A_395] : memref<10240x16xf32, #tpu.memory_space<vmem_shared>> -> memref<16x16xf32, #tpu.memory_space<vmem_shared>>
      %dma_start3A_397 = arith.constant 0 : i32
      %dma_start3A_398 = tpu.memref_slice %arg7[%add3A_135, %dma_start3A_397] : memref<10240x16xf32, #tpu.memory_space<vmem_shared>> -> memref<16x16xf32, #tpu.memory_space<vmem_shared>>
      tpu.enqueue_dma source(%arg19 : memref<16x16xf32, #tpu.memory_space<vmem>>) target(%dma_start3A_398 : memref<16x16xf32, #tpu.memory_space<vmem_shared>>) target_semaphore(%run_scoped3A : memref<!tpu.dma_semaphore, #tpu.memory_space<semaphore_mem>>)
      %dma_wait3A_399 = arith.constant 0 : i32
      %dma_wait3A_400 = tpu.memref_slice %arg7[%add3A_135, %dma_wait3A_399] : memref<10240x16xf32, #tpu.memory_space<vmem_shared>> -> memref<16x16xf32, #tpu.memory_space<vmem_shared>>
      %dma_wait3A_401 = arith.constant 0 : i32
      %dma_wait3A_402 = tpu.memref_slice %arg7[%add3A_135, %dma_wait3A_401] : memref<10240x16xf32, #tpu.memory_space<vmem_shared>> -> memref<16x16xf32, #tpu.memory_space<vmem_shared>>
      tpu.wait_dma2 semaphore(%run_scoped3A : memref<!tpu.dma_semaphore, #tpu.memory_space<semaphore_mem>>) src(%arg19 : memref<16x16xf32, #tpu.memory_space<vmem>>) dst(%dma_wait3A_402 : memref<16x16xf32, #tpu.memory_space<vmem_shared>>)
      tpu.yield
    }) : () -> ()
    %mul3A_136 = arith.constant 640 : i32
    %mul3A_137 = arith.muli %arg1, %mul3A_136 : i32
    %add3A_138 = arith.constant 320 : i32
    %add3A_139 = arith.addi %mul3A_137, %add3A_138 : i32
    "tpu.region"() ({
      %run_scoped3A = tpu.sem_alloc : memref<!tpu.dma_semaphore, #tpu.memory_space<semaphore_mem>>
      %dma_start3A_395 = arith.constant 0 : i32
      %dma_start3A_396 = tpu.memref_slice %arg7[%add3A_139, %dma_start3A_395] : memref<10240x16xf32, #tpu.memory_space<vmem_shared>> -> memref<16x16xf32, #tpu.memory_space<vmem_shared>>
      %dma_start3A_397 = arith.constant 0 : i32
      %dma_start3A_398 = tpu.memref_slice %arg7[%add3A_139, %dma_start3A_397] : memref<10240x16xf32, #tpu.memory_space<vmem_shared>> -> memref<16x16xf32, #tpu.memory_space<vmem_shared>>
      tpu.enqueue_dma source(%arg19 : memref<16x16xf32, #tpu.memory_space<vmem>>) target(%dma_start3A_398 : memref<16x16xf32, #tpu.memory_space<vmem_shared>>) target_semaphore(%run_scoped3A : memref<!tpu.dma_semaphore, #tpu.memory_space<semaphore_mem>>)
      %dma_wait3A_399 = arith.constant 0 : i32
      %dma_wait3A_400 = tpu.memref_slice %arg7[%add3A_139, %dma_wait3A_399] : memref<10240x16xf32, #tpu.memory_space<vmem_shared>> -> memref<16x16xf32, #tpu.memory_space<vmem_shared>>
      %dma_wait3A_401 = arith.constant 0 : i32
      %dma_wait3A_402 = tpu.memref_slice %arg7[%add3A_139, %dma_wait3A_401] : memref<10240x16xf32, #tpu.memory_space<vmem_shared>> -> memref<16x16xf32, #tpu.memory_space<vmem_shared>>
      tpu.wait_dma2 semaphore(%run_scoped3A : memref<!tpu.dma_semaphore, #tpu.memory_space<semaphore_mem>>) src(%arg19 : memref<16x16xf32, #tpu.memory_space<vmem>>) dst(%dma_wait3A_402 : memref<16x16xf32, #tpu.memory_space<vmem_shared>>)
      tpu.yield
    }) : () -> ()
    %mul3A_140 = arith.constant 640 : i32
    %mul3A_141 = arith.muli %arg1, %mul3A_140 : i32
    %add3A_142 = arith.constant 336 : i32
    %add3A_143 = arith.addi %mul3A_141, %add3A_142 : i32
    "tpu.region"() ({
      %run_scoped3A = tpu.sem_alloc : memref<!tpu.dma_semaphore, #tpu.memory_space<semaphore_mem>>
      %dma_start3A_395 = arith.constant 0 : i32
      %dma_start3A_396 = tpu.memref_slice %arg7[%add3A_143, %dma_start3A_395] : memref<10240x16xf32, #tpu.memory_space<vmem_shared>> -> memref<16x16xf32, #tpu.memory_space<vmem_shared>>
      %dma_start3A_397 = arith.constant 0 : i32
      %dma_start3A_398 = tpu.memref_slice %arg7[%add3A_143, %dma_start3A_397] : memref<10240x16xf32, #tpu.memory_space<vmem_shared>> -> memref<16x16xf32, #tpu.memory_space<vmem_shared>>
      tpu.enqueue_dma source(%arg19 : memref<16x16xf32, #tpu.memory_space<vmem>>) target(%dma_start3A_398 : memref<16x16xf32, #tpu.memory_space<vmem_shared>>) target_semaphore(%run_scoped3A : memref<!tpu.dma_semaphore, #tpu.memory_space<semaphore_mem>>)
      %dma_wait3A_399 = arith.constant 0 : i32
      %dma_wait3A_400 = tpu.memref_slice %arg7[%add3A_143, %dma_wait3A_399] : memref<10240x16xf32, #tpu.memory_space<vmem_shared>> -> memref<16x16xf32, #tpu.memory_space<vmem_shared>>
      %dma_wait3A_401 = arith.constant 0 : i32
      %dma_wait3A_402 = tpu.memref_slice %arg7[%add3A_143, %dma_wait3A_401] : memref<10240x16xf32, #tpu.memory_space<vmem_shared>> -> memref<16x16xf32, #tpu.memory_space<vmem_shared>>
      tpu.wait_dma2 semaphore(%run_scoped3A : memref<!tpu.dma_semaphore, #tpu.memory_space<semaphore_mem>>) src(%arg19 : memref<16x16xf32, #tpu.memory_space<vmem>>) dst(%dma_wait3A_402 : memref<16x16xf32, #tpu.memory_space<vmem_shared>>)
      tpu.yield
    }) : () -> ()
    %mul3A_144 = arith.constant 640 : i32
    %mul3A_145 = arith.muli %arg1, %mul3A_144 : i32
    %add3A_146 = arith.constant 352 : i32
    %add3A_147 = arith.addi %mul3A_145, %add3A_146 : i32
    "tpu.region"() ({
      %run_scoped3A = tpu.sem_alloc : memref<!tpu.dma_semaphore, #tpu.memory_space<semaphore_mem>>
      %dma_start3A_395 = arith.constant 0 : i32
      %dma_start3A_396 = tpu.memref_slice %arg7[%add3A_147, %dma_start3A_395] : memref<10240x16xf32, #tpu.memory_space<vmem_shared>> -> memref<16x16xf32, #tpu.memory_space<vmem_shared>>
      %dma_start3A_397 = arith.constant 0 : i32
      %dma_start3A_398 = tpu.memref_slice %arg7[%add3A_147, %dma_start3A_397] : memref<10240x16xf32, #tpu.memory_space<vmem_shared>> -> memref<16x16xf32, #tpu.memory_space<vmem_shared>>
      tpu.enqueue_dma source(%arg19 : memref<16x16xf32, #tpu.memory_space<vmem>>) target(%dma_start3A_398 : memref<16x16xf32, #tpu.memory_space<vmem_shared>>) target_semaphore(%run_scoped3A : memref<!tpu.dma_semaphore, #tpu.memory_space<semaphore_mem>>)
      %dma_wait3A_399 = arith.constant 0 : i32
      %dma_wait3A_400 = tpu.memref_slice %arg7[%add3A_147, %dma_wait3A_399] : memref<10240x16xf32, #tpu.memory_space<vmem_shared>> -> memref<16x16xf32, #tpu.memory_space<vmem_shared>>
      %dma_wait3A_401 = arith.constant 0 : i32
      %dma_wait3A_402 = tpu.memref_slice %arg7[%add3A_147, %dma_wait3A_401] : memref<10240x16xf32, #tpu.memory_space<vmem_shared>> -> memref<16x16xf32, #tpu.memory_space<vmem_shared>>
      tpu.wait_dma2 semaphore(%run_scoped3A : memref<!tpu.dma_semaphore, #tpu.memory_space<semaphore_mem>>) src(%arg19 : memref<16x16xf32, #tpu.memory_space<vmem>>) dst(%dma_wait3A_402 : memref<16x16xf32, #tpu.memory_space<vmem_shared>>)
      tpu.yield
    }) : () -> ()
    %mul3A_148 = arith.constant 640 : i32
    %mul3A_149 = arith.muli %arg1, %mul3A_148 : i32
    %add3A_150 = arith.constant 368 : i32
    %add3A_151 = arith.addi %mul3A_149, %add3A_150 : i32
    "tpu.region"() ({
      %run_scoped3A = tpu.sem_alloc : memref<!tpu.dma_semaphore, #tpu.memory_space<semaphore_mem>>
      %dma_start3A_395 = arith.constant 0 : i32
      %dma_start3A_396 = tpu.memref_slice %arg7[%add3A_151, %dma_start3A_395] : memref<10240x16xf32, #tpu.memory_space<vmem_shared>> -> memref<16x16xf32, #tpu.memory_space<vmem_shared>>
      %dma_start3A_397 = arith.constant 0 : i32
      %dma_start3A_398 = tpu.memref_slice %arg7[%add3A_151, %dma_start3A_397] : memref<10240x16xf32, #tpu.memory_space<vmem_shared>> -> memref<16x16xf32, #tpu.memory_space<vmem_shared>>
      tpu.enqueue_dma source(%arg19 : memref<16x16xf32, #tpu.memory_space<vmem>>) target(%dma_start3A_398 : memref<16x16xf32, #tpu.memory_space<vmem_shared>>) target_semaphore(%run_scoped3A : memref<!tpu.dma_semaphore, #tpu.memory_space<semaphore_mem>>)
      %dma_wait3A_399 = arith.constant 0 : i32
      %dma_wait3A_400 = tpu.memref_slice %arg7[%add3A_151, %dma_wait3A_399] : memref<10240x16xf32, #tpu.memory_space<vmem_shared>> -> memref<16x16xf32, #tpu.memory_space<vmem_shared>>
      %dma_wait3A_401 = arith.constant 0 : i32
      %dma_wait3A_402 = tpu.memref_slice %arg7[%add3A_151, %dma_wait3A_401] : memref<10240x16xf32, #tpu.memory_space<vmem_shared>> -> memref<16x16xf32, #tpu.memory_space<vmem_shared>>
      tpu.wait_dma2 semaphore(%run_scoped3A : memref<!tpu.dma_semaphore, #tpu.memory_space<semaphore_mem>>) src(%arg19 : memref<16x16xf32, #tpu.memory_space<vmem>>) dst(%dma_wait3A_402 : memref<16x16xf32, #tpu.memory_space<vmem_shared>>)
      tpu.yield
    }) : () -> ()
    %mul3A_152 = arith.constant 640 : i32
    %mul3A_153 = arith.muli %arg1, %mul3A_152 : i32
    %add3A_154 = arith.constant 384 : i32
    %add3A_155 = arith.addi %mul3A_153, %add3A_154 : i32
    "tpu.region"() ({
      %run_scoped3A = tpu.sem_alloc : memref<!tpu.dma_semaphore, #tpu.memory_space<semaphore_mem>>
      %dma_start3A_395 = arith.constant 0 : i32
      %dma_start3A_396 = tpu.memref_slice %arg7[%add3A_155, %dma_start3A_395] : memref<10240x16xf32, #tpu.memory_space<vmem_shared>> -> memref<16x16xf32, #tpu.memory_space<vmem_shared>>
      %dma_start3A_397 = arith.constant 0 : i32
      %dma_start3A_398 = tpu.memref_slice %arg7[%add3A_155, %dma_start3A_397] : memref<10240x16xf32, #tpu.memory_space<vmem_shared>> -> memref<16x16xf32, #tpu.memory_space<vmem_shared>>
      tpu.enqueue_dma source(%arg19 : memref<16x16xf32, #tpu.memory_space<vmem>>) target(%dma_start3A_398 : memref<16x16xf32, #tpu.memory_space<vmem_shared>>) target_semaphore(%run_scoped3A : memref<!tpu.dma_semaphore, #tpu.memory_space<semaphore_mem>>)
      %dma_wait3A_399 = arith.constant 0 : i32
      %dma_wait3A_400 = tpu.memref_slice %arg7[%add3A_155, %dma_wait3A_399] : memref<10240x16xf32, #tpu.memory_space<vmem_shared>> -> memref<16x16xf32, #tpu.memory_space<vmem_shared>>
      %dma_wait3A_401 = arith.constant 0 : i32
      %dma_wait3A_402 = tpu.memref_slice %arg7[%add3A_155, %dma_wait3A_401] : memref<10240x16xf32, #tpu.memory_space<vmem_shared>> -> memref<16x16xf32, #tpu.memory_space<vmem_shared>>
      tpu.wait_dma2 semaphore(%run_scoped3A : memref<!tpu.dma_semaphore, #tpu.memory_space<semaphore_mem>>) src(%arg19 : memref<16x16xf32, #tpu.memory_space<vmem>>) dst(%dma_wait3A_402 : memref<16x16xf32, #tpu.memory_space<vmem_shared>>)
      tpu.yield
    }) : () -> ()
    %mul3A_156 = arith.constant 640 : i32
    %mul3A_157 = arith.muli %arg1, %mul3A_156 : i32
    %add3A_158 = arith.constant 400 : i32
    %add3A_159 = arith.addi %mul3A_157, %add3A_158 : i32
    "tpu.region"() ({
      %run_scoped3A = tpu.sem_alloc : memref<!tpu.dma_semaphore, #tpu.memory_space<semaphore_mem>>
      %dma_start3A_395 = arith.constant 0 : i32
      %dma_start3A_396 = tpu.memref_slice %arg7[%add3A_159, %dma_start3A_395] : memref<10240x16xf32, #tpu.memory_space<vmem_shared>> -> memref<16x16xf32, #tpu.memory_space<vmem_shared>>
      %dma_start3A_397 = arith.constant 0 : i32
      %dma_start3A_398 = tpu.memref_slice %arg7[%add3A_159, %dma_start3A_397] : memref<10240x16xf32, #tpu.memory_space<vmem_shared>> -> memref<16x16xf32, #tpu.memory_space<vmem_shared>>
      tpu.enqueue_dma source(%arg19 : memref<16x16xf32, #tpu.memory_space<vmem>>) target(%dma_start3A_398 : memref<16x16xf32, #tpu.memory_space<vmem_shared>>) target_semaphore(%run_scoped3A : memref<!tpu.dma_semaphore, #tpu.memory_space<semaphore_mem>>)
      %dma_wait3A_399 = arith.constant 0 : i32
      %dma_wait3A_400 = tpu.memref_slice %arg7[%add3A_159, %dma_wait3A_399] : memref<10240x16xf32, #tpu.memory_space<vmem_shared>> -> memref<16x16xf32, #tpu.memory_space<vmem_shared>>
      %dma_wait3A_401 = arith.constant 0 : i32
      %dma_wait3A_402 = tpu.memref_slice %arg7[%add3A_159, %dma_wait3A_401] : memref<10240x16xf32, #tpu.memory_space<vmem_shared>> -> memref<16x16xf32, #tpu.memory_space<vmem_shared>>
      tpu.wait_dma2 semaphore(%run_scoped3A : memref<!tpu.dma_semaphore, #tpu.memory_space<semaphore_mem>>) src(%arg19 : memref<16x16xf32, #tpu.memory_space<vmem>>) dst(%dma_wait3A_402 : memref<16x16xf32, #tpu.memory_space<vmem_shared>>)
      tpu.yield
    }) : () -> ()
    %mul3A_160 = arith.constant 640 : i32
    %mul3A_161 = arith.muli %arg1, %mul3A_160 : i32
    %add3A_162 = arith.constant 416 : i32
    %add3A_163 = arith.addi %mul3A_161, %add3A_162 : i32
    "tpu.region"() ({
      %run_scoped3A = tpu.sem_alloc : memref<!tpu.dma_semaphore, #tpu.memory_space<semaphore_mem>>
      %dma_start3A_395 = arith.constant 0 : i32
      %dma_start3A_396 = tpu.memref_slice %arg7[%add3A_163, %dma_start3A_395] : memref<10240x16xf32, #tpu.memory_space<vmem_shared>> -> memref<16x16xf32, #tpu.memory_space<vmem_shared>>
      %dma_start3A_397 = arith.constant 0 : i32
      %dma_start3A_398 = tpu.memref_slice %arg7[%add3A_163, %dma_start3A_397] : memref<10240x16xf32, #tpu.memory_space<vmem_shared>> -> memref<16x16xf32, #tpu.memory_space<vmem_shared>>
      tpu.enqueue_dma source(%arg19 : memref<16x16xf32, #tpu.memory_space<vmem>>) target(%dma_start3A_398 : memref<16x16xf32, #tpu.memory_space<vmem_shared>>) target_semaphore(%run_scoped3A : memref<!tpu.dma_semaphore, #tpu.memory_space<semaphore_mem>>)
      %dma_wait3A_399 = arith.constant 0 : i32
      %dma_wait3A_400 = tpu.memref_slice %arg7[%add3A_163, %dma_wait3A_399] : memref<10240x16xf32, #tpu.memory_space<vmem_shared>> -> memref<16x16xf32, #tpu.memory_space<vmem_shared>>
      %dma_wait3A_401 = arith.constant 0 : i32
      %dma_wait3A_402 = tpu.memref_slice %arg7[%add3A_163, %dma_wait3A_401] : memref<10240x16xf32, #tpu.memory_space<vmem_shared>> -> memref<16x16xf32, #tpu.memory_space<vmem_shared>>
      tpu.wait_dma2 semaphore(%run_scoped3A : memref<!tpu.dma_semaphore, #tpu.memory_space<semaphore_mem>>) src(%arg19 : memref<16x16xf32, #tpu.memory_space<vmem>>) dst(%dma_wait3A_402 : memref<16x16xf32, #tpu.memory_space<vmem_shared>>)
      tpu.yield
    }) : () -> ()
    %mul3A_164 = arith.constant 640 : i32
    %mul3A_165 = arith.muli %arg1, %mul3A_164 : i32
    %add3A_166 = arith.constant 432 : i32
    %add3A_167 = arith.addi %mul3A_165, %add3A_166 : i32
    "tpu.region"() ({
      %run_scoped3A = tpu.sem_alloc : memref<!tpu.dma_semaphore, #tpu.memory_space<semaphore_mem>>
      %dma_start3A_395 = arith.constant 0 : i32
      %dma_start3A_396 = tpu.memref_slice %arg7[%add3A_167, %dma_start3A_395] : memref<10240x16xf32, #tpu.memory_space<vmem_shared>> -> memref<16x16xf32, #tpu.memory_space<vmem_shared>>
      %dma_start3A_397 = arith.constant 0 : i32
      %dma_start3A_398 = tpu.memref_slice %arg7[%add3A_167, %dma_start3A_397] : memref<10240x16xf32, #tpu.memory_space<vmem_shared>> -> memref<16x16xf32, #tpu.memory_space<vmem_shared>>
      tpu.enqueue_dma source(%arg19 : memref<16x16xf32, #tpu.memory_space<vmem>>) target(%dma_start3A_398 : memref<16x16xf32, #tpu.memory_space<vmem_shared>>) target_semaphore(%run_scoped3A : memref<!tpu.dma_semaphore, #tpu.memory_space<semaphore_mem>>)
      %dma_wait3A_399 = arith.constant 0 : i32
      %dma_wait3A_400 = tpu.memref_slice %arg7[%add3A_167, %dma_wait3A_399] : memref<10240x16xf32, #tpu.memory_space<vmem_shared>> -> memref<16x16xf32, #tpu.memory_space<vmem_shared>>
      %dma_wait3A_401 = arith.constant 0 : i32
      %dma_wait3A_402 = tpu.memref_slice %arg7[%add3A_167, %dma_wait3A_401] : memref<10240x16xf32, #tpu.memory_space<vmem_shared>> -> memref<16x16xf32, #tpu.memory_space<vmem_shared>>
      tpu.wait_dma2 semaphore(%run_scoped3A : memref<!tpu.dma_semaphore, #tpu.memory_space<semaphore_mem>>) src(%arg19 : memref<16x16xf32, #tpu.memory_space<vmem>>) dst(%dma_wait3A_402 : memref<16x16xf32, #tpu.memory_space<vmem_shared>>)
      tpu.yield
    }) : () -> ()
    %mul3A_168 = arith.constant 640 : i32
    %mul3A_169 = arith.muli %arg1, %mul3A_168 : i32
    %add3A_170 = arith.constant 448 : i32
    %add3A_171 = arith.addi %mul3A_169, %add3A_170 : i32
    "tpu.region"() ({
      %run_scoped3A = tpu.sem_alloc : memref<!tpu.dma_semaphore, #tpu.memory_space<semaphore_mem>>
      %dma_start3A_395 = arith.constant 0 : i32
      %dma_start3A_396 = tpu.memref_slice %arg7[%add3A_171, %dma_start3A_395] : memref<10240x16xf32, #tpu.memory_space<vmem_shared>> -> memref<16x16xf32, #tpu.memory_space<vmem_shared>>
      %dma_start3A_397 = arith.constant 0 : i32
      %dma_start3A_398 = tpu.memref_slice %arg7[%add3A_171, %dma_start3A_397] : memref<10240x16xf32, #tpu.memory_space<vmem_shared>> -> memref<16x16xf32, #tpu.memory_space<vmem_shared>>
      tpu.enqueue_dma source(%arg19 : memref<16x16xf32, #tpu.memory_space<vmem>>) target(%dma_start3A_398 : memref<16x16xf32, #tpu.memory_space<vmem_shared>>) target_semaphore(%run_scoped3A : memref<!tpu.dma_semaphore, #tpu.memory_space<semaphore_mem>>)
      %dma_wait3A_399 = arith.constant 0 : i32
      %dma_wait3A_400 = tpu.memref_slice %arg7[%add3A_171, %dma_wait3A_399] : memref<10240x16xf32, #tpu.memory_space<vmem_shared>> -> memref<16x16xf32, #tpu.memory_space<vmem_shared>>
      %dma_wait3A_401 = arith.constant 0 : i32
      %dma_wait3A_402 = tpu.memref_slice %arg7[%add3A_171, %dma_wait3A_401] : memref<10240x16xf32, #tpu.memory_space<vmem_shared>> -> memref<16x16xf32, #tpu.memory_space<vmem_shared>>
      tpu.wait_dma2 semaphore(%run_scoped3A : memref<!tpu.dma_semaphore, #tpu.memory_space<semaphore_mem>>) src(%arg19 : memref<16x16xf32, #tpu.memory_space<vmem>>) dst(%dma_wait3A_402 : memref<16x16xf32, #tpu.memory_space<vmem_shared>>)
      tpu.yield
    }) : () -> ()
    %mul3A_172 = arith.constant 640 : i32
    %mul3A_173 = arith.muli %arg1, %mul3A_172 : i32
    %add3A_174 = arith.constant 464 : i32
    %add3A_175 = arith.addi %mul3A_173, %add3A_174 : i32
    "tpu.region"() ({
      %run_scoped3A = tpu.sem_alloc : memref<!tpu.dma_semaphore, #tpu.memory_space<semaphore_mem>>
      %dma_start3A_395 = arith.constant 0 : i32
      %dma_start3A_396 = tpu.memref_slice %arg7[%add3A_175, %dma_start3A_395] : memref<10240x16xf32, #tpu.memory_space<vmem_shared>> -> memref<16x16xf32, #tpu.memory_space<vmem_shared>>
      %dma_start3A_397 = arith.constant 0 : i32
      %dma_start3A_398 = tpu.memref_slice %arg7[%add3A_175, %dma_start3A_397] : memref<10240x16xf32, #tpu.memory_space<vmem_shared>> -> memref<16x16xf32, #tpu.memory_space<vmem_shared>>
      tpu.enqueue_dma source(%arg19 : memref<16x16xf32, #tpu.memory_space<vmem>>) target(%dma_start3A_398 : memref<16x16xf32, #tpu.memory_space<vmem_shared>>) target_semaphore(%run_scoped3A : memref<!tpu.dma_semaphore, #tpu.memory_space<semaphore_mem>>)
      %dma_wait3A_399 = arith.constant 0 : i32
      %dma_wait3A_400 = tpu.memref_slice %arg7[%add3A_175, %dma_wait3A_399] : memref<10240x16xf32, #tpu.memory_space<vmem_shared>> -> memref<16x16xf32, #tpu.memory_space<vmem_shared>>
      %dma_wait3A_401 = arith.constant 0 : i32
      %dma_wait3A_402 = tpu.memref_slice %arg7[%add3A_175, %dma_wait3A_401] : memref<10240x16xf32, #tpu.memory_space<vmem_shared>> -> memref<16x16xf32, #tpu.memory_space<vmem_shared>>
      tpu.wait_dma2 semaphore(%run_scoped3A : memref<!tpu.dma_semaphore, #tpu.memory_space<semaphore_mem>>) src(%arg19 : memref<16x16xf32, #tpu.memory_space<vmem>>) dst(%dma_wait3A_402 : memref<16x16xf32, #tpu.memory_space<vmem_shared>>)
      tpu.yield
    }) : () -> ()
    %mul3A_176 = arith.constant 640 : i32
    %mul3A_177 = arith.muli %arg1, %mul3A_176 : i32
    %add3A_178 = arith.constant 480 : i32
    %add3A_179 = arith.addi %mul3A_177, %add3A_178 : i32
    "tpu.region"() ({
      %run_scoped3A = tpu.sem_alloc : memref<!tpu.dma_semaphore, #tpu.memory_space<semaphore_mem>>
      %dma_start3A_395 = arith.constant 0 : i32
      %dma_start3A_396 = tpu.memref_slice %arg7[%add3A_179, %dma_start3A_395] : memref<10240x16xf32, #tpu.memory_space<vmem_shared>> -> memref<16x16xf32, #tpu.memory_space<vmem_shared>>
      %dma_start3A_397 = arith.constant 0 : i32
      %dma_start3A_398 = tpu.memref_slice %arg7[%add3A_179, %dma_start3A_397] : memref<10240x16xf32, #tpu.memory_space<vmem_shared>> -> memref<16x16xf32, #tpu.memory_space<vmem_shared>>
      tpu.enqueue_dma source(%arg19 : memref<16x16xf32, #tpu.memory_space<vmem>>) target(%dma_start3A_398 : memref<16x16xf32, #tpu.memory_space<vmem_shared>>) target_semaphore(%run_scoped3A : memref<!tpu.dma_semaphore, #tpu.memory_space<semaphore_mem>>)
      %dma_wait3A_399 = arith.constant 0 : i32
      %dma_wait3A_400 = tpu.memref_slice %arg7[%add3A_179, %dma_wait3A_399] : memref<10240x16xf32, #tpu.memory_space<vmem_shared>> -> memref<16x16xf32, #tpu.memory_space<vmem_shared>>
      %dma_wait3A_401 = arith.constant 0 : i32
      %dma_wait3A_402 = tpu.memref_slice %arg7[%add3A_179, %dma_wait3A_401] : memref<10240x16xf32, #tpu.memory_space<vmem_shared>> -> memref<16x16xf32, #tpu.memory_space<vmem_shared>>
      tpu.wait_dma2 semaphore(%run_scoped3A : memref<!tpu.dma_semaphore, #tpu.memory_space<semaphore_mem>>) src(%arg19 : memref<16x16xf32, #tpu.memory_space<vmem>>) dst(%dma_wait3A_402 : memref<16x16xf32, #tpu.memory_space<vmem_shared>>)
      tpu.yield
    }) : () -> ()
    %mul3A_180 = arith.constant 640 : i32
    %mul3A_181 = arith.muli %arg1, %mul3A_180 : i32
    %add3A_182 = arith.constant 496 : i32
    %add3A_183 = arith.addi %mul3A_181, %add3A_182 : i32
    "tpu.region"() ({
      %run_scoped3A = tpu.sem_alloc : memref<!tpu.dma_semaphore, #tpu.memory_space<semaphore_mem>>
      %dma_start3A_395 = arith.constant 0 : i32
      %dma_start3A_396 = tpu.memref_slice %arg7[%add3A_183, %dma_start3A_395] : memref<10240x16xf32, #tpu.memory_space<vmem_shared>> -> memref<16x16xf32, #tpu.memory_space<vmem_shared>>
      %dma_start3A_397 = arith.constant 0 : i32
      %dma_start3A_398 = tpu.memref_slice %arg7[%add3A_183, %dma_start3A_397] : memref<10240x16xf32, #tpu.memory_space<vmem_shared>> -> memref<16x16xf32, #tpu.memory_space<vmem_shared>>
      tpu.enqueue_dma source(%arg19 : memref<16x16xf32, #tpu.memory_space<vmem>>) target(%dma_start3A_398 : memref<16x16xf32, #tpu.memory_space<vmem_shared>>) target_semaphore(%run_scoped3A : memref<!tpu.dma_semaphore, #tpu.memory_space<semaphore_mem>>)
      %dma_wait3A_399 = arith.constant 0 : i32
      %dma_wait3A_400 = tpu.memref_slice %arg7[%add3A_183, %dma_wait3A_399] : memref<10240x16xf32, #tpu.memory_space<vmem_shared>> -> memref<16x16xf32, #tpu.memory_space<vmem_shared>>
      %dma_wait3A_401 = arith.constant 0 : i32
      %dma_wait3A_402 = tpu.memref_slice %arg7[%add3A_183, %dma_wait3A_401] : memref<10240x16xf32, #tpu.memory_space<vmem_shared>> -> memref<16x16xf32, #tpu.memory_space<vmem_shared>>
      tpu.wait_dma2 semaphore(%run_scoped3A : memref<!tpu.dma_semaphore, #tpu.memory_space<semaphore_mem>>) src(%arg19 : memref<16x16xf32, #tpu.memory_space<vmem>>) dst(%dma_wait3A_402 : memref<16x16xf32, #tpu.memory_space<vmem_shared>>)
      tpu.yield
    }) : () -> ()
    %mul3A_184 = arith.constant 640 : i32
    %mul3A_185 = arith.muli %arg1, %mul3A_184 : i32
    %add3A_186 = arith.constant 512 : i32
    %add3A_187 = arith.addi %mul3A_185, %add3A_186 : i32
    "tpu.region"() ({
      %run_scoped3A = tpu.sem_alloc : memref<!tpu.dma_semaphore, #tpu.memory_space<semaphore_mem>>
      %dma_start3A_395 = arith.constant 0 : i32
      %dma_start3A_396 = tpu.memref_slice %arg7[%add3A_187, %dma_start3A_395] : memref<10240x16xf32, #tpu.memory_space<vmem_shared>> -> memref<16x16xf32, #tpu.memory_space<vmem_shared>>
      %dma_start3A_397 = arith.constant 0 : i32
      %dma_start3A_398 = tpu.memref_slice %arg7[%add3A_187, %dma_start3A_397] : memref<10240x16xf32, #tpu.memory_space<vmem_shared>> -> memref<16x16xf32, #tpu.memory_space<vmem_shared>>
      tpu.enqueue_dma source(%arg19 : memref<16x16xf32, #tpu.memory_space<vmem>>) target(%dma_start3A_398 : memref<16x16xf32, #tpu.memory_space<vmem_shared>>) target_semaphore(%run_scoped3A : memref<!tpu.dma_semaphore, #tpu.memory_space<semaphore_mem>>)
      %dma_wait3A_399 = arith.constant 0 : i32
      %dma_wait3A_400 = tpu.memref_slice %arg7[%add3A_187, %dma_wait3A_399] : memref<10240x16xf32, #tpu.memory_space<vmem_shared>> -> memref<16x16xf32, #tpu.memory_space<vmem_shared>>
      %dma_wait3A_401 = arith.constant 0 : i32
      %dma_wait3A_402 = tpu.memref_slice %arg7[%add3A_187, %dma_wait3A_401] : memref<10240x16xf32, #tpu.memory_space<vmem_shared>> -> memref<16x16xf32, #tpu.memory_space<vmem_shared>>
      tpu.wait_dma2 semaphore(%run_scoped3A : memref<!tpu.dma_semaphore, #tpu.memory_space<semaphore_mem>>) src(%arg19 : memref<16x16xf32, #tpu.memory_space<vmem>>) dst(%dma_wait3A_402 : memref<16x16xf32, #tpu.memory_space<vmem_shared>>)
      tpu.yield
    }) : () -> ()
    %mul3A_188 = arith.constant 640 : i32
    %mul3A_189 = arith.muli %arg1, %mul3A_188 : i32
    %add3A_190 = arith.constant 528 : i32
    %add3A_191 = arith.addi %mul3A_189, %add3A_190 : i32
    "tpu.region"() ({
      %run_scoped3A = tpu.sem_alloc : memref<!tpu.dma_semaphore, #tpu.memory_space<semaphore_mem>>
      %dma_start3A_395 = arith.constant 0 : i32
      %dma_start3A_396 = tpu.memref_slice %arg7[%add3A_191, %dma_start3A_395] : memref<10240x16xf32, #tpu.memory_space<vmem_shared>> -> memref<16x16xf32, #tpu.memory_space<vmem_shared>>
      %dma_start3A_397 = arith.constant 0 : i32
      %dma_start3A_398 = tpu.memref_slice %arg7[%add3A_191, %dma_start3A_397] : memref<10240x16xf32, #tpu.memory_space<vmem_shared>> -> memref<16x16xf32, #tpu.memory_space<vmem_shared>>
      tpu.enqueue_dma source(%arg19 : memref<16x16xf32, #tpu.memory_space<vmem>>) target(%dma_start3A_398 : memref<16x16xf32, #tpu.memory_space<vmem_shared>>) target_semaphore(%run_scoped3A : memref<!tpu.dma_semaphore, #tpu.memory_space<semaphore_mem>>)
      %dma_wait3A_399 = arith.constant 0 : i32
      %dma_wait3A_400 = tpu.memref_slice %arg7[%add3A_191, %dma_wait3A_399] : memref<10240x16xf32, #tpu.memory_space<vmem_shared>> -> memref<16x16xf32, #tpu.memory_space<vmem_shared>>
      %dma_wait3A_401 = arith.constant 0 : i32
      %dma_wait3A_402 = tpu.memref_slice %arg7[%add3A_191, %dma_wait3A_401] : memref<10240x16xf32, #tpu.memory_space<vmem_shared>> -> memref<16x16xf32, #tpu.memory_space<vmem_shared>>
      tpu.wait_dma2 semaphore(%run_scoped3A : memref<!tpu.dma_semaphore, #tpu.memory_space<semaphore_mem>>) src(%arg19 : memref<16x16xf32, #tpu.memory_space<vmem>>) dst(%dma_wait3A_402 : memref<16x16xf32, #tpu.memory_space<vmem_shared>>)
      tpu.yield
    }) : () -> ()
    %mul3A_192 = arith.constant 640 : i32
    %mul3A_193 = arith.muli %arg1, %mul3A_192 : i32
    %add3A_194 = arith.constant 544 : i32
    %add3A_195 = arith.addi %mul3A_193, %add3A_194 : i32
    "tpu.region"() ({
      %run_scoped3A = tpu.sem_alloc : memref<!tpu.dma_semaphore, #tpu.memory_space<semaphore_mem>>
      %dma_start3A_395 = arith.constant 0 : i32
      %dma_start3A_396 = tpu.memref_slice %arg7[%add3A_195, %dma_start3A_395] : memref<10240x16xf32, #tpu.memory_space<vmem_shared>> -> memref<16x16xf32, #tpu.memory_space<vmem_shared>>
      %dma_start3A_397 = arith.constant 0 : i32
      %dma_start3A_398 = tpu.memref_slice %arg7[%add3A_195, %dma_start3A_397] : memref<10240x16xf32, #tpu.memory_space<vmem_shared>> -> memref<16x16xf32, #tpu.memory_space<vmem_shared>>
      tpu.enqueue_dma source(%arg19 : memref<16x16xf32, #tpu.memory_space<vmem>>) target(%dma_start3A_398 : memref<16x16xf32, #tpu.memory_space<vmem_shared>>) target_semaphore(%run_scoped3A : memref<!tpu.dma_semaphore, #tpu.memory_space<semaphore_mem>>)
      %dma_wait3A_399 = arith.constant 0 : i32
      %dma_wait3A_400 = tpu.memref_slice %arg7[%add3A_195, %dma_wait3A_399] : memref<10240x16xf32, #tpu.memory_space<vmem_shared>> -> memref<16x16xf32, #tpu.memory_space<vmem_shared>>
      %dma_wait3A_401 = arith.constant 0 : i32
      %dma_wait3A_402 = tpu.memref_slice %arg7[%add3A_195, %dma_wait3A_401] : memref<10240x16xf32, #tpu.memory_space<vmem_shared>> -> memref<16x16xf32, #tpu.memory_space<vmem_shared>>
      tpu.wait_dma2 semaphore(%run_scoped3A : memref<!tpu.dma_semaphore, #tpu.memory_space<semaphore_mem>>) src(%arg19 : memref<16x16xf32, #tpu.memory_space<vmem>>) dst(%dma_wait3A_402 : memref<16x16xf32, #tpu.memory_space<vmem_shared>>)
      tpu.yield
    }) : () -> ()
    %mul3A_196 = arith.constant 640 : i32
    %mul3A_197 = arith.muli %arg1, %mul3A_196 : i32
    %add3A_198 = arith.constant 560 : i32
    %add3A_199 = arith.addi %mul3A_197, %add3A_198 : i32
    "tpu.region"() ({
      %run_scoped3A = tpu.sem_alloc : memref<!tpu.dma_semaphore, #tpu.memory_space<semaphore_mem>>
      %dma_start3A_395 = arith.constant 0 : i32
      %dma_start3A_396 = tpu.memref_slice %arg7[%add3A_199, %dma_start3A_395] : memref<10240x16xf32, #tpu.memory_space<vmem_shared>> -> memref<16x16xf32, #tpu.memory_space<vmem_shared>>
      %dma_start3A_397 = arith.constant 0 : i32
      %dma_start3A_398 = tpu.memref_slice %arg7[%add3A_199, %dma_start3A_397] : memref<10240x16xf32, #tpu.memory_space<vmem_shared>> -> memref<16x16xf32, #tpu.memory_space<vmem_shared>>
      tpu.enqueue_dma source(%arg19 : memref<16x16xf32, #tpu.memory_space<vmem>>) target(%dma_start3A_398 : memref<16x16xf32, #tpu.memory_space<vmem_shared>>) target_semaphore(%run_scoped3A : memref<!tpu.dma_semaphore, #tpu.memory_space<semaphore_mem>>)
      %dma_wait3A_399 = arith.constant 0 : i32
      %dma_wait3A_400 = tpu.memref_slice %arg7[%add3A_199, %dma_wait3A_399] : memref<10240x16xf32, #tpu.memory_space<vmem_shared>> -> memref<16x16xf32, #tpu.memory_space<vmem_shared>>
      %dma_wait3A_401 = arith.constant 0 : i32
      %dma_wait3A_402 = tpu.memref_slice %arg7[%add3A_199, %dma_wait3A_401] : memref<10240x16xf32, #tpu.memory_space<vmem_shared>> -> memref<16x16xf32, #tpu.memory_space<vmem_shared>>
      tpu.wait_dma2 semaphore(%run_scoped3A : memref<!tpu.dma_semaphore, #tpu.memory_space<semaphore_mem>>) src(%arg19 : memref<16x16xf32, #tpu.memory_space<vmem>>) dst(%dma_wait3A_402 : memref<16x16xf32, #tpu.memory_space<vmem_shared>>)
      tpu.yield
    }) : () -> ()
    %mul3A_200 = arith.constant 640 : i32
    %mul3A_201 = arith.muli %arg1, %mul3A_200 : i32
    %add3A_202 = arith.constant 576 : i32
    %add3A_203 = arith.addi %mul3A_201, %add3A_202 : i32
    "tpu.region"() ({
      %run_scoped3A = tpu.sem_alloc : memref<!tpu.dma_semaphore, #tpu.memory_space<semaphore_mem>>
      %dma_start3A_395 = arith.constant 0 : i32
      %dma_start3A_396 = tpu.memref_slice %arg7[%add3A_203, %dma_start3A_395] : memref<10240x16xf32, #tpu.memory_space<vmem_shared>> -> memref<16x16xf32, #tpu.memory_space<vmem_shared>>
      %dma_start3A_397 = arith.constant 0 : i32
      %dma_start3A_398 = tpu.memref_slice %arg7[%add3A_203, %dma_start3A_397] : memref<10240x16xf32, #tpu.memory_space<vmem_shared>> -> memref<16x16xf32, #tpu.memory_space<vmem_shared>>
      tpu.enqueue_dma source(%arg19 : memref<16x16xf32, #tpu.memory_space<vmem>>) target(%dma_start3A_398 : memref<16x16xf32, #tpu.memory_space<vmem_shared>>) target_semaphore(%run_scoped3A : memref<!tpu.dma_semaphore, #tpu.memory_space<semaphore_mem>>)
      %dma_wait3A_399 = arith.constant 0 : i32
      %dma_wait3A_400 = tpu.memref_slice %arg7[%add3A_203, %dma_wait3A_399] : memref<10240x16xf32, #tpu.memory_space<vmem_shared>> -> memref<16x16xf32, #tpu.memory_space<vmem_shared>>
      %dma_wait3A_401 = arith.constant 0 : i32
      %dma_wait3A_402 = tpu.memref_slice %arg7[%add3A_203, %dma_wait3A_401] : memref<10240x16xf32, #tpu.memory_space<vmem_shared>> -> memref<16x16xf32, #tpu.memory_space<vmem_shared>>
      tpu.wait_dma2 semaphore(%run_scoped3A : memref<!tpu.dma_semaphore, #tpu.memory_space<semaphore_mem>>) src(%arg19 : memref<16x16xf32, #tpu.memory_space<vmem>>) dst(%dma_wait3A_402 : memref<16x16xf32, #tpu.memory_space<vmem_shared>>)
      tpu.yield
    }) : () -> ()
    %mul3A_204 = arith.constant 640 : i32
    %mul3A_205 = arith.muli %arg1, %mul3A_204 : i32
    %add3A_206 = arith.constant 592 : i32
    %add3A_207 = arith.addi %mul3A_205, %add3A_206 : i32
    "tpu.region"() ({
      %run_scoped3A = tpu.sem_alloc : memref<!tpu.dma_semaphore, #tpu.memory_space<semaphore_mem>>
      %dma_start3A_395 = arith.constant 0 : i32
      %dma_start3A_396 = tpu.memref_slice %arg7[%add3A_207, %dma_start3A_395] : memref<10240x16xf32, #tpu.memory_space<vmem_shared>> -> memref<16x16xf32, #tpu.memory_space<vmem_shared>>
      %dma_start3A_397 = arith.constant 0 : i32
      %dma_start3A_398 = tpu.memref_slice %arg7[%add3A_207, %dma_start3A_397] : memref<10240x16xf32, #tpu.memory_space<vmem_shared>> -> memref<16x16xf32, #tpu.memory_space<vmem_shared>>
      tpu.enqueue_dma source(%arg19 : memref<16x16xf32, #tpu.memory_space<vmem>>) target(%dma_start3A_398 : memref<16x16xf32, #tpu.memory_space<vmem_shared>>) target_semaphore(%run_scoped3A : memref<!tpu.dma_semaphore, #tpu.memory_space<semaphore_mem>>)
      %dma_wait3A_399 = arith.constant 0 : i32
      %dma_wait3A_400 = tpu.memref_slice %arg7[%add3A_207, %dma_wait3A_399] : memref<10240x16xf32, #tpu.memory_space<vmem_shared>> -> memref<16x16xf32, #tpu.memory_space<vmem_shared>>
      %dma_wait3A_401 = arith.constant 0 : i32
      %dma_wait3A_402 = tpu.memref_slice %arg7[%add3A_207, %dma_wait3A_401] : memref<10240x16xf32, #tpu.memory_space<vmem_shared>> -> memref<16x16xf32, #tpu.memory_space<vmem_shared>>
      tpu.wait_dma2 semaphore(%run_scoped3A : memref<!tpu.dma_semaphore, #tpu.memory_space<semaphore_mem>>) src(%arg19 : memref<16x16xf32, #tpu.memory_space<vmem>>) dst(%dma_wait3A_402 : memref<16x16xf32, #tpu.memory_space<vmem_shared>>)
      tpu.yield
    }) : () -> ()
    %mul3A_208 = arith.constant 640 : i32
    %mul3A_209 = arith.muli %arg1, %mul3A_208 : i32
    %add3A_210 = arith.constant 608 : i32
    %add3A_211 = arith.addi %mul3A_209, %add3A_210 : i32
    "tpu.region"() ({
      %run_scoped3A = tpu.sem_alloc : memref<!tpu.dma_semaphore, #tpu.memory_space<semaphore_mem>>
      %dma_start3A_395 = arith.constant 0 : i32
      %dma_start3A_396 = tpu.memref_slice %arg7[%add3A_211, %dma_start3A_395] : memref<10240x16xf32, #tpu.memory_space<vmem_shared>> -> memref<16x16xf32, #tpu.memory_space<vmem_shared>>
      %dma_start3A_397 = arith.constant 0 : i32
      %dma_start3A_398 = tpu.memref_slice %arg7[%add3A_211, %dma_start3A_397] : memref<10240x16xf32, #tpu.memory_space<vmem_shared>> -> memref<16x16xf32, #tpu.memory_space<vmem_shared>>
      tpu.enqueue_dma source(%arg19 : memref<16x16xf32, #tpu.memory_space<vmem>>) target(%dma_start3A_398 : memref<16x16xf32, #tpu.memory_space<vmem_shared>>) target_semaphore(%run_scoped3A : memref<!tpu.dma_semaphore, #tpu.memory_space<semaphore_mem>>)
      %dma_wait3A_399 = arith.constant 0 : i32
      %dma_wait3A_400 = tpu.memref_slice %arg7[%add3A_211, %dma_wait3A_399] : memref<10240x16xf32, #tpu.memory_space<vmem_shared>> -> memref<16x16xf32, #tpu.memory_space<vmem_shared>>
      %dma_wait3A_401 = arith.constant 0 : i32
      %dma_wait3A_402 = tpu.memref_slice %arg7[%add3A_211, %dma_wait3A_401] : memref<10240x16xf32, #tpu.memory_space<vmem_shared>> -> memref<16x16xf32, #tpu.memory_space<vmem_shared>>
      tpu.wait_dma2 semaphore(%run_scoped3A : memref<!tpu.dma_semaphore, #tpu.memory_space<semaphore_mem>>) src(%arg19 : memref<16x16xf32, #tpu.memory_space<vmem>>) dst(%dma_wait3A_402 : memref<16x16xf32, #tpu.memory_space<vmem_shared>>)
      tpu.yield
    }) : () -> ()
    %mul3A_212 = arith.constant 640 : i32
    %mul3A_213 = arith.muli %arg1, %mul3A_212 : i32
    %add3A_214 = arith.constant 624 : i32
    %add3A_215 = arith.addi %mul3A_213, %add3A_214 : i32
    "tpu.region"() ({
      %run_scoped3A = tpu.sem_alloc : memref<!tpu.dma_semaphore, #tpu.memory_space<semaphore_mem>>
      %dma_start3A_395 = arith.constant 0 : i32
      %dma_start3A_396 = tpu.memref_slice %arg7[%add3A_215, %dma_start3A_395] : memref<10240x16xf32, #tpu.memory_space<vmem_shared>> -> memref<16x16xf32, #tpu.memory_space<vmem_shared>>
      %dma_start3A_397 = arith.constant 0 : i32
      %dma_start3A_398 = tpu.memref_slice %arg7[%add3A_215, %dma_start3A_397] : memref<10240x16xf32, #tpu.memory_space<vmem_shared>> -> memref<16x16xf32, #tpu.memory_space<vmem_shared>>
      tpu.enqueue_dma source(%arg19 : memref<16x16xf32, #tpu.memory_space<vmem>>) target(%dma_start3A_398 : memref<16x16xf32, #tpu.memory_space<vmem_shared>>) target_semaphore(%run_scoped3A : memref<!tpu.dma_semaphore, #tpu.memory_space<semaphore_mem>>)
      %dma_wait3A_399 = arith.constant 0 : i32
      %dma_wait3A_400 = tpu.memref_slice %arg7[%add3A_215, %dma_wait3A_399] : memref<10240x16xf32, #tpu.memory_space<vmem_shared>> -> memref<16x16xf32, #tpu.memory_space<vmem_shared>>
      %dma_wait3A_401 = arith.constant 0 : i32
      %dma_wait3A_402 = tpu.memref_slice %arg7[%add3A_215, %dma_wait3A_401] : memref<10240x16xf32, #tpu.memory_space<vmem_shared>> -> memref<16x16xf32, #tpu.memory_space<vmem_shared>>
      tpu.wait_dma2 semaphore(%run_scoped3A : memref<!tpu.dma_semaphore, #tpu.memory_space<semaphore_mem>>) src(%arg19 : memref<16x16xf32, #tpu.memory_space<vmem>>) dst(%dma_wait3A_402 : memref<16x16xf32, #tpu.memory_space<vmem_shared>>)
      tpu.yield
    }) : () -> ()
    %barrier3A = arith.constant 0 : index
    tpu.barrier barrier_id(%barrier3A)
    %add3A_216 = arith.constant 0 : i32
    %add3A_217 = arith.addi %add3A_216, %add3A : i32
    %dma_start3A = arith.constant 0 : i32
    %dma_start3A_218 = tpu.memref_slice %arg3[%add3A_217, %dma_start3A] : memref<5000x128xi32, #tpu.memory_space<hbm>> -> memref<1x128xi32, #tpu.memory_space<hbm>>
    %dma_start3A_219 = tpu.memref_squeeze %dma_start3A_218 : memref<1x128xi32, #tpu.memory_space<hbm>> -> memref<128xi32, #tpu.memory_space<hbm>>
    %dma_start3A_220 = arith.constant 0 : i32
    %dma_start3A_221 = tpu.memref_slice %arg3[%add3A_217, %dma_start3A_220] : memref<5000x128xi32, #tpu.memory_space<hbm>> -> memref<1x128xi32, #tpu.memory_space<hbm>>
    %dma_start3A_222 = tpu.memref_squeeze %dma_start3A_221 : memref<1x128xi32, #tpu.memory_space<hbm>> -> memref<128xi32, #tpu.memory_space<hbm>>
    tpu.enqueue_dma source(%dma_start3A_222 : memref<128xi32, #tpu.memory_space<hbm>>) target(%arg10 : memref<128xi32, #tpu.memory_space<vmem>>) target_semaphore(%arg24 : memref<!tpu.dma_semaphore, #tpu.memory_space<semaphore_mem>>)
    %add3A_223 = arith.constant 2500 : i32
    %add3A_224 = arith.addi %add3A_223, %add3A : i32
    %dma_start3A_225 = arith.constant 0 : i32
    %dma_start3A_226 = tpu.memref_slice %arg3[%add3A_224, %dma_start3A_225] : memref<5000x128xi32, #tpu.memory_space<hbm>> -> memref<1x128xi32, #tpu.memory_space<hbm>>
    %dma_start3A_227 = tpu.memref_squeeze %dma_start3A_226 : memref<1x128xi32, #tpu.memory_space<hbm>> -> memref<128xi32, #tpu.memory_space<hbm>>
    %dma_start3A_228 = arith.constant 0 : i32
    %dma_start3A_229 = tpu.memref_slice %arg3[%add3A_224, %dma_start3A_228] : memref<5000x128xi32, #tpu.memory_space<hbm>> -> memref<1x128xi32, #tpu.memory_space<hbm>>
    %dma_start3A_230 = tpu.memref_squeeze %dma_start3A_229 : memref<1x128xi32, #tpu.memory_space<hbm>> -> memref<128xi32, #tpu.memory_space<hbm>>
    tpu.enqueue_dma source(%dma_start3A_230 : memref<128xi32, #tpu.memory_space<hbm>>) target(%arg14 : memref<128xi32, #tpu.memory_space<vmem>>) target_semaphore(%arg24 : memref<!tpu.dma_semaphore, #tpu.memory_space<semaphore_mem>>)
    %add3A_231 = arith.constant 32 : i32
    %add3A_232 = arith.addi %add3A_231, %add3A : i32
    %dma_start3A_233 = arith.constant 0 : i32
    %dma_start3A_234 = tpu.memref_slice %arg3[%add3A_232, %dma_start3A_233] : memref<5000x128xi32, #tpu.memory_space<hbm>> -> memref<1x128xi32, #tpu.memory_space<hbm>>
    %dma_start3A_235 = tpu.memref_squeeze %dma_start3A_234 : memref<1x128xi32, #tpu.memory_space<hbm>> -> memref<128xi32, #tpu.memory_space<hbm>>
    %dma_start3A_236 = arith.constant 0 : i32
    %dma_start3A_237 = tpu.memref_slice %arg3[%add3A_232, %dma_start3A_236] : memref<5000x128xi32, #tpu.memory_space<hbm>> -> memref<1x128xi32, #tpu.memory_space<hbm>>
    %dma_start3A_238 = tpu.memref_squeeze %dma_start3A_237 : memref<1x128xi32, #tpu.memory_space<hbm>> -> memref<128xi32, #tpu.memory_space<hbm>>
    tpu.enqueue_dma source(%dma_start3A_238 : memref<128xi32, #tpu.memory_space<hbm>>) target(%arg11 : memref<128xi32, #tpu.memory_space<vmem>>) target_semaphore(%arg25 : memref<!tpu.dma_semaphore, #tpu.memory_space<semaphore_mem>>)
    %add3A_239 = arith.constant 2532 : i32
    %add3A_240 = arith.addi %add3A_239, %add3A : i32
    %dma_start3A_241 = arith.constant 0 : i32
    %dma_start3A_242 = tpu.memref_slice %arg3[%add3A_240, %dma_start3A_241] : memref<5000x128xi32, #tpu.memory_space<hbm>> -> memref<1x128xi32, #tpu.memory_space<hbm>>
    %dma_start3A_243 = tpu.memref_squeeze %dma_start3A_242 : memref<1x128xi32, #tpu.memory_space<hbm>> -> memref<128xi32, #tpu.memory_space<hbm>>
    %dma_start3A_244 = arith.constant 0 : i32
    %dma_start3A_245 = tpu.memref_slice %arg3[%add3A_240, %dma_start3A_244] : memref<5000x128xi32, #tpu.memory_space<hbm>> -> memref<1x128xi32, #tpu.memory_space<hbm>>
    %dma_start3A_246 = tpu.memref_squeeze %dma_start3A_245 : memref<1x128xi32, #tpu.memory_space<hbm>> -> memref<128xi32, #tpu.memory_space<hbm>>
    tpu.enqueue_dma source(%dma_start3A_246 : memref<128xi32, #tpu.memory_space<hbm>>) target(%arg15 : memref<128xi32, #tpu.memory_space<vmem>>) target_semaphore(%arg25 : memref<!tpu.dma_semaphore, #tpu.memory_space<semaphore_mem>>)
    %add3A_247 = arith.constant 64 : i32
    %add3A_248 = arith.addi %add3A_247, %add3A : i32
    %dma_start3A_249 = arith.constant 0 : i32
    %dma_start3A_250 = tpu.memref_slice %arg3[%add3A_248, %dma_start3A_249] : memref<5000x128xi32, #tpu.memory_space<hbm>> -> memref<1x128xi32, #tpu.memory_space<hbm>>
    %dma_start3A_251 = tpu.memref_squeeze %dma_start3A_250 : memref<1x128xi32, #tpu.memory_space<hbm>> -> memref<128xi32, #tpu.memory_space<hbm>>
    %dma_start3A_252 = arith.constant 0 : i32
    %dma_start3A_253 = tpu.memref_slice %arg3[%add3A_248, %dma_start3A_252] : memref<5000x128xi32, #tpu.memory_space<hbm>> -> memref<1x128xi32, #tpu.memory_space<hbm>>
    %dma_start3A_254 = tpu.memref_squeeze %dma_start3A_253 : memref<1x128xi32, #tpu.memory_space<hbm>> -> memref<128xi32, #tpu.memory_space<hbm>>
    tpu.enqueue_dma source(%dma_start3A_254 : memref<128xi32, #tpu.memory_space<hbm>>) target(%arg12 : memref<128xi32, #tpu.memory_space<vmem>>) target_semaphore(%arg26 : memref<!tpu.dma_semaphore, #tpu.memory_space<semaphore_mem>>)
    %add3A_255 = arith.constant 2564 : i32
    %add3A_256 = arith.addi %add3A_255, %add3A : i32
    %dma_start3A_257 = arith.constant 0 : i32
    %dma_start3A_258 = tpu.memref_slice %arg3[%add3A_256, %dma_start3A_257] : memref<5000x128xi32, #tpu.memory_space<hbm>> -> memref<1x128xi32, #tpu.memory_space<hbm>>
    %dma_start3A_259 = tpu.memref_squeeze %dma_start3A_258 : memref<1x128xi32, #tpu.memory_space<hbm>> -> memref<128xi32, #tpu.memory_space<hbm>>
    %dma_start3A_260 = arith.constant 0 : i32
    %dma_start3A_261 = tpu.memref_slice %arg3[%add3A_256, %dma_start3A_260] : memref<5000x128xi32, #tpu.memory_space<hbm>> -> memref<1x128xi32, #tpu.memory_space<hbm>>
    %dma_start3A_262 = tpu.memref_squeeze %dma_start3A_261 : memref<1x128xi32, #tpu.memory_space<hbm>> -> memref<128xi32, #tpu.memory_space<hbm>>
    tpu.enqueue_dma source(%dma_start3A_262 : memref<128xi32, #tpu.memory_space<hbm>>) target(%arg16 : memref<128xi32, #tpu.memory_space<vmem>>) target_semaphore(%arg26 : memref<!tpu.dma_semaphore, #tpu.memory_space<semaphore_mem>>)
    %add3A_263 = arith.constant 96 : i32
    %add3A_264 = arith.addi %add3A_263, %add3A : i32
    %dma_start3A_265 = arith.constant 0 : i32
    %dma_start3A_266 = tpu.memref_slice %arg3[%add3A_264, %dma_start3A_265] : memref<5000x128xi32, #tpu.memory_space<hbm>> -> memref<1x128xi32, #tpu.memory_space<hbm>>
    %dma_start3A_267 = tpu.memref_squeeze %dma_start3A_266 : memref<1x128xi32, #tpu.memory_space<hbm>> -> memref<128xi32, #tpu.memory_space<hbm>>
    %dma_start3A_268 = arith.constant 0 : i32
    %dma_start3A_269 = tpu.memref_slice %arg3[%add3A_264, %dma_start3A_268] : memref<5000x128xi32, #tpu.memory_space<hbm>> -> memref<1x128xi32, #tpu.memory_space<hbm>>
    %dma_start3A_270 = tpu.memref_squeeze %dma_start3A_269 : memref<1x128xi32, #tpu.memory_space<hbm>> -> memref<128xi32, #tpu.memory_space<hbm>>
    tpu.enqueue_dma source(%dma_start3A_270 : memref<128xi32, #tpu.memory_space<hbm>>) target(%arg13 : memref<128xi32, #tpu.memory_space<vmem>>) target_semaphore(%arg27 : memref<!tpu.dma_semaphore, #tpu.memory_space<semaphore_mem>>)
    %add3A_271 = arith.constant 2596 : i32
    %add3A_272 = arith.addi %add3A_271, %add3A : i32
    %dma_start3A_273 = arith.constant 0 : i32
    %dma_start3A_274 = tpu.memref_slice %arg3[%add3A_272, %dma_start3A_273] : memref<5000x128xi32, #tpu.memory_space<hbm>> -> memref<1x128xi32, #tpu.memory_space<hbm>>
    %dma_start3A_275 = tpu.memref_squeeze %dma_start3A_274 : memref<1x128xi32, #tpu.memory_space<hbm>> -> memref<128xi32, #tpu.memory_space<hbm>>
    %dma_start3A_276 = arith.constant 0 : i32
    %dma_start3A_277 = tpu.memref_slice %arg3[%add3A_272, %dma_start3A_276] : memref<5000x128xi32, #tpu.memory_space<hbm>> -> memref<1x128xi32, #tpu.memory_space<hbm>>
    %dma_start3A_278 = tpu.memref_squeeze %dma_start3A_277 : memref<1x128xi32, #tpu.memory_space<hbm>> -> memref<128xi32, #tpu.memory_space<hbm>>
    tpu.enqueue_dma source(%dma_start3A_278 : memref<128xi32, #tpu.memory_space<hbm>>) target(%arg17 : memref<128xi32, #tpu.memory_space<vmem>>) target_semaphore(%arg27 : memref<!tpu.dma_semaphore, #tpu.memory_space<semaphore_mem>>)
    %add3A_279 = arith.constant 0 : i32
    %add3A_280 = arith.addi %add3A_279, %add3A : i32
    %dma_wait3A = arith.constant 0 : i32
    %dma_wait3A_281 = tpu.memref_slice %arg3[%add3A_280, %dma_wait3A] : memref<5000x128xi32, #tpu.memory_space<hbm>> -> memref<1x128xi32, #tpu.memory_space<hbm>>
    %dma_wait3A_282 = tpu.memref_squeeze %dma_wait3A_281 : memref<1x128xi32, #tpu.memory_space<hbm>> -> memref<128xi32, #tpu.memory_space<hbm>>
    %dma_wait3A_283 = arith.constant 0 : i32
    %dma_wait3A_284 = tpu.memref_slice %arg3[%add3A_280, %dma_wait3A_283] : memref<5000x128xi32, #tpu.memory_space<hbm>> -> memref<1x128xi32, #tpu.memory_space<hbm>>
    %dma_wait3A_285 = tpu.memref_squeeze %dma_wait3A_284 : memref<1x128xi32, #tpu.memory_space<hbm>> -> memref<128xi32, #tpu.memory_space<hbm>>
    tpu.wait_dma2 semaphore(%arg24 : memref<!tpu.dma_semaphore, #tpu.memory_space<semaphore_mem>>) src(%dma_wait3A_285 : memref<128xi32, #tpu.memory_space<hbm>>) dst(%arg10 : memref<128xi32, #tpu.memory_space<vmem>>)
    %add3A_286 = arith.constant 2500 : i32
    %add3A_287 = arith.addi %add3A_286, %add3A : i32
    %dma_wait3A_288 = arith.constant 0 : i32
    %dma_wait3A_289 = tpu.memref_slice %arg3[%add3A_287, %dma_wait3A_288] : memref<5000x128xi32, #tpu.memory_space<hbm>> -> memref<1x128xi32, #tpu.memory_space<hbm>>
    %dma_wait3A_290 = tpu.memref_squeeze %dma_wait3A_289 : memref<1x128xi32, #tpu.memory_space<hbm>> -> memref<128xi32, #tpu.memory_space<hbm>>
    %dma_wait3A_291 = arith.constant 0 : i32
    %dma_wait3A_292 = tpu.memref_slice %arg3[%add3A_287, %dma_wait3A_291] : memref<5000x128xi32, #tpu.memory_space<hbm>> -> memref<1x128xi32, #tpu.memory_space<hbm>>
    %dma_wait3A_293 = tpu.memref_squeeze %dma_wait3A_292 : memref<1x128xi32, #tpu.memory_space<hbm>> -> memref<128xi32, #tpu.memory_space<hbm>>
    tpu.wait_dma2 semaphore(%arg24 : memref<!tpu.dma_semaphore, #tpu.memory_space<semaphore_mem>>) src(%dma_wait3A_293 : memref<128xi32, #tpu.memory_space<hbm>>) dst(%arg14 : memref<128xi32, #tpu.memory_space<vmem>>)
    %dma_start3A_294 = arith.constant 0 : i32
    %dma_start3A_295 = arith.constant 0 : i32
    %dma_start3A_296 = tpu.memref_slice %arg2[%dma_start3A_294, %dma_start3A_295] : memref<10240x128xf32, #tpu.memory_space<hbm>> -> memref<10240x128xf32, #tpu.memory_space<hbm>>
    tpu.enqueue_indirect_dma source(%dma_start3A_296 : memref<10240x128xf32, #tpu.memory_space<hbm>>) target(%arg8 : memref<128x128xf32, #tpu.memory_space<vmem>>) offsets(%arg10 : memref<128xi32, #tpu.memory_space<vmem>>) semaphore(%arg20 : memref<!tpu.dma_semaphore, #tpu.memory_space<semaphore_mem>>)
    %add3A_297 = arith.constant 32 : i32
    %add3A_298 = arith.addi %add3A_297, %add3A : i32
    %dma_wait3A_299 = arith.constant 0 : i32
    %dma_wait3A_300 = tpu.memref_slice %arg3[%add3A_298, %dma_wait3A_299] : memref<5000x128xi32, #tpu.memory_space<hbm>> -> memref<1x128xi32, #tpu.memory_space<hbm>>
    %dma_wait3A_301 = tpu.memref_squeeze %dma_wait3A_300 : memref<1x128xi32, #tpu.memory_space<hbm>> -> memref<128xi32, #tpu.memory_space<hbm>>
    %dma_wait3A_302 = arith.constant 0 : i32
    %dma_wait3A_303 = tpu.memref_slice %arg3[%add3A_298, %dma_wait3A_302] : memref<5000x128xi32, #tpu.memory_space<hbm>> -> memref<1x128xi32, #tpu.memory_space<hbm>>
    %dma_wait3A_304 = tpu.memref_squeeze %dma_wait3A_303 : memref<1x128xi32, #tpu.memory_space<hbm>> -> memref<128xi32, #tpu.memory_space<hbm>>
    tpu.wait_dma2 semaphore(%arg25 : memref<!tpu.dma_semaphore, #tpu.memory_space<semaphore_mem>>) src(%dma_wait3A_304 : memref<128xi32, #tpu.memory_space<hbm>>) dst(%arg11 : memref<128xi32, #tpu.memory_space<vmem>>)
    %add3A_305 = arith.constant 2532 : i32
    %add3A_306 = arith.addi %add3A_305, %add3A : i32
    %dma_wait3A_307 = arith.constant 0 : i32
    %dma_wait3A_308 = tpu.memref_slice %arg3[%add3A_306, %dma_wait3A_307] : memref<5000x128xi32, #tpu.memory_space<hbm>> -> memref<1x128xi32, #tpu.memory_space<hbm>>
    %dma_wait3A_309 = tpu.memref_squeeze %dma_wait3A_308 : memref<1x128xi32, #tpu.memory_space<hbm>> -> memref<128xi32, #tpu.memory_space<hbm>>
    %dma_wait3A_310 = arith.constant 0 : i32
    %dma_wait3A_311 = tpu.memref_slice %arg3[%add3A_306, %dma_wait3A_310] : memref<5000x128xi32, #tpu.memory_space<hbm>> -> memref<1x128xi32, #tpu.memory_space<hbm>>
    %dma_wait3A_312 = tpu.memref_squeeze %dma_wait3A_311 : memref<1x128xi32, #tpu.memory_space<hbm>> -> memref<128xi32, #tpu.memory_space<hbm>>
    tpu.wait_dma2 semaphore(%arg25 : memref<!tpu.dma_semaphore, #tpu.memory_space<semaphore_mem>>) src(%dma_wait3A_312 : memref<128xi32, #tpu.memory_space<hbm>>) dst(%arg15 : memref<128xi32, #tpu.memory_space<vmem>>)
    %dma_start3A_313 = arith.constant 0 : i32
    %dma_start3A_314 = arith.constant 0 : i32
    %dma_start3A_315 = tpu.memref_slice %arg2[%dma_start3A_313, %dma_start3A_314] : memref<10240x128xf32, #tpu.memory_space<hbm>> -> memref<10240x128xf32, #tpu.memory_space<hbm>>
    tpu.enqueue_indirect_dma source(%dma_start3A_315 : memref<10240x128xf32, #tpu.memory_space<hbm>>) target(%arg9 : memref<128x128xf32, #tpu.memory_space<vmem>>) offsets(%arg11 : memref<128xi32, #tpu.memory_space<vmem>>) semaphore(%arg21 : memref<!tpu.dma_semaphore, #tpu.memory_space<semaphore_mem>>)
    %dma_wait3A_316 = arith.constant 0 : i32
    %dma_wait3A_317 = arith.constant 0 : i32
    %dma_wait3A_318 = tpu.memref_slice %arg2[%dma_wait3A_316, %dma_wait3A_317] : memref<10240x128xf32, #tpu.memory_space<hbm>> -> memref<10240x128xf32, #tpu.memory_space<hbm>>
    tpu.wait_indirect_dma semaphore(%arg20 : memref<!tpu.dma_semaphore, #tpu.memory_space<semaphore_mem>>) src(%dma_wait3A_318 : memref<10240x128xf32, #tpu.memory_space<hbm>>) dst(%arg8 : memref<128x128xf32, #tpu.memory_space<vmem>>)
    %dma_start3A_319 = arith.constant 0 : i32
    %dma_start3A_320 = arith.constant 0 : i32
    %dma_start3A_321 = tpu.memref_slice %arg6[%dma_start3A_319, %dma_start3A_320] : memref<10240x128xf32, #tpu.memory_space<vmem_shared>> -> memref<10240x128xf32, #tpu.memory_space<vmem_shared>>
    tpu.enqueue_indirect_dma source(%arg8 : memref<128x128xf32, #tpu.memory_space<vmem>>) target(%dma_start3A_321 : memref<10240x128xf32, #tpu.memory_space<vmem_shared>>) offsets(%arg14 : memref<128xi32, #tpu.memory_space<vmem>>) semaphore(%arg22 : memref<!tpu.dma_semaphore, #tpu.memory_space<semaphore_mem>>) {add = true}
    %dma_start3A_322 = arith.constant 0 : i32
    %dma_start3A_323 = arith.constant 0 : i32
    %dma_start3A_324 = tpu.memref_slice %arg7[%dma_start3A_322, %dma_start3A_323] : memref<10240x16xf32, #tpu.memory_space<vmem_shared>> -> memref<10240x16xf32, #tpu.memory_space<vmem_shared>>
    tpu.enqueue_indirect_dma source(%arg18 : memref<128x16xf32, #tpu.memory_space<vmem>>) target(%dma_start3A_324 : memref<10240x16xf32, #tpu.memory_space<vmem_shared>>) offsets(%arg14 : memref<128xi32, #tpu.memory_space<vmem>>) semaphore(%arg22 : memref<!tpu.dma_semaphore, #tpu.memory_space<semaphore_mem>>) {add = true}
    %scan3A_325 = arith.constant 0 : i32
    %scan3A_326 = arith.constant 0 : i32
    %scan3A_327 = arith.constant 19 : i32
    %scan3A_328 = arith.addi %scan3A_326, %scan3A_327 : i32
    %scan3A_329 = arith.constant 1 : i32
    scf.for %scan3A_395 = %scan3A_326 to %scan3A_328 step %scan3A_329  : i32 {
      %mul3A_396 = arith.constant 4 : i32
      %mul3A_397 = arith.muli %mul3A_396, %scan3A_395 : i32
      %add3A_398 = arith.constant 2 : i32
      %add3A_399 = arith.addi %add3A_398, %mul3A_397 : i32
      %add3A_400 = arith.constant 0 : i32
      %add3A_401 = arith.addi %add3A_399, %add3A_400 : i32
      %dma_wait3A_402 = arith.constant 0 : i32
      %dma_wait3A_403 = arith.constant 0 : i32
      %dma_wait3A_404 = tpu.memref_slice %arg6[%dma_wait3A_402, %dma_wait3A_403] : memref<10240x128xf32, #tpu.memory_space<vmem_shared>> -> memref<10240x128xf32, #tpu.memory_space<vmem_shared>>
      tpu.wait_indirect_dma semaphore(%arg22 : memref<!tpu.dma_semaphore, #tpu.memory_space<semaphore_mem>>) src(%arg8 : memref<128x128xf32, #tpu.memory_space<vmem>>) dst(%dma_wait3A_404 : memref<10240x128xf32, #tpu.memory_space<vmem_shared>>)
      %dma_wait3A_405 = arith.constant 0 : i32
      %dma_wait3A_406 = arith.constant 0 : i32
      %dma_wait3A_407 = tpu.memref_slice %arg7[%dma_wait3A_405, %dma_wait3A_406] : memref<10240x16xf32, #tpu.memory_space<vmem_shared>> -> memref<10240x16xf32, #tpu.memory_space<vmem_shared>>
      tpu.wait_indirect_dma semaphore(%arg22 : memref<!tpu.dma_semaphore, #tpu.memory_space<semaphore_mem>>) src(%arg18 : memref<128x16xf32, #tpu.memory_space<vmem>>) dst(%dma_wait3A_407 : memref<10240x16xf32, #tpu.memory_space<vmem_shared>>)
      %add3A_408 = arith.constant 2 : i32
      %add3A_409 = arith.addi %add3A_401, %add3A_408 : i32
      %min3A = arith.constant 77 : i32
      %min3A_410 = arith.minsi %add3A_409, %min3A : i32
      %mul3A_411 = arith.constant 32 : i32
      %mul3A_412 = arith.muli %min3A_410, %mul3A_411 : i32
      %add3A_413 = arith.addi %mul3A_412, %add3A : i32
      %dma_start3A_414 = arith.constant 0 : i32
      %dma_start3A_415 = tpu.memref_slice %arg3[%add3A_413, %dma_start3A_414] : memref<5000x128xi32, #tpu.memory_space<hbm>> -> memref<1x128xi32, #tpu.memory_space<hbm>>
      %dma_start3A_416 = tpu.memref_squeeze %dma_start3A_415 : memref<1x128xi32, #tpu.memory_space<hbm>> -> memref<128xi32, #tpu.memory_space<hbm>>
      %dma_start3A_417 = arith.constant 0 : i32
      %dma_start3A_418 = tpu.memref_slice %arg3[%add3A_413, %dma_start3A_417] : memref<5000x128xi32, #tpu.memory_space<hbm>> -> memref<1x128xi32, #tpu.memory_space<hbm>>
      %dma_start3A_419 = tpu.memref_squeeze %dma_start3A_418 : memref<1x128xi32, #tpu.memory_space<hbm>> -> memref<128xi32, #tpu.memory_space<hbm>>
      tpu.enqueue_dma source(%dma_start3A_419 : memref<128xi32, #tpu.memory_space<hbm>>) target(%arg10 : memref<128xi32, #tpu.memory_space<vmem>>) target_semaphore(%arg24 : memref<!tpu.dma_semaphore, #tpu.memory_space<semaphore_mem>>)
      %mul3A_420 = arith.constant 32 : i32
      %mul3A_421 = arith.muli %min3A_410, %mul3A_420 : i32
      %add3A_422 = arith.constant 2500 : i32
      %add3A_423 = arith.addi %add3A_422, %mul3A_421 : i32
      %add3A_424 = arith.addi %add3A_423, %add3A : i32
      %dma_start3A_425 = arith.constant 0 : i32
      %dma_start3A_426 = tpu.memref_slice %arg3[%add3A_424, %dma_start3A_425] : memref<5000x128xi32, #tpu.memory_space<hbm>> -> memref<1x128xi32, #tpu.memory_space<hbm>>
      %dma_start3A_427 = tpu.memref_squeeze %dma_start3A_426 : memref<1x128xi32, #tpu.memory_space<hbm>> -> memref<128xi32, #tpu.memory_space<hbm>>
      %dma_start3A_428 = arith.constant 0 : i32
      %dma_start3A_429 = tpu.memref_slice %arg3[%add3A_424, %dma_start3A_428] : memref<5000x128xi32, #tpu.memory_space<hbm>> -> memref<1x128xi32, #tpu.memory_space<hbm>>
      %dma_start3A_430 = tpu.memref_squeeze %dma_start3A_429 : memref<1x128xi32, #tpu.memory_space<hbm>> -> memref<128xi32, #tpu.memory_space<hbm>>
      tpu.enqueue_dma source(%dma_start3A_430 : memref<128xi32, #tpu.memory_space<hbm>>) target(%arg14 : memref<128xi32, #tpu.memory_space<vmem>>) target_semaphore(%arg24 : memref<!tpu.dma_semaphore, #tpu.memory_space<semaphore_mem>>)
      %mul3A_431 = arith.constant 32 : i32
      %mul3A_432 = arith.muli %add3A_401, %mul3A_431 : i32
      %add3A_433 = arith.addi %mul3A_432, %add3A : i32
      %dma_wait3A_434 = arith.constant 0 : i32
      %dma_wait3A_435 = tpu.memref_slice %arg3[%add3A_433, %dma_wait3A_434] : memref<5000x128xi32, #tpu.memory_space<hbm>> -> memref<1x128xi32, #tpu.memory_space<hbm>>
      %dma_wait3A_436 = tpu.memref_squeeze %dma_wait3A_435 : memref<1x128xi32, #tpu.memory_space<hbm>> -> memref<128xi32, #tpu.memory_space<hbm>>
      %dma_wait3A_437 = arith.constant 0 : i32
      %dma_wait3A_438 = tpu.memref_slice %arg3[%add3A_433, %dma_wait3A_437] : memref<5000x128xi32, #tpu.memory_space<hbm>> -> memref<1x128xi32, #tpu.memory_space<hbm>>
      %dma_wait3A_439 = tpu.memref_squeeze %dma_wait3A_438 : memref<1x128xi32, #tpu.memory_space<hbm>> -> memref<128xi32, #tpu.memory_space<hbm>>
      tpu.wait_dma2 semaphore(%arg26 : memref<!tpu.dma_semaphore, #tpu.memory_space<semaphore_mem>>) src(%dma_wait3A_439 : memref<128xi32, #tpu.memory_space<hbm>>) dst(%arg12 : memref<128xi32, #tpu.memory_space<vmem>>)
      %mul3A_440 = arith.constant 32 : i32
      %mul3A_441 = arith.muli %add3A_401, %mul3A_440 : i32
      %add3A_442 = arith.constant 2500 : i32
      %add3A_443 = arith.addi %add3A_442, %mul3A_441 : i32
      %add3A_444 = arith.addi %add3A_443, %add3A : i32
      %dma_wait3A_445 = arith.constant 0 : i32
      %dma_wait3A_446 = tpu.memref_slice %arg3[%add3A_444, %dma_wait3A_445] : memref<5000x128xi32, #tpu.memory_space<hbm>> -> memref<1x128xi32, #tpu.memory_space<hbm>>
      %dma_wait3A_447 = tpu.memref_squeeze %dma_wait3A_446 : memref<1x128xi32, #tpu.memory_space<hbm>> -> memref<128xi32, #tpu.memory_space<hbm>>
      %dma_wait3A_448 = arith.constant 0 : i32
      %dma_wait3A_449 = tpu.memref_slice %arg3[%add3A_444, %dma_wait3A_448] : memref<5000x128xi32, #tpu.memory_space<hbm>> -> memref<1x128xi32, #tpu.memory_space<hbm>>
      %dma_wait3A_450 = tpu.memref_squeeze %dma_wait3A_449 : memref<1x128xi32, #tpu.memory_space<hbm>> -> memref<128xi32, #tpu.memory_space<hbm>>
      tpu.wait_dma2 semaphore(%arg26 : memref<!tpu.dma_semaphore, #tpu.memory_space<semaphore_mem>>) src(%dma_wait3A_450 : memref<128xi32, #tpu.memory_space<hbm>>) dst(%arg16 : memref<128xi32, #tpu.memory_space<vmem>>)
      %dma_start3A_451 = arith.constant 0 : i32
      %dma_start3A_452 = arith.constant 0 : i32
      %dma_start3A_453 = tpu.memref_slice %arg2[%dma_start3A_451, %dma_start3A_452] : memref<10240x128xf32, #tpu.memory_space<hbm>> -> memref<10240x128xf32, #tpu.memory_space<hbm>>
      tpu.enqueue_indirect_dma source(%dma_start3A_453 : memref<10240x128xf32, #tpu.memory_space<hbm>>) target(%arg8 : memref<128x128xf32, #tpu.memory_space<vmem>>) offsets(%arg12 : memref<128xi32, #tpu.memory_space<vmem>>) semaphore(%arg20 : memref<!tpu.dma_semaphore, #tpu.memory_space<semaphore_mem>>)
      %dma_wait3A_454 = arith.constant 0 : i32
      %dma_wait3A_455 = arith.constant 0 : i32
      %dma_wait3A_456 = tpu.memref_slice %arg2[%dma_wait3A_454, %dma_wait3A_455] : memref<10240x128xf32, #tpu.memory_space<hbm>> -> memref<10240x128xf32, #tpu.memory_space<hbm>>
      tpu.wait_indirect_dma semaphore(%arg21 : memref<!tpu.dma_semaphore, #tpu.memory_space<semaphore_mem>>) src(%dma_wait3A_456 : memref<10240x128xf32, #tpu.memory_space<hbm>>) dst(%arg9 : memref<128x128xf32, #tpu.memory_space<vmem>>)
      %dma_start3A_457 = arith.constant 0 : i32
      %dma_start3A_458 = arith.constant 0 : i32
      %dma_start3A_459 = tpu.memref_slice %arg6[%dma_start3A_457, %dma_start3A_458] : memref<10240x128xf32, #tpu.memory_space<vmem_shared>> -> memref<10240x128xf32, #tpu.memory_space<vmem_shared>>
      tpu.enqueue_indirect_dma source(%arg9 : memref<128x128xf32, #tpu.memory_space<vmem>>) target(%dma_start3A_459 : memref<10240x128xf32, #tpu.memory_space<vmem_shared>>) offsets(%arg15 : memref<128xi32, #tpu.memory_space<vmem>>) semaphore(%arg23 : memref<!tpu.dma_semaphore, #tpu.memory_space<semaphore_mem>>) {add = true}
      %dma_start3A_460 = arith.constant 0 : i32
      %dma_start3A_461 = arith.constant 0 : i32
      %dma_start3A_462 = tpu.memref_slice %arg7[%dma_start3A_460, %dma_start3A_461] : memref<10240x16xf32, #tpu.memory_space<vmem_shared>> -> memref<10240x16xf32, #tpu.memory_space<vmem_shared>>
      tpu.enqueue_indirect_dma source(%arg18 : memref<128x16xf32, #tpu.memory_space<vmem>>) target(%dma_start3A_462 : memref<10240x16xf32, #tpu.memory_space<vmem_shared>>) offsets(%arg15 : memref<128xi32, #tpu.memory_space<vmem>>) semaphore(%arg23 : memref<!tpu.dma_semaphore, #tpu.memory_space<semaphore_mem>>) {add = true}
      %mul3A_463 = arith.constant 4 : i32
      %mul3A_464 = arith.muli %mul3A_463, %scan3A_395 : i32
      %add3A_465 = arith.constant 2 : i32
      %add3A_466 = arith.addi %add3A_465, %mul3A_464 : i32
      %add3A_467 = arith.constant 1 : i32
      %add3A_468 = arith.addi %add3A_466, %add3A_467 : i32
      %dma_wait3A_469 = arith.constant 0 : i32
      %dma_wait3A_470 = arith.constant 0 : i32
      %dma_wait3A_471 = tpu.memref_slice %arg6[%dma_wait3A_469, %dma_wait3A_470] : memref<10240x128xf32, #tpu.memory_space<vmem_shared>> -> memref<10240x128xf32, #tpu.memory_space<vmem_shared>>
      tpu.wait_indirect_dma semaphore(%arg23 : memref<!tpu.dma_semaphore, #tpu.memory_space<semaphore_mem>>) src(%arg9 : memref<128x128xf32, #tpu.memory_space<vmem>>) dst(%dma_wait3A_471 : memref<10240x128xf32, #tpu.memory_space<vmem_shared>>)
      %dma_wait3A_472 = arith.constant 0 : i32
      %dma_wait3A_473 = arith.constant 0 : i32
      %dma_wait3A_474 = tpu.memref_slice %arg7[%dma_wait3A_472, %dma_wait3A_473] : memref<10240x16xf32, #tpu.memory_space<vmem_shared>> -> memref<10240x16xf32, #tpu.memory_space<vmem_shared>>
      tpu.wait_indirect_dma semaphore(%arg23 : memref<!tpu.dma_semaphore, #tpu.memory_space<semaphore_mem>>) src(%arg18 : memref<128x16xf32, #tpu.memory_space<vmem>>) dst(%dma_wait3A_474 : memref<10240x16xf32, #tpu.memory_space<vmem_shared>>)
      %add3A_475 = arith.constant 2 : i32
      %add3A_476 = arith.addi %add3A_468, %add3A_475 : i32
      %min3A_477 = arith.constant 77 : i32
      %min3A_478 = arith.minsi %add3A_476, %min3A_477 : i32
      %mul3A_479 = arith.constant 32 : i32
      %mul3A_480 = arith.muli %min3A_478, %mul3A_479 : i32
      %add3A_481 = arith.addi %mul3A_480, %add3A : i32
      %dma_start3A_482 = arith.constant 0 : i32
      %dma_start3A_483 = tpu.memref_slice %arg3[%add3A_481, %dma_start3A_482] : memref<5000x128xi32, #tpu.memory_space<hbm>> -> memref<1x128xi32, #tpu.memory_space<hbm>>
      %dma_start3A_484 = tpu.memref_squeeze %dma_start3A_483 : memref<1x128xi32, #tpu.memory_space<hbm>> -> memref<128xi32, #tpu.memory_space<hbm>>
      %dma_start3A_485 = arith.constant 0 : i32
      %dma_start3A_486 = tpu.memref_slice %arg3[%add3A_481, %dma_start3A_485] : memref<5000x128xi32, #tpu.memory_space<hbm>> -> memref<1x128xi32, #tpu.memory_space<hbm>>
      %dma_start3A_487 = tpu.memref_squeeze %dma_start3A_486 : memref<1x128xi32, #tpu.memory_space<hbm>> -> memref<128xi32, #tpu.memory_space<hbm>>
      tpu.enqueue_dma source(%dma_start3A_487 : memref<128xi32, #tpu.memory_space<hbm>>) target(%arg11 : memref<128xi32, #tpu.memory_space<vmem>>) target_semaphore(%arg25 : memref<!tpu.dma_semaphore, #tpu.memory_space<semaphore_mem>>)
      %mul3A_488 = arith.constant 32 : i32
      %mul3A_489 = arith.muli %min3A_478, %mul3A_488 : i32
      %add3A_490 = arith.constant 2500 : i32
      %add3A_491 = arith.addi %add3A_490, %mul3A_489 : i32
      %add3A_492 = arith.addi %add3A_491, %add3A : i32
      %dma_start3A_493 = arith.constant 0 : i32
      %dma_start3A_494 = tpu.memref_slice %arg3[%add3A_492, %dma_start3A_493] : memref<5000x128xi32, #tpu.memory_space<hbm>> -> memref<1x128xi32, #tpu.memory_space<hbm>>
      %dma_start3A_495 = tpu.memref_squeeze %dma_start3A_494 : memref<1x128xi32, #tpu.memory_space<hbm>> -> memref<128xi32, #tpu.memory_space<hbm>>
      %dma_start3A_496 = arith.constant 0 : i32
      %dma_start3A_497 = tpu.memref_slice %arg3[%add3A_492, %dma_start3A_496] : memref<5000x128xi32, #tpu.memory_space<hbm>> -> memref<1x128xi32, #tpu.memory_space<hbm>>
      %dma_start3A_498 = tpu.memref_squeeze %dma_start3A_497 : memref<1x128xi32, #tpu.memory_space<hbm>> -> memref<128xi32, #tpu.memory_space<hbm>>
      tpu.enqueue_dma source(%dma_start3A_498 : memref<128xi32, #tpu.memory_space<hbm>>) target(%arg15 : memref<128xi32, #tpu.memory_space<vmem>>) target_semaphore(%arg25 : memref<!tpu.dma_semaphore, #tpu.memory_space<semaphore_mem>>)
      %mul3A_499 = arith.constant 32 : i32
      %mul3A_500 = arith.muli %add3A_468, %mul3A_499 : i32
      %add3A_501 = arith.addi %mul3A_500, %add3A : i32
      %dma_wait3A_502 = arith.constant 0 : i32
      %dma_wait3A_503 = tpu.memref_slice %arg3[%add3A_501, %dma_wait3A_502] : memref<5000x128xi32, #tpu.memory_space<hbm>> -> memref<1x128xi32, #tpu.memory_space<hbm>>
      %dma_wait3A_504 = tpu.memref_squeeze %dma_wait3A_503 : memref<1x128xi32, #tpu.memory_space<hbm>> -> memref<128xi32, #tpu.memory_space<hbm>>
      %dma_wait3A_505 = arith.constant 0 : i32
      %dma_wait3A_506 = tpu.memref_slice %arg3[%add3A_501, %dma_wait3A_505] : memref<5000x128xi32, #tpu.memory_space<hbm>> -> memref<1x128xi32, #tpu.memory_space<hbm>>
      %dma_wait3A_507 = tpu.memref_squeeze %dma_wait3A_506 : memref<1x128xi32, #tpu.memory_space<hbm>> -> memref<128xi32, #tpu.memory_space<hbm>>
      tpu.wait_dma2 semaphore(%arg27 : memref<!tpu.dma_semaphore, #tpu.memory_space<semaphore_mem>>) src(%dma_wait3A_507 : memref<128xi32, #tpu.memory_space<hbm>>) dst(%arg13 : memref<128xi32, #tpu.memory_space<vmem>>)
      %mul3A_508 = arith.constant 32 : i32
      %mul3A_509 = arith.muli %add3A_468, %mul3A_508 : i32
      %add3A_510 = arith.constant 2500 : i32
      %add3A_511 = arith.addi %add3A_510, %mul3A_509 : i32
      %add3A_512 = arith.addi %add3A_511, %add3A : i32
      %dma_wait3A_513 = arith.constant 0 : i32
      %dma_wait3A_514 = tpu.memref_slice %arg3[%add3A_512, %dma_wait3A_513] : memref<5000x128xi32, #tpu.memory_space<hbm>> -> memref<1x128xi32, #tpu.memory_space<hbm>>
      %dma_wait3A_515 = tpu.memref_squeeze %dma_wait3A_514 : memref<1x128xi32, #tpu.memory_space<hbm>> -> memref<128xi32, #tpu.memory_space<hbm>>
      %dma_wait3A_516 = arith.constant 0 : i32
      %dma_wait3A_517 = tpu.memref_slice %arg3[%add3A_512, %dma_wait3A_516] : memref<5000x128xi32, #tpu.memory_space<hbm>> -> memref<1x128xi32, #tpu.memory_space<hbm>>
      %dma_wait3A_518 = tpu.memref_squeeze %dma_wait3A_517 : memref<1x128xi32, #tpu.memory_space<hbm>> -> memref<128xi32, #tpu.memory_space<hbm>>
      tpu.wait_dma2 semaphore(%arg27 : memref<!tpu.dma_semaphore, #tpu.memory_space<semaphore_mem>>) src(%dma_wait3A_518 : memref<128xi32, #tpu.memory_space<hbm>>) dst(%arg17 : memref<128xi32, #tpu.memory_space<vmem>>)
      %dma_start3A_519 = arith.constant 0 : i32
      %dma_start3A_520 = arith.constant 0 : i32
      %dma_start3A_521 = tpu.memref_slice %arg2[%dma_start3A_519, %dma_start3A_520] : memref<10240x128xf32, #tpu.memory_space<hbm>> -> memref<10240x128xf32, #tpu.memory_space<hbm>>
      tpu.enqueue_indirect_dma source(%dma_start3A_521 : memref<10240x128xf32, #tpu.memory_space<hbm>>) target(%arg9 : memref<128x128xf32, #tpu.memory_space<vmem>>) offsets(%arg13 : memref<128xi32, #tpu.memory_space<vmem>>) semaphore(%arg21 : memref<!tpu.dma_semaphore, #tpu.memory_space<semaphore_mem>>)
      %dma_wait3A_522 = arith.constant 0 : i32
      %dma_wait3A_523 = arith.constant 0 : i32
      %dma_wait3A_524 = tpu.memref_slice %arg2[%dma_wait3A_522, %dma_wait3A_523] : memref<10240x128xf32, #tpu.memory_space<hbm>> -> memref<10240x128xf32, #tpu.memory_space<hbm>>
      tpu.wait_indirect_dma semaphore(%arg20 : memref<!tpu.dma_semaphore, #tpu.memory_space<semaphore_mem>>) src(%dma_wait3A_524 : memref<10240x128xf32, #tpu.memory_space<hbm>>) dst(%arg8 : memref<128x128xf32, #tpu.memory_space<vmem>>)
      %dma_start3A_525 = arith.constant 0 : i32
      %dma_start3A_526 = arith.constant 0 : i32
      %dma_start3A_527 = tpu.memref_slice %arg6[%dma_start3A_525, %dma_start3A_526] : memref<10240x128xf32, #tpu.memory_space<vmem_shared>> -> memref<10240x128xf32, #tpu.memory_space<vmem_shared>>
      tpu.enqueue_indirect_dma source(%arg8 : memref<128x128xf32, #tpu.memory_space<vmem>>) target(%dma_start3A_527 : memref<10240x128xf32, #tpu.memory_space<vmem_shared>>) offsets(%arg16 : memref<128xi32, #tpu.memory_space<vmem>>) semaphore(%arg22 : memref<!tpu.dma_semaphore, #tpu.memory_space<semaphore_mem>>) {add = true}
      %dma_start3A_528 = arith.constant 0 : i32
      %dma_start3A_529 = arith.constant 0 : i32
      %dma_start3A_530 = tpu.memref_slice %arg7[%dma_start3A_528, %dma_start3A_529] : memref<10240x16xf32, #tpu.memory_space<vmem_shared>> -> memref<10240x16xf32, #tpu.memory_space<vmem_shared>>
      tpu.enqueue_indirect_dma source(%arg18 : memref<128x16xf32, #tpu.memory_space<vmem>>) target(%dma_start3A_530 : memref<10240x16xf32, #tpu.memory_space<vmem_shared>>) offsets(%arg16 : memref<128xi32, #tpu.memory_space<vmem>>) semaphore(%arg22 : memref<!tpu.dma_semaphore, #tpu.memory_space<semaphore_mem>>) {add = true}
      %mul3A_531 = arith.constant 4 : i32
      %mul3A_532 = arith.muli %mul3A_531, %scan3A_395 : i32
      %add3A_533 = arith.constant 2 : i32
      %add3A_534 = arith.addi %add3A_533, %mul3A_532 : i32
      %add3A_535 = arith.constant 2 : i32
      %add3A_536 = arith.addi %add3A_534, %add3A_535 : i32
      %dma_wait3A_537 = arith.constant 0 : i32
      %dma_wait3A_538 = arith.constant 0 : i32
      %dma_wait3A_539 = tpu.memref_slice %arg6[%dma_wait3A_537, %dma_wait3A_538] : memref<10240x128xf32, #tpu.memory_space<vmem_shared>> -> memref<10240x128xf32, #tpu.memory_space<vmem_shared>>
      tpu.wait_indirect_dma semaphore(%arg22 : memref<!tpu.dma_semaphore, #tpu.memory_space<semaphore_mem>>) src(%arg8 : memref<128x128xf32, #tpu.memory_space<vmem>>) dst(%dma_wait3A_539 : memref<10240x128xf32, #tpu.memory_space<vmem_shared>>)
      %dma_wait3A_540 = arith.constant 0 : i32
      %dma_wait3A_541 = arith.constant 0 : i32
      %dma_wait3A_542 = tpu.memref_slice %arg7[%dma_wait3A_540, %dma_wait3A_541] : memref<10240x16xf32, #tpu.memory_space<vmem_shared>> -> memref<10240x16xf32, #tpu.memory_space<vmem_shared>>
      tpu.wait_indirect_dma semaphore(%arg22 : memref<!tpu.dma_semaphore, #tpu.memory_space<semaphore_mem>>) src(%arg18 : memref<128x16xf32, #tpu.memory_space<vmem>>) dst(%dma_wait3A_542 : memref<10240x16xf32, #tpu.memory_space<vmem_shared>>)
      %add3A_543 = arith.constant 2 : i32
      %add3A_544 = arith.addi %add3A_536, %add3A_543 : i32
      %min3A_545 = arith.constant 77 : i32
      %min3A_546 = arith.minsi %add3A_544, %min3A_545 : i32
      %mul3A_547 = arith.constant 32 : i32
      %mul3A_548 = arith.muli %min3A_546, %mul3A_547 : i32
      %add3A_549 = arith.addi %mul3A_548, %add3A : i32
      %dma_start3A_550 = arith.constant 0 : i32
      %dma_start3A_551 = tpu.memref_slice %arg3[%add3A_549, %dma_start3A_550] : memref<5000x128xi32, #tpu.memory_space<hbm>> -> memref<1x128xi32, #tpu.memory_space<hbm>>
      %dma_start3A_552 = tpu.memref_squeeze %dma_start3A_551 : memref<1x128xi32, #tpu.memory_space<hbm>> -> memref<128xi32, #tpu.memory_space<hbm>>
      %dma_start3A_553 = arith.constant 0 : i32
      %dma_start3A_554 = tpu.memref_slice %arg3[%add3A_549, %dma_start3A_553] : memref<5000x128xi32, #tpu.memory_space<hbm>> -> memref<1x128xi32, #tpu.memory_space<hbm>>
      %dma_start3A_555 = tpu.memref_squeeze %dma_start3A_554 : memref<1x128xi32, #tpu.memory_space<hbm>> -> memref<128xi32, #tpu.memory_space<hbm>>
      tpu.enqueue_dma source(%dma_start3A_555 : memref<128xi32, #tpu.memory_space<hbm>>) target(%arg12 : memref<128xi32, #tpu.memory_space<vmem>>) target_semaphore(%arg26 : memref<!tpu.dma_semaphore, #tpu.memory_space<semaphore_mem>>)
      %mul3A_556 = arith.constant 32 : i32
      %mul3A_557 = arith.muli %min3A_546, %mul3A_556 : i32
      %add3A_558 = arith.constant 2500 : i32
      %add3A_559 = arith.addi %add3A_558, %mul3A_557 : i32
      %add3A_560 = arith.addi %add3A_559, %add3A : i32
      %dma_start3A_561 = arith.constant 0 : i32
      %dma_start3A_562 = tpu.memref_slice %arg3[%add3A_560, %dma_start3A_561] : memref<5000x128xi32, #tpu.memory_space<hbm>> -> memref<1x128xi32, #tpu.memory_space<hbm>>
      %dma_start3A_563 = tpu.memref_squeeze %dma_start3A_562 : memref<1x128xi32, #tpu.memory_space<hbm>> -> memref<128xi32, #tpu.memory_space<hbm>>
      %dma_start3A_564 = arith.constant 0 : i32
      %dma_start3A_565 = tpu.memref_slice %arg3[%add3A_560, %dma_start3A_564] : memref<5000x128xi32, #tpu.memory_space<hbm>> -> memref<1x128xi32, #tpu.memory_space<hbm>>
      %dma_start3A_566 = tpu.memref_squeeze %dma_start3A_565 : memref<1x128xi32, #tpu.memory_space<hbm>> -> memref<128xi32, #tpu.memory_space<hbm>>
      tpu.enqueue_dma source(%dma_start3A_566 : memref<128xi32, #tpu.memory_space<hbm>>) target(%arg16 : memref<128xi32, #tpu.memory_space<vmem>>) target_semaphore(%arg26 : memref<!tpu.dma_semaphore, #tpu.memory_space<semaphore_mem>>)
      %mul3A_567 = arith.constant 32 : i32
      %mul3A_568 = arith.muli %add3A_536, %mul3A_567 : i32
      %add3A_569 = arith.addi %mul3A_568, %add3A : i32
      %dma_wait3A_570 = arith.constant 0 : i32
      %dma_wait3A_571 = tpu.memref_slice %arg3[%add3A_569, %dma_wait3A_570] : memref<5000x128xi32, #tpu.memory_space<hbm>> -> memref<1x128xi32, #tpu.memory_space<hbm>>
      %dma_wait3A_572 = tpu.memref_squeeze %dma_wait3A_571 : memref<1x128xi32, #tpu.memory_space<hbm>> -> memref<128xi32, #tpu.memory_space<hbm>>
      %dma_wait3A_573 = arith.constant 0 : i32
      %dma_wait3A_574 = tpu.memref_slice %arg3[%add3A_569, %dma_wait3A_573] : memref<5000x128xi32, #tpu.memory_space<hbm>> -> memref<1x128xi32, #tpu.memory_space<hbm>>
      %dma_wait3A_575 = tpu.memref_squeeze %dma_wait3A_574 : memref<1x128xi32, #tpu.memory_space<hbm>> -> memref<128xi32, #tpu.memory_space<hbm>>
      tpu.wait_dma2 semaphore(%arg24 : memref<!tpu.dma_semaphore, #tpu.memory_space<semaphore_mem>>) src(%dma_wait3A_575 : memref<128xi32, #tpu.memory_space<hbm>>) dst(%arg10 : memref<128xi32, #tpu.memory_space<vmem>>)
      %mul3A_576 = arith.constant 32 : i32
      %mul3A_577 = arith.muli %add3A_536, %mul3A_576 : i32
      %add3A_578 = arith.constant 2500 : i32
      %add3A_579 = arith.addi %add3A_578, %mul3A_577 : i32
      %add3A_580 = arith.addi %add3A_579, %add3A : i32
      %dma_wait3A_581 = arith.constant 0 : i32
      %dma_wait3A_582 = tpu.memref_slice %arg3[%add3A_580, %dma_wait3A_581] : memref<5000x128xi32, #tpu.memory_space<hbm>> -> memref<1x128xi32, #tpu.memory_space<hbm>>
      %dma_wait3A_583 = tpu.memref_squeeze %dma_wait3A_582 : memref<1x128xi32, #tpu.memory_space<hbm>> -> memref<128xi32, #tpu.memory_space<hbm>>
      %dma_wait3A_584 = arith.constant 0 : i32
      %dma_wait3A_585 = tpu.memref_slice %arg3[%add3A_580, %dma_wait3A_584] : memref<5000x128xi32, #tpu.memory_space<hbm>> -> memref<1x128xi32, #tpu.memory_space<hbm>>
      %dma_wait3A_586 = tpu.memref_squeeze %dma_wait3A_585 : memref<1x128xi32, #tpu.memory_space<hbm>> -> memref<128xi32, #tpu.memory_space<hbm>>
      tpu.wait_dma2 semaphore(%arg24 : memref<!tpu.dma_semaphore, #tpu.memory_space<semaphore_mem>>) src(%dma_wait3A_586 : memref<128xi32, #tpu.memory_space<hbm>>) dst(%arg14 : memref<128xi32, #tpu.memory_space<vmem>>)
      %dma_start3A_587 = arith.constant 0 : i32
      %dma_start3A_588 = arith.constant 0 : i32
      %dma_start3A_589 = tpu.memref_slice %arg2[%dma_start3A_587, %dma_start3A_588] : memref<10240x128xf32, #tpu.memory_space<hbm>> -> memref<10240x128xf32, #tpu.memory_space<hbm>>
      tpu.enqueue_indirect_dma source(%dma_start3A_589 : memref<10240x128xf32, #tpu.memory_space<hbm>>) target(%arg8 : memref<128x128xf32, #tpu.memory_space<vmem>>) offsets(%arg10 : memref<128xi32, #tpu.memory_space<vmem>>) semaphore(%arg20 : memref<!tpu.dma_semaphore, #tpu.memory_space<semaphore_mem>>)
      %dma_wait3A_590 = arith.constant 0 : i32
      %dma_wait3A_591 = arith.constant 0 : i32
      %dma_wait3A_592 = tpu.memref_slice %arg2[%dma_wait3A_590, %dma_wait3A_591] : memref<10240x128xf32, #tpu.memory_space<hbm>> -> memref<10240x128xf32, #tpu.memory_space<hbm>>
      tpu.wait_indirect_dma semaphore(%arg21 : memref<!tpu.dma_semaphore, #tpu.memory_space<semaphore_mem>>) src(%dma_wait3A_592 : memref<10240x128xf32, #tpu.memory_space<hbm>>) dst(%arg9 : memref<128x128xf32, #tpu.memory_space<vmem>>)
      %dma_start3A_593 = arith.constant 0 : i32
      %dma_start3A_594 = arith.constant 0 : i32
      %dma_start3A_595 = tpu.memref_slice %arg6[%dma_start3A_593, %dma_start3A_594] : memref<10240x128xf32, #tpu.memory_space<vmem_shared>> -> memref<10240x128xf32, #tpu.memory_space<vmem_shared>>
      tpu.enqueue_indirect_dma source(%arg9 : memref<128x128xf32, #tpu.memory_space<vmem>>) target(%dma_start3A_595 : memref<10240x128xf32, #tpu.memory_space<vmem_shared>>) offsets(%arg17 : memref<128xi32, #tpu.memory_space<vmem>>) semaphore(%arg23 : memref<!tpu.dma_semaphore, #tpu.memory_space<semaphore_mem>>) {add = true}
      %dma_start3A_596 = arith.constant 0 : i32
      %dma_start3A_597 = arith.constant 0 : i32
      %dma_start3A_598 = tpu.memref_slice %arg7[%dma_start3A_596, %dma_start3A_597] : memref<10240x16xf32, #tpu.memory_space<vmem_shared>> -> memref<10240x16xf32, #tpu.memory_space<vmem_shared>>
      tpu.enqueue_indirect_dma source(%arg18 : memref<128x16xf32, #tpu.memory_space<vmem>>) target(%dma_start3A_598 : memref<10240x16xf32, #tpu.memory_space<vmem_shared>>) offsets(%arg17 : memref<128xi32, #tpu.memory_space<vmem>>) semaphore(%arg23 : memref<!tpu.dma_semaphore, #tpu.memory_space<semaphore_mem>>) {add = true}
      %mul3A_599 = arith.constant 4 : i32
      %mul3A_600 = arith.muli %mul3A_599, %scan3A_395 : i32
      %add3A_601 = arith.constant 2 : i32
      %add3A_602 = arith.addi %add3A_601, %mul3A_600 : i32
      %add3A_603 = arith.constant 3 : i32
      %add3A_604 = arith.addi %add3A_602, %add3A_603 : i32
      %dma_wait3A_605 = arith.constant 0 : i32
      %dma_wait3A_606 = arith.constant 0 : i32
      %dma_wait3A_607 = tpu.memref_slice %arg6[%dma_wait3A_605, %dma_wait3A_606] : memref<10240x128xf32, #tpu.memory_space<vmem_shared>> -> memref<10240x128xf32, #tpu.memory_space<vmem_shared>>
      tpu.wait_indirect_dma semaphore(%arg23 : memref<!tpu.dma_semaphore, #tpu.memory_space<semaphore_mem>>) src(%arg9 : memref<128x128xf32, #tpu.memory_space<vmem>>) dst(%dma_wait3A_607 : memref<10240x128xf32, #tpu.memory_space<vmem_shared>>)
      %dma_wait3A_608 = arith.constant 0 : i32
      %dma_wait3A_609 = arith.constant 0 : i32
      %dma_wait3A_610 = tpu.memref_slice %arg7[%dma_wait3A_608, %dma_wait3A_609] : memref<10240x16xf32, #tpu.memory_space<vmem_shared>> -> memref<10240x16xf32, #tpu.memory_space<vmem_shared>>
      tpu.wait_indirect_dma semaphore(%arg23 : memref<!tpu.dma_semaphore, #tpu.memory_space<semaphore_mem>>) src(%arg18 : memref<128x16xf32, #tpu.memory_space<vmem>>) dst(%dma_wait3A_610 : memref<10240x16xf32, #tpu.memory_space<vmem_shared>>)
      %add3A_611 = arith.constant 2 : i32
      %add3A_612 = arith.addi %add3A_604, %add3A_611 : i32
      %min3A_613 = arith.constant 77 : i32
      %min3A_614 = arith.minsi %add3A_612, %min3A_613 : i32
      %mul3A_615 = arith.constant 32 : i32
      %mul3A_616 = arith.muli %min3A_614, %mul3A_615 : i32
      %add3A_617 = arith.addi %mul3A_616, %add3A : i32
      %dma_start3A_618 = arith.constant 0 : i32
      %dma_start3A_619 = tpu.memref_slice %arg3[%add3A_617, %dma_start3A_618] : memref<5000x128xi32, #tpu.memory_space<hbm>> -> memref<1x128xi32, #tpu.memory_space<hbm>>
      %dma_start3A_620 = tpu.memref_squeeze %dma_start3A_619 : memref<1x128xi32, #tpu.memory_space<hbm>> -> memref<128xi32, #tpu.memory_space<hbm>>
      %dma_start3A_621 = arith.constant 0 : i32
      %dma_start3A_622 = tpu.memref_slice %arg3[%add3A_617, %dma_start3A_621] : memref<5000x128xi32, #tpu.memory_space<hbm>> -> memref<1x128xi32, #tpu.memory_space<hbm>>
      %dma_start3A_623 = tpu.memref_squeeze %dma_start3A_622 : memref<1x128xi32, #tpu.memory_space<hbm>> -> memref<128xi32, #tpu.memory_space<hbm>>
      tpu.enqueue_dma source(%dma_start3A_623 : memref<128xi32, #tpu.memory_space<hbm>>) target(%arg13 : memref<128xi32, #tpu.memory_space<vmem>>) target_semaphore(%arg27 : memref<!tpu.dma_semaphore, #tpu.memory_space<semaphore_mem>>)
      %mul3A_624 = arith.constant 32 : i32
      %mul3A_625 = arith.muli %min3A_614, %mul3A_624 : i32
      %add3A_626 = arith.constant 2500 : i32
      %add3A_627 = arith.addi %add3A_626, %mul3A_625 : i32
      %add3A_628 = arith.addi %add3A_627, %add3A : i32
      %dma_start3A_629 = arith.constant 0 : i32
      %dma_start3A_630 = tpu.memref_slice %arg3[%add3A_628, %dma_start3A_629] : memref<5000x128xi32, #tpu.memory_space<hbm>> -> memref<1x128xi32, #tpu.memory_space<hbm>>
      %dma_start3A_631 = tpu.memref_squeeze %dma_start3A_630 : memref<1x128xi32, #tpu.memory_space<hbm>> -> memref<128xi32, #tpu.memory_space<hbm>>
      %dma_start3A_632 = arith.constant 0 : i32
      %dma_start3A_633 = tpu.memref_slice %arg3[%add3A_628, %dma_start3A_632] : memref<5000x128xi32, #tpu.memory_space<hbm>> -> memref<1x128xi32, #tpu.memory_space<hbm>>
      %dma_start3A_634 = tpu.memref_squeeze %dma_start3A_633 : memref<1x128xi32, #tpu.memory_space<hbm>> -> memref<128xi32, #tpu.memory_space<hbm>>
      tpu.enqueue_dma source(%dma_start3A_634 : memref<128xi32, #tpu.memory_space<hbm>>) target(%arg17 : memref<128xi32, #tpu.memory_space<vmem>>) target_semaphore(%arg27 : memref<!tpu.dma_semaphore, #tpu.memory_space<semaphore_mem>>)
      %mul3A_635 = arith.constant 32 : i32
      %mul3A_636 = arith.muli %add3A_604, %mul3A_635 : i32
      %add3A_637 = arith.addi %mul3A_636, %add3A : i32
      %dma_wait3A_638 = arith.constant 0 : i32
      %dma_wait3A_639 = tpu.memref_slice %arg3[%add3A_637, %dma_wait3A_638] : memref<5000x128xi32, #tpu.memory_space<hbm>> -> memref<1x128xi32, #tpu.memory_space<hbm>>
      %dma_wait3A_640 = tpu.memref_squeeze %dma_wait3A_639 : memref<1x128xi32, #tpu.memory_space<hbm>> -> memref<128xi32, #tpu.memory_space<hbm>>
      %dma_wait3A_641 = arith.constant 0 : i32
      %dma_wait3A_642 = tpu.memref_slice %arg3[%add3A_637, %dma_wait3A_641] : memref<5000x128xi32, #tpu.memory_space<hbm>> -> memref<1x128xi32, #tpu.memory_space<hbm>>
      %dma_wait3A_643 = tpu.memref_squeeze %dma_wait3A_642 : memref<1x128xi32, #tpu.memory_space<hbm>> -> memref<128xi32, #tpu.memory_space<hbm>>
      tpu.wait_dma2 semaphore(%arg25 : memref<!tpu.dma_semaphore, #tpu.memory_space<semaphore_mem>>) src(%dma_wait3A_643 : memref<128xi32, #tpu.memory_space<hbm>>) dst(%arg11 : memref<128xi32, #tpu.memory_space<vmem>>)
      %mul3A_644 = arith.constant 32 : i32
      %mul3A_645 = arith.muli %add3A_604, %mul3A_644 : i32
      %add3A_646 = arith.constant 2500 : i32
      %add3A_647 = arith.addi %add3A_646, %mul3A_645 : i32
      %add3A_648 = arith.addi %add3A_647, %add3A : i32
      %dma_wait3A_649 = arith.constant 0 : i32
      %dma_wait3A_650 = tpu.memref_slice %arg3[%add3A_648, %dma_wait3A_649] : memref<5000x128xi32, #tpu.memory_space<hbm>> -> memref<1x128xi32, #tpu.memory_space<hbm>>
      %dma_wait3A_651 = tpu.memref_squeeze %dma_wait3A_650 : memref<1x128xi32, #tpu.memory_space<hbm>> -> memref<128xi32, #tpu.memory_space<hbm>>
      %dma_wait3A_652 = arith.constant 0 : i32
      %dma_wait3A_653 = tpu.memref_slice %arg3[%add3A_648, %dma_wait3A_652] : memref<5000x128xi32, #tpu.memory_space<hbm>> -> memref<1x128xi32, #tpu.memory_space<hbm>>
      %dma_wait3A_654 = tpu.memref_squeeze %dma_wait3A_653 : memref<1x128xi32, #tpu.memory_space<hbm>> -> memref<128xi32, #tpu.memory_space<hbm>>
      tpu.wait_dma2 semaphore(%arg25 : memref<!tpu.dma_semaphore, #tpu.memory_space<semaphore_mem>>) src(%dma_wait3A_654 : memref<128xi32, #tpu.memory_space<hbm>>) dst(%arg15 : memref<128xi32, #tpu.memory_space<vmem>>)
      %dma_start3A_655 = arith.constant 0 : i32
      %dma_start3A_656 = arith.constant 0 : i32
      %dma_start3A_657 = tpu.memref_slice %arg2[%dma_start3A_655, %dma_start3A_656] : memref<10240x128xf32, #tpu.memory_space<hbm>> -> memref<10240x128xf32, #tpu.memory_space<hbm>>
      tpu.enqueue_indirect_dma source(%dma_start3A_657 : memref<10240x128xf32, #tpu.memory_space<hbm>>) target(%arg9 : memref<128x128xf32, #tpu.memory_space<vmem>>) offsets(%arg11 : memref<128xi32, #tpu.memory_space<vmem>>) semaphore(%arg21 : memref<!tpu.dma_semaphore, #tpu.memory_space<semaphore_mem>>)
      %dma_wait3A_658 = arith.constant 0 : i32
      %dma_wait3A_659 = arith.constant 0 : i32
      %dma_wait3A_660 = tpu.memref_slice %arg2[%dma_wait3A_658, %dma_wait3A_659] : memref<10240x128xf32, #tpu.memory_space<hbm>> -> memref<10240x128xf32, #tpu.memory_space<hbm>>
      tpu.wait_indirect_dma semaphore(%arg20 : memref<!tpu.dma_semaphore, #tpu.memory_space<semaphore_mem>>) src(%dma_wait3A_660 : memref<10240x128xf32, #tpu.memory_space<hbm>>) dst(%arg8 : memref<128x128xf32, #tpu.memory_space<vmem>>)
      %dma_start3A_661 = arith.constant 0 : i32
      %dma_start3A_662 = arith.constant 0 : i32
      %dma_start3A_663 = tpu.memref_slice %arg6[%dma_start3A_661, %dma_start3A_662] : memref<10240x128xf32, #tpu.memory_space<vmem_shared>> -> memref<10240x128xf32, #tpu.memory_space<vmem_shared>>
      tpu.enqueue_indirect_dma source(%arg8 : memref<128x128xf32, #tpu.memory_space<vmem>>) target(%dma_start3A_663 : memref<10240x128xf32, #tpu.memory_space<vmem_shared>>) offsets(%arg14 : memref<128xi32, #tpu.memory_space<vmem>>) semaphore(%arg22 : memref<!tpu.dma_semaphore, #tpu.memory_space<semaphore_mem>>) {add = true}
      %dma_start3A_664 = arith.constant 0 : i32
      %dma_start3A_665 = arith.constant 0 : i32
      %dma_start3A_666 = tpu.memref_slice %arg7[%dma_start3A_664, %dma_start3A_665] : memref<10240x16xf32, #tpu.memory_space<vmem_shared>> -> memref<10240x16xf32, #tpu.memory_space<vmem_shared>>
      tpu.enqueue_indirect_dma source(%arg18 : memref<128x16xf32, #tpu.memory_space<vmem>>) target(%dma_start3A_666 : memref<10240x16xf32, #tpu.memory_space<vmem_shared>>) offsets(%arg14 : memref<128xi32, #tpu.memory_space<vmem>>) semaphore(%arg22 : memref<!tpu.dma_semaphore, #tpu.memory_space<semaphore_mem>>) {add = true}
    }
    %scan3A_330 = arith.constant 19 : i32
    %dma_wait3A_331 = arith.constant 0 : i32
    %dma_wait3A_332 = arith.constant 0 : i32
    %dma_wait3A_333 = tpu.memref_slice %arg2[%dma_wait3A_331, %dma_wait3A_332] : memref<10240x128xf32, #tpu.memory_space<hbm>> -> memref<10240x128xf32, #tpu.memory_space<hbm>>
    tpu.wait_indirect_dma semaphore(%arg21 : memref<!tpu.dma_semaphore, #tpu.memory_space<semaphore_mem>>) src(%dma_wait3A_333 : memref<10240x128xf32, #tpu.memory_space<hbm>>) dst(%arg9 : memref<128x128xf32, #tpu.memory_space<vmem>>)
    %dma_start3A_334 = arith.constant 0 : i32
    %dma_start3A_335 = arith.constant 0 : i32
    %dma_start3A_336 = tpu.memref_slice %arg6[%dma_start3A_334, %dma_start3A_335] : memref<10240x128xf32, #tpu.memory_space<vmem_shared>> -> memref<10240x128xf32, #tpu.memory_space<vmem_shared>>
    tpu.enqueue_indirect_dma source(%arg9 : memref<128x128xf32, #tpu.memory_space<vmem>>) target(%dma_start3A_336 : memref<10240x128xf32, #tpu.memory_space<vmem_shared>>) offsets(%arg15 : memref<128xi32, #tpu.memory_space<vmem>>) semaphore(%arg23 : memref<!tpu.dma_semaphore, #tpu.memory_space<semaphore_mem>>) {add = true}
    %dma_start3A_337 = arith.constant 0 : i32
    %dma_start3A_338 = arith.constant 0 : i32
    %dma_start3A_339 = tpu.memref_slice %arg7[%dma_start3A_337, %dma_start3A_338] : memref<10240x16xf32, #tpu.memory_space<vmem_shared>> -> memref<10240x16xf32, #tpu.memory_space<vmem_shared>>
    tpu.enqueue_indirect_dma source(%arg18 : memref<128x16xf32, #tpu.memory_space<vmem>>) target(%dma_start3A_339 : memref<10240x16xf32, #tpu.memory_space<vmem_shared>>) offsets(%arg15 : memref<128xi32, #tpu.memory_space<vmem>>) semaphore(%arg23 : memref<!tpu.dma_semaphore, #tpu.memory_space<semaphore_mem>>) {add = true}
    %dma_wait3A_340 = arith.constant 0 : i32
    %dma_wait3A_341 = arith.constant 0 : i32
    %dma_wait3A_342 = tpu.memref_slice %arg6[%dma_wait3A_340, %dma_wait3A_341] : memref<10240x128xf32, #tpu.memory_space<vmem_shared>> -> memref<10240x128xf32, #tpu.memory_space<vmem_shared>>
    tpu.wait_indirect_dma semaphore(%arg22 : memref<!tpu.dma_semaphore, #tpu.memory_space<semaphore_mem>>) src(%arg8 : memref<128x128xf32, #tpu.memory_space<vmem>>) dst(%dma_wait3A_342 : memref<10240x128xf32, #tpu.memory_space<vmem_shared>>)
    %dma_wait3A_343 = arith.constant 0 : i32
    %dma_wait3A_344 = arith.constant 0 : i32
    %dma_wait3A_345 = tpu.memref_slice %arg7[%dma_wait3A_343, %dma_wait3A_344] : memref<10240x16xf32, #tpu.memory_space<vmem_shared>> -> memref<10240x16xf32, #tpu.memory_space<vmem_shared>>
    tpu.wait_indirect_dma semaphore(%arg22 : memref<!tpu.dma_semaphore, #tpu.memory_space<semaphore_mem>>) src(%arg18 : memref<128x16xf32, #tpu.memory_space<vmem>>) dst(%dma_wait3A_345 : memref<10240x16xf32, #tpu.memory_space<vmem_shared>>)
    %dma_wait3A_346 = arith.constant 0 : i32
    %dma_wait3A_347 = arith.constant 0 : i32
    %dma_wait3A_348 = tpu.memref_slice %arg6[%dma_wait3A_346, %dma_wait3A_347] : memref<10240x128xf32, #tpu.memory_space<vmem_shared>> -> memref<10240x128xf32, #tpu.memory_space<vmem_shared>>
    tpu.wait_indirect_dma semaphore(%arg23 : memref<!tpu.dma_semaphore, #tpu.memory_space<semaphore_mem>>) src(%arg9 : memref<128x128xf32, #tpu.memory_space<vmem>>) dst(%dma_wait3A_348 : memref<10240x128xf32, #tpu.memory_space<vmem_shared>>)
    %dma_wait3A_349 = arith.constant 0 : i32
    %dma_wait3A_350 = arith.constant 0 : i32
    %dma_wait3A_351 = tpu.memref_slice %arg7[%dma_wait3A_349, %dma_wait3A_350] : memref<10240x16xf32, #tpu.memory_space<vmem_shared>> -> memref<10240x16xf32, #tpu.memory_space<vmem_shared>>
    tpu.wait_indirect_dma semaphore(%arg23 : memref<!tpu.dma_semaphore, #tpu.memory_space<semaphore_mem>>) src(%arg18 : memref<128x16xf32, #tpu.memory_space<vmem>>) dst(%dma_wait3A_351 : memref<10240x16xf32, #tpu.memory_space<vmem_shared>>)
    %add3A_352 = arith.constant 2464 : i32
    %add3A_353 = arith.addi %add3A_352, %add3A : i32
    %dma_wait3A_354 = arith.constant 0 : i32
    %dma_wait3A_355 = tpu.memref_slice %arg3[%add3A_353, %dma_wait3A_354] : memref<5000x128xi32, #tpu.memory_space<hbm>> -> memref<1x128xi32, #tpu.memory_space<hbm>>
    %dma_wait3A_356 = tpu.memref_squeeze %dma_wait3A_355 : memref<1x128xi32, #tpu.memory_space<hbm>> -> memref<128xi32, #tpu.memory_space<hbm>>
    %dma_wait3A_357 = arith.constant 0 : i32
    %dma_wait3A_358 = tpu.memref_slice %arg3[%add3A_353, %dma_wait3A_357] : memref<5000x128xi32, #tpu.memory_space<hbm>> -> memref<1x128xi32, #tpu.memory_space<hbm>>
    %dma_wait3A_359 = tpu.memref_squeeze %dma_wait3A_358 : memref<1x128xi32, #tpu.memory_space<hbm>> -> memref<128xi32, #tpu.memory_space<hbm>>
    tpu.wait_dma2 semaphore(%arg26 : memref<!tpu.dma_semaphore, #tpu.memory_space<semaphore_mem>>) src(%dma_wait3A_359 : memref<128xi32, #tpu.memory_space<hbm>>) dst(%arg12 : memref<128xi32, #tpu.memory_space<vmem>>)
    %add3A_360 = arith.constant 4964 : i32
    %add3A_361 = arith.addi %add3A_360, %add3A : i32
    %dma_wait3A_362 = arith.constant 0 : i32
    %dma_wait3A_363 = tpu.memref_slice %arg3[%add3A_361, %dma_wait3A_362] : memref<5000x128xi32, #tpu.memory_space<hbm>> -> memref<1x128xi32, #tpu.memory_space<hbm>>
    %dma_wait3A_364 = tpu.memref_squeeze %dma_wait3A_363 : memref<1x128xi32, #tpu.memory_space<hbm>> -> memref<128xi32, #tpu.memory_space<hbm>>
    %dma_wait3A_365 = arith.constant 0 : i32
    %dma_wait3A_366 = tpu.memref_slice %arg3[%add3A_361, %dma_wait3A_365] : memref<5000x128xi32, #tpu.memory_space<hbm>> -> memref<1x128xi32, #tpu.memory_space<hbm>>
    %dma_wait3A_367 = tpu.memref_squeeze %dma_wait3A_366 : memref<1x128xi32, #tpu.memory_space<hbm>> -> memref<128xi32, #tpu.memory_space<hbm>>
    tpu.wait_dma2 semaphore(%arg26 : memref<!tpu.dma_semaphore, #tpu.memory_space<semaphore_mem>>) src(%dma_wait3A_367 : memref<128xi32, #tpu.memory_space<hbm>>) dst(%arg16 : memref<128xi32, #tpu.memory_space<vmem>>)
    %add3A_368 = arith.constant 2464 : i32
    %add3A_369 = arith.addi %add3A_368, %add3A : i32
    %dma_wait3A_370 = arith.constant 0 : i32
    %dma_wait3A_371 = tpu.memref_slice %arg3[%add3A_369, %dma_wait3A_370] : memref<5000x128xi32, #tpu.memory_space<hbm>> -> memref<1x128xi32, #tpu.memory_space<hbm>>
    %dma_wait3A_372 = tpu.memref_squeeze %dma_wait3A_371 : memref<1x128xi32, #tpu.memory_space<hbm>> -> memref<128xi32, #tpu.memory_space<hbm>>
    %dma_wait3A_373 = arith.constant 0 : i32
    %dma_wait3A_374 = tpu.memref_slice %arg3[%add3A_369, %dma_wait3A_373] : memref<5000x128xi32, #tpu.memory_space<hbm>> -> memref<1x128xi32, #tpu.memory_space<hbm>>
    %dma_wait3A_375 = tpu.memref_squeeze %dma_wait3A_374 : memref<1x128xi32, #tpu.memory_space<hbm>> -> memref<128xi32, #tpu.memory_space<hbm>>
    tpu.wait_dma2 semaphore(%arg27 : memref<!tpu.dma_semaphore, #tpu.memory_space<semaphore_mem>>) src(%dma_wait3A_375 : memref<128xi32, #tpu.memory_space<hbm>>) dst(%arg13 : memref<128xi32, #tpu.memory_space<vmem>>)
    %add3A_376 = arith.constant 4964 : i32
    %add3A_377 = arith.addi %add3A_376, %add3A : i32
    %dma_wait3A_378 = arith.constant 0 : i32
    %dma_wait3A_379 = tpu.memref_slice %arg3[%add3A_377, %dma_wait3A_378] : memref<5000x128xi32, #tpu.memory_space<hbm>> -> memref<1x128xi32, #tpu.memory_space<hbm>>
    %dma_wait3A_380 = tpu.memref_squeeze %dma_wait3A_379 : memref<1x128xi32, #tpu.memory_space<hbm>> -> memref<128xi32, #tpu.memory_space<hbm>>
    %dma_wait3A_381 = arith.constant 0 : i32
    %dma_wait3A_382 = tpu.memref_slice %arg3[%add3A_377, %dma_wait3A_381] : memref<5000x128xi32, #tpu.memory_space<hbm>> -> memref<1x128xi32, #tpu.memory_space<hbm>>
    %dma_wait3A_383 = tpu.memref_squeeze %dma_wait3A_382 : memref<1x128xi32, #tpu.memory_space<hbm>> -> memref<128xi32, #tpu.memory_space<hbm>>
    tpu.wait_dma2 semaphore(%arg27 : memref<!tpu.dma_semaphore, #tpu.memory_space<semaphore_mem>>) src(%dma_wait3A_383 : memref<128xi32, #tpu.memory_space<hbm>>) dst(%arg17 : memref<128xi32, #tpu.memory_space<vmem>>)
    %lt3A = arith.constant 4 : i32
    %lt3A_384 = arith.cmpi slt, %add3A, %lt3A : i32
    %convert_element_type3A = arith.extui %lt3A_384 : i1 to i32
    %cond3A = arith.constant 0 : i32
    %cond3A_385 = arith.cmpi ne, %convert_element_type3A, %cond3A : i32
    scf.if %cond3A_385 {
      %add3A_395 = arith.constant 2496 : i32
      %add3A_396 = arith.addi %add3A_395, %add3A : i32
      %dma_start3A_397 = arith.constant 0 : i32
      %dma_start3A_398 = tpu.memref_slice %arg3[%add3A_396, %dma_start3A_397] : memref<5000x128xi32, #tpu.memory_space<hbm>> -> memref<1x128xi32, #tpu.memory_space<hbm>>
      %dma_start3A_399 = tpu.memref_squeeze %dma_start3A_398 : memref<1x128xi32, #tpu.memory_space<hbm>> -> memref<128xi32, #tpu.memory_space<hbm>>
      %dma_start3A_400 = arith.constant 0 : i32
      %dma_start3A_401 = tpu.memref_slice %arg3[%add3A_396, %dma_start3A_400] : memref<5000x128xi32, #tpu.memory_space<hbm>> -> memref<1x128xi32, #tpu.memory_space<hbm>>
      %dma_start3A_402 = tpu.memref_squeeze %dma_start3A_401 : memref<1x128xi32, #tpu.memory_space<hbm>> -> memref<128xi32, #tpu.memory_space<hbm>>
      tpu.enqueue_dma source(%dma_start3A_402 : memref<128xi32, #tpu.memory_space<hbm>>) target(%arg10 : memref<128xi32, #tpu.memory_space<vmem>>) target_semaphore(%arg28 : memref<!tpu.dma_semaphore, #tpu.memory_space<semaphore_mem>>)
      %add3A_403 = arith.constant 2500 : i32
      %add3A_404 = arith.addi %add3A_403, %add3A_396 : i32
      %dma_start3A_405 = arith.constant 0 : i32
      %dma_start3A_406 = tpu.memref_slice %arg3[%add3A_404, %dma_start3A_405] : memref<5000x128xi32, #tpu.memory_space<hbm>> -> memref<1x128xi32, #tpu.memory_space<hbm>>
      %dma_start3A_407 = tpu.memref_squeeze %dma_start3A_406 : memref<1x128xi32, #tpu.memory_space<hbm>> -> memref<128xi32, #tpu.memory_space<hbm>>
      %dma_start3A_408 = arith.constant 0 : i32
      %dma_start3A_409 = tpu.memref_slice %arg3[%add3A_404, %dma_start3A_408] : memref<5000x128xi32, #tpu.memory_space<hbm>> -> memref<1x128xi32, #tpu.memory_space<hbm>>
      %dma_start3A_410 = tpu.memref_squeeze %dma_start3A_409 : memref<1x128xi32, #tpu.memory_space<hbm>> -> memref<128xi32, #tpu.memory_space<hbm>>
      tpu.enqueue_dma source(%dma_start3A_410 : memref<128xi32, #tpu.memory_space<hbm>>) target(%arg14 : memref<128xi32, #tpu.memory_space<vmem>>) target_semaphore(%arg28 : memref<!tpu.dma_semaphore, #tpu.memory_space<semaphore_mem>>)
      %dma_wait3A_411 = arith.constant 0 : i32
      %dma_wait3A_412 = tpu.memref_slice %arg3[%add3A_396, %dma_wait3A_411] : memref<5000x128xi32, #tpu.memory_space<hbm>> -> memref<1x128xi32, #tpu.memory_space<hbm>>
      %dma_wait3A_413 = tpu.memref_squeeze %dma_wait3A_412 : memref<1x128xi32, #tpu.memory_space<hbm>> -> memref<128xi32, #tpu.memory_space<hbm>>
      %dma_wait3A_414 = arith.constant 0 : i32
      %dma_wait3A_415 = tpu.memref_slice %arg3[%add3A_396, %dma_wait3A_414] : memref<5000x128xi32, #tpu.memory_space<hbm>> -> memref<1x128xi32, #tpu.memory_space<hbm>>
      %dma_wait3A_416 = tpu.memref_squeeze %dma_wait3A_415 : memref<1x128xi32, #tpu.memory_space<hbm>> -> memref<128xi32, #tpu.memory_space<hbm>>
      tpu.wait_dma2 semaphore(%arg28 : memref<!tpu.dma_semaphore, #tpu.memory_space<semaphore_mem>>) src(%dma_wait3A_416 : memref<128xi32, #tpu.memory_space<hbm>>) dst(%arg10 : memref<128xi32, #tpu.memory_space<vmem>>)
      %add3A_417 = arith.constant 2500 : i32
      %add3A_418 = arith.addi %add3A_417, %add3A_396 : i32
      %dma_wait3A_419 = arith.constant 0 : i32
      %dma_wait3A_420 = tpu.memref_slice %arg3[%add3A_418, %dma_wait3A_419] : memref<5000x128xi32, #tpu.memory_space<hbm>> -> memref<1x128xi32, #tpu.memory_space<hbm>>
      %dma_wait3A_421 = tpu.memref_squeeze %dma_wait3A_420 : memref<1x128xi32, #tpu.memory_space<hbm>> -> memref<128xi32, #tpu.memory_space<hbm>>
      %dma_wait3A_422 = arith.constant 0 : i32
      %dma_wait3A_423 = tpu.memref_slice %arg3[%add3A_418, %dma_wait3A_422] : memref<5000x128xi32, #tpu.memory_space<hbm>> -> memref<1x128xi32, #tpu.memory_space<hbm>>
      %dma_wait3A_424 = tpu.memref_squeeze %dma_wait3A_423 : memref<1x128xi32, #tpu.memory_space<hbm>> -> memref<128xi32, #tpu.memory_space<hbm>>
      tpu.wait_dma2 semaphore(%arg28 : memref<!tpu.dma_semaphore, #tpu.memory_space<semaphore_mem>>) src(%dma_wait3A_424 : memref<128xi32, #tpu.memory_space<hbm>>) dst(%arg14 : memref<128xi32, #tpu.memory_space<vmem>>)
      %dma_start3A_425 = arith.constant 0 : i32
      %dma_start3A_426 = arith.constant 0 : i32
      %dma_start3A_427 = tpu.memref_slice %arg2[%dma_start3A_425, %dma_start3A_426] : memref<10240x128xf32, #tpu.memory_space<hbm>> -> memref<10240x128xf32, #tpu.memory_space<hbm>>
      tpu.enqueue_indirect_dma source(%dma_start3A_427 : memref<10240x128xf32, #tpu.memory_space<hbm>>) target(%arg8 : memref<128x128xf32, #tpu.memory_space<vmem>>) offsets(%arg10 : memref<128xi32, #tpu.memory_space<vmem>>) semaphore(%arg28 : memref<!tpu.dma_semaphore, #tpu.memory_space<semaphore_mem>>)
      %dma_wait3A_428 = arith.constant 0 : i32
      %dma_wait3A_429 = arith.constant 0 : i32
      %dma_wait3A_430 = tpu.memref_slice %arg2[%dma_wait3A_428, %dma_wait3A_429] : memref<10240x128xf32, #tpu.memory_space<hbm>> -> memref<10240x128xf32, #tpu.memory_space<hbm>>
      tpu.wait_indirect_dma semaphore(%arg28 : memref<!tpu.dma_semaphore, #tpu.memory_space<semaphore_mem>>) src(%dma_wait3A_430 : memref<10240x128xf32, #tpu.memory_space<hbm>>) dst(%arg8 : memref<128x128xf32, #tpu.memory_space<vmem>>)
      "tpu.region"() ({
        %run_scoped3A = tpu.sem_alloc : memref<!tpu.dma_semaphore, #tpu.memory_space<semaphore_mem>>
        %dma_start3A_431 = arith.constant 0 : i32
        %dma_start3A_432 = arith.constant 0 : i32
        %dma_start3A_433 = tpu.memref_slice %arg6[%dma_start3A_431, %dma_start3A_432] : memref<10240x128xf32, #tpu.memory_space<vmem_shared>> -> memref<10240x128xf32, #tpu.memory_space<vmem_shared>>
        tpu.enqueue_indirect_dma source(%arg8 : memref<128x128xf32, #tpu.memory_space<vmem>>) target(%dma_start3A_433 : memref<10240x128xf32, #tpu.memory_space<vmem_shared>>) offsets(%arg14 : memref<128xi32, #tpu.memory_space<vmem>>) semaphore(%run_scoped3A : memref<!tpu.dma_semaphore, #tpu.memory_space<semaphore_mem>>) {add = true}
        %dma_wait3A_434 = arith.constant 0 : i32
        %dma_wait3A_435 = arith.constant 0 : i32
        %dma_wait3A_436 = tpu.memref_slice %arg6[%dma_wait3A_434, %dma_wait3A_435] : memref<10240x128xf32, #tpu.memory_space<vmem_shared>> -> memref<10240x128xf32, #tpu.memory_space<vmem_shared>>
        tpu.wait_indirect_dma semaphore(%run_scoped3A : memref<!tpu.dma_semaphore, #tpu.memory_space<semaphore_mem>>) src(%arg8 : memref<128x128xf32, #tpu.memory_space<vmem>>) dst(%dma_wait3A_436 : memref<10240x128xf32, #tpu.memory_space<vmem_shared>>)
        tpu.yield
      }) : () -> ()
      "tpu.region"() ({
        %run_scoped3A = tpu.sem_alloc : memref<!tpu.dma_semaphore, #tpu.memory_space<semaphore_mem>>
        %dma_start3A_431 = arith.constant 0 : i32
        %dma_start3A_432 = arith.constant 0 : i32
        %dma_start3A_433 = tpu.memref_slice %arg7[%dma_start3A_431, %dma_start3A_432] : memref<10240x16xf32, #tpu.memory_space<vmem_shared>> -> memref<10240x16xf32, #tpu.memory_space<vmem_shared>>
        tpu.enqueue_indirect_dma source(%arg18 : memref<128x16xf32, #tpu.memory_space<vmem>>) target(%dma_start3A_433 : memref<10240x16xf32, #tpu.memory_space<vmem_shared>>) offsets(%arg14 : memref<128xi32, #tpu.memory_space<vmem>>) semaphore(%run_scoped3A : memref<!tpu.dma_semaphore, #tpu.memory_space<semaphore_mem>>) {add = true}
        %dma_wait3A_434 = arith.constant 0 : i32
        %dma_wait3A_435 = arith.constant 0 : i32
        %dma_wait3A_436 = tpu.memref_slice %arg7[%dma_wait3A_434, %dma_wait3A_435] : memref<10240x16xf32, #tpu.memory_space<vmem_shared>> -> memref<10240x16xf32, #tpu.memory_space<vmem_shared>>
        tpu.wait_indirect_dma semaphore(%run_scoped3A : memref<!tpu.dma_semaphore, #tpu.memory_space<semaphore_mem>>) src(%arg18 : memref<128x16xf32, #tpu.memory_space<vmem>>) dst(%dma_wait3A_436 : memref<10240x16xf32, #tpu.memory_space<vmem_shared>>)
        tpu.yield
      }) : () -> ()
    } else {
    }
    %barrier3A_386 = arith.constant 0 : index
    tpu.barrier barrier_id(%barrier3A_386)
    %mul3A_387 = arith.constant 640 : i32
    %mul3A_388 = arith.muli %arg1, %mul3A_387 : i32
    %mul3A_389 = arith.constant 640 : i32
    %mul3A_390 = arith.muli %arg1, %mul3A_389 : i32
    "tpu.region"() ({
      %run_scoped3A = tpu.sem_alloc : memref<!tpu.dma_semaphore, #tpu.memory_space<semaphore_mem>>
      %dma_start3A_395 = arith.constant 0 : i32
      %dma_start3A_396 = tpu.memref_slice %arg4[%arg0, %mul3A_390, %dma_start3A_395] : memref<2x10240x128xf32, #tpu.memory_space<hbm>> -> memref<1x640x128xf32, #tpu.memory_space<hbm>>
      %dma_start3A_397 = tpu.memref_squeeze %dma_start3A_396 : memref<1x640x128xf32, #tpu.memory_space<hbm>> -> memref<640x128xf32, #tpu.memory_space<hbm>>
      %dma_start3A_398 = arith.constant 0 : i32
      %dma_start3A_399 = tpu.memref_slice %arg6[%mul3A_388, %dma_start3A_398] : memref<10240x128xf32, #tpu.memory_space<vmem_shared>> -> memref<640x128xf32, #tpu.memory_space<vmem_shared>>
      tpu.enqueue_dma source(%dma_start3A_399 : memref<640x128xf32, #tpu.memory_space<vmem_shared>>) target(%dma_start3A_397 : memref<640x128xf32, #tpu.memory_space<hbm>>) target_semaphore(%run_scoped3A : memref<!tpu.dma_semaphore, #tpu.memory_space<semaphore_mem>>)
      %dma_wait3A_400 = arith.constant 0 : i32
      %dma_wait3A_401 = tpu.memref_slice %arg4[%arg0, %mul3A_390, %dma_wait3A_400] : memref<2x10240x128xf32, #tpu.memory_space<hbm>> -> memref<1x640x128xf32, #tpu.memory_space<hbm>>
      %dma_wait3A_402 = tpu.memref_squeeze %dma_wait3A_401 : memref<1x640x128xf32, #tpu.memory_space<hbm>> -> memref<640x128xf32, #tpu.memory_space<hbm>>
      %dma_wait3A_403 = arith.constant 0 : i32
      %dma_wait3A_404 = tpu.memref_slice %arg6[%mul3A_388, %dma_wait3A_403] : memref<10240x128xf32, #tpu.memory_space<vmem_shared>> -> memref<640x128xf32, #tpu.memory_space<vmem_shared>>
      tpu.wait_dma2 semaphore(%run_scoped3A : memref<!tpu.dma_semaphore, #tpu.memory_space<semaphore_mem>>) src(%dma_wait3A_404 : memref<640x128xf32, #tpu.memory_space<vmem_shared>>) dst(%dma_wait3A_402 : memref<640x128xf32, #tpu.memory_space<hbm>>)
      tpu.yield
    }) : () -> ()
    %mul3A_391 = arith.constant 640 : i32
    %mul3A_392 = arith.muli %arg1, %mul3A_391 : i32
    %mul3A_393 = arith.constant 640 : i32
    %mul3A_394 = arith.muli %arg1, %mul3A_393 : i32
    "tpu.region"() ({
      %run_scoped3A = tpu.sem_alloc : memref<!tpu.dma_semaphore, #tpu.memory_space<semaphore_mem>>
      %dma_start3A_395 = arith.constant 0 : i32
      %dma_start3A_396 = tpu.memref_slice %arg5[%arg0, %mul3A_394, %dma_start3A_395] : memref<2x10240x16xf32, #tpu.memory_space<hbm>> -> memref<1x640x16xf32, #tpu.memory_space<hbm>>
      %dma_start3A_397 = tpu.memref_squeeze %dma_start3A_396 : memref<1x640x16xf32, #tpu.memory_space<hbm>> -> memref<640x16xf32, #tpu.memory_space<hbm>>
      %dma_start3A_398 = arith.constant 0 : i32
      %dma_start3A_399 = tpu.memref_slice %arg7[%mul3A_392, %dma_start3A_398] : memref<10240x16xf32, #tpu.memory_space<vmem_shared>> -> memref<640x16xf32, #tpu.memory_space<vmem_shared>>
      tpu.enqueue_dma source(%dma_start3A_399 : memref<640x16xf32, #tpu.memory_space<vmem_shared>>) target(%dma_start3A_397 : memref<640x16xf32, #tpu.memory_space<hbm>>) target_semaphore(%run_scoped3A : memref<!tpu.dma_semaphore, #tpu.memory_space<semaphore_mem>>)
      %dma_wait3A_400 = arith.constant 0 : i32
      %dma_wait3A_401 = tpu.memref_slice %arg5[%arg0, %mul3A_394, %dma_wait3A_400] : memref<2x10240x16xf32, #tpu.memory_space<hbm>> -> memref<1x640x16xf32, #tpu.memory_space<hbm>>
      %dma_wait3A_402 = tpu.memref_squeeze %dma_wait3A_401 : memref<1x640x16xf32, #tpu.memory_space<hbm>> -> memref<640x16xf32, #tpu.memory_space<hbm>>
      %dma_wait3A_403 = arith.constant 0 : i32
      %dma_wait3A_404 = tpu.memref_slice %arg7[%mul3A_392, %dma_wait3A_403] : memref<10240x16xf32, #tpu.memory_space<vmem_shared>> -> memref<640x16xf32, #tpu.memory_space<vmem_shared>>
      tpu.wait_dma2 semaphore(%run_scoped3A : memref<!tpu.dma_semaphore, #tpu.memory_space<semaphore_mem>>) src(%dma_wait3A_404 : memref<640x16xf32, #tpu.memory_space<vmem_shared>>) dst(%dma_wait3A_402 : memref<640x16xf32, #tpu.memory_space<hbm>>)
      tpu.yield
    }) : () -> ()
    return
  }
}

module attributes {stable_mosaic.version = 14 : i64} {
  func.func @_combine_body(%arg0: i32, %arg1: memref<2x1024x128xf32, #tpu.memory_space<vmem>>, %arg2: memref<2x1024x16xf32, #tpu.memory_space<vmem>>, %arg3: memref<1024x128xf32, #tpu.memory_space<vmem>>, %arg4: memref<128x128xf32, #tpu.memory_space<vmem>>, %arg5: memref<1024x128xf32, #tpu.memory_space<vmem>>) attributes {dimension_semantics = [#tpu.dimension_semantics<arbitrary>], iteration_bounds = array<i64: 10>, scalar_prefetch = 0 : i64, scratch_operands = 0 : i64, tpu.core_type = #tpu.core_type<tc>, window_params = [{transform_indices = @transform_0, window_bounds = array<i64: 2, 1024, 128>}, {transform_indices = @transform_1, window_bounds = array<i64: 2, 1024, 16>}, {transform_indices = @transform_2, window_bounds = array<i64: 1024, 128>}, {pipeline_mode = #tpu.pipeline_mode<synchronous>, transform_indices = @transform_3, window_bounds = array<i64: 128, 128>}, {transform_indices = @transform_4, window_bounds = array<i64: 1024, 128>}]} {
    %get3A = arith.constant 0 : index
    %get3A_0 = arith.constant 0 : index
    %get3A_1 = arith.constant 0 : index
    %get3A_2 = vector.load %arg1[%get3A, %get3A_0, %get3A_1] : memref<2x1024x128xf32, #tpu.memory_space<vmem>>, vector<2x1024x128xf32>
    %get3A_3 = arith.constant 0 : index
    %get3A_4 = arith.constant 0 : index
    %get3A_5 = arith.constant 0 : index
    %get3A_6 = vector.load %arg2[%get3A_3, %get3A_4, %get3A_5] : memref<2x1024x16xf32, #tpu.memory_space<vmem>>, vector<2x1024x16xf32>
    %slice3A = vector.extract_strided_slice %get3A_2 {offsets = [0, 0, 0], sizes = [1, 1024, 128], strides = [1, 1, 1]} : vector<2x1024x128xf32> to vector<1x1024x128xf32>
    %squeeze3A = vector.shape_cast %slice3A : vector<1x1024x128xf32> to vector<1024x128xf32>
    %slice3A_7 = vector.extract_strided_slice %get3A_2 {offsets = [1, 0, 0], sizes = [1, 1024, 128], strides = [1, 1, 1]} : vector<2x1024x128xf32> to vector<1x1024x128xf32>
    %squeeze3A_8 = vector.shape_cast %slice3A_7 : vector<1x1024x128xf32> to vector<1024x128xf32>
    %add3A = arith.addf %squeeze3A, %squeeze3A_8 : vector<1024x128xf32>
    %slice3A_9 = vector.extract_strided_slice %get3A_6 {offsets = [0, 0, 0], sizes = [1, 1024, 16], strides = [1, 1, 1]} : vector<2x1024x16xf32> to vector<1x1024x16xf32>
    %squeeze3A_10 = vector.shape_cast %slice3A_9 : vector<1x1024x16xf32> to vector<1024x16xf32>
    %slice3A_11 = vector.extract_strided_slice %get3A_6 {offsets = [1, 0, 0], sizes = [1, 1024, 16], strides = [1, 1, 1]} : vector<2x1024x16xf32> to vector<1x1024x16xf32>
    %squeeze3A_12 = vector.shape_cast %slice3A_11 : vector<1x1024x16xf32> to vector<1024x16xf32>
    %add3A_13 = arith.addf %squeeze3A_10, %squeeze3A_12 : vector<1024x16xf32>
    %reduce_sum3A = arith.constant dense<0.000000e+00> : vector<1024xf32>
    %reduce_sum3A_14 = vector.multi_reduction <add>, %add3A_13, %reduce_sum3A [1] : vector<1024x16xf32> to vector<1024xf32>
    %broadcast_in_dim3A = vector.shape_cast %reduce_sum3A_14 : vector<1024xf32> to vector<1024x1xf32>
    %max3A = arith.constant 1.000000e+00 : f32
    %max3A_15 = vector.broadcast %max3A : f32 to vector<1024x1xf32>
    %max3A_16 = arith.maximumf %broadcast_in_dim3A, %max3A_15 : vector<1024x1xf32>
    %div3A = arith.constant 1.000000e+00 : f32
    %div3A_17 = vector.broadcast %div3A : f32 to vector<1024x1xf32>
    %div3A_18 = arith.divf %div3A_17, %max3A_16 : vector<1024x1xf32>
    %mul3A = vector.broadcast %div3A_18 : vector<1024x1xf32> to vector<1024x128xf32>
    %mul3A_19 = arith.mulf %add3A, %mul3A : vector<1024x128xf32>
    %get3A_20 = arith.constant 0 : index
    %get3A_21 = arith.constant 0 : index
    %get3A_22 = vector.load %arg3[%get3A_20, %get3A_21] : memref<1024x128xf32, #tpu.memory_space<vmem>>, vector<1024x128xf32>
    %get3A_23 = arith.constant 0 : index
    %get3A_24 = arith.constant 0 : index
    %get3A_25 = vector.load %arg4[%get3A_23, %get3A_24] : memref<128x128xf32, #tpu.memory_space<vmem>>, vector<128x128xf32>
    %dot_general3A = arith.constant dense<0.000000e+00> : vector<1024x128xf32>
    %dot_general3A_26 = tpu.matmul %get3A_22, %get3A_25, %dot_general3A {dimension_numbers = #tpu.dot_dimension_numbers<[1], [0], [0], [1], [0, 0, 1, 1], [], []>, transpose_lhs_hint = false} : vector<1024x128xf32>, vector<128x128xf32>, vector<1024x128xf32> -> vector<1024x128xf32>
    %add3A_27 = arith.addf %dot_general3A_26, %mul3A_19 : vector<1024x128xf32>
    %max3A_28 = arith.constant 0.000000e+00 : f32
    %max3A_29 = vector.broadcast %max3A_28 : f32 to vector<1024x128xf32>
    %max3A_30 = arith.maximumf %add3A_27, %max3A_29 : vector<1024x128xf32>
    %swap3A = arith.constant 0 : index
    %swap3A_31 = arith.constant 0 : index
    %swap3A_32 = vector.load %arg5[%swap3A, %swap3A_31] : memref<1024x128xf32, #tpu.memory_space<vmem>>, vector<1024x128xf32>
    tpu.vector_store %arg5[%swap3A, %swap3A_31], %max3A_30 {strides = array<i32>} : memref<1024x128xf32, #tpu.memory_space<vmem>>, vector<1024x128xf32>,
    return
  }
  func.func @transform_0(%arg0: i32) -> (i32, i32, i32) {
    %c0_i32 = arith.constant 0 : i32
    %c0_i32_0 = arith.constant 0 : i32
    %c0_i32_1 = arith.constant 0 : i32
    return %c0_i32, %arg0, %c0_i32_0 : i32, i32, i32
  }
  func.func @transform_1(%arg0: i32) -> (i32, i32, i32) {
    %c0_i32 = arith.constant 0 : i32
    %c0_i32_0 = arith.constant 0 : i32
    %c0_i32_1 = arith.constant 0 : i32
    return %c0_i32, %arg0, %c0_i32_0 : i32, i32, i32
  }
  func.func @transform_2(%arg0: i32) -> (i32, i32) {
    %c0_i32 = arith.constant 0 : i32
    %c0_i32_0 = arith.constant 0 : i32
    return %arg0, %c0_i32 : i32, i32
  }
  func.func @transform_3(%arg0: i32) -> (i32, i32) {
    %c0_i32 = arith.constant 0 : i32
    %c0_i32_0 = arith.constant 0 : i32
    %c0_i32_1 = arith.constant 0 : i32
    return %c0_i32, %c0_i32_0 : i32, i32
  }
  func.func @transform_4(%arg0: i32) -> (i32, i32) {
    %c0_i32 = arith.constant 0 : i32
    %c0_i32_0 = arith.constant 0 : i32
    return %arg0, %c0_i32 : i32, i32
  }
}

module attributes {stable_mosaic.version = 14 : i64} {
  func.func @_mm_body(%arg0: i32, %arg1: memref<1024x128xf32, #tpu.memory_space<vmem>>, %arg2: memref<128x128xf32, #tpu.memory_space<vmem>>, %arg3: memref<1024x128xf32, #tpu.memory_space<vmem>>) attributes {dimension_semantics = [#tpu.dimension_semantics<arbitrary>], iteration_bounds = array<i64: 10>, scalar_prefetch = 0 : i64, scratch_operands = 0 : i64, tpu.core_type = #tpu.core_type<tc>, window_params = [{transform_indices = @transform_0, window_bounds = array<i64: 1024, 128>}, {pipeline_mode = #tpu.pipeline_mode<synchronous>, transform_indices = @transform_1, window_bounds = array<i64: 128, 128>}, {transform_indices = @transform_2, window_bounds = array<i64: 1024, 128>}]} {
    %get3A = arith.constant 0 : index
    %get3A_0 = arith.constant 0 : index
    %get3A_1 = vector.load %arg1[%get3A, %get3A_0] : memref<1024x128xf32, #tpu.memory_space<vmem>>, vector<1024x128xf32>
    %get3A_2 = arith.constant 0 : index
    %get3A_3 = arith.constant 0 : index
    %get3A_4 = vector.load %arg2[%get3A_2, %get3A_3] : memref<128x128xf32, #tpu.memory_space<vmem>>, vector<128x128xf32>
    %dot_general3A = arith.constant dense<0.000000e+00> : vector<1024x128xf32>
    %dot_general3A_5 = tpu.matmul %get3A_1, %get3A_4, %dot_general3A {dimension_numbers = #tpu.dot_dimension_numbers<[1], [0], [0], [1], [0, 0, 1, 1], [], []>, transpose_lhs_hint = false} : vector<1024x128xf32>, vector<128x128xf32>, vector<1024x128xf32> -> vector<1024x128xf32>
    %swap3A = arith.constant 0 : index
    %swap3A_6 = arith.constant 0 : index
    %swap3A_7 = vector.load %arg3[%swap3A, %swap3A_6] : memref<1024x128xf32, #tpu.memory_space<vmem>>, vector<1024x128xf32>
    tpu.vector_store %arg3[%swap3A, %swap3A_6], %dot_general3A_5 {strides = array<i32>} : memref<1024x128xf32, #tpu.memory_space<vmem>>, vector<1024x128xf32>,
    return
  }
  func.func @transform_0(%arg0: i32) -> (i32, i32) {
    %c0_i32 = arith.constant 0 : i32
    %c0_i32_0 = arith.constant 0 : i32
    return %arg0, %c0_i32 : i32, i32
  }
  func.func @transform_1(%arg0: i32) -> (i32, i32) {
    %c0_i32 = arith.constant 0 : i32
    %c0_i32_0 = arith.constant 0 : i32
    %c0_i32_1 = arith.constant 0 : i32
    return %c0_i32, %c0_i32_0 : i32, i32
  }
  func.func @transform_2(%arg0: i32) -> (i32, i32) {
    %c0_i32 = arith.constant 0 : i32
    %c0_i32_0 = arith.constant 0 : i32
    return %arg0, %c0_i32 : i32, i32
  }
}

</mosaic_0001>

<sc_bundles>
// kernel: kernel.5.cloned.1.call-start
scs
__scs_entry_jumppad:
0x0: {  	(pc) =	sbr.rel $0x88, $3  }
0x1: {  	(tag) =	ssettag $0x0;
	lr =	simm.s32 $0x1  }
0x2: {  	[smem:$0x3F9D] =	sst lr;
	_ =	strace $0xD0000000  }
0x3: {  	_ = 	snop  }
0x4: {  	_ = 	snop  }
0x5: {  	_ = 	snop  }
0x6: {  	_ = 	snop  }
0x7: {  	_ = 	snop  }
__scs_overlays_trampoline_lowered:
0x8: {  	[smem:$0x3FAC] =	sst s0  }
0x9: {  	[smem:$0x3FAD] =	sst s1  }
0xa: {  	[smem:$0x3FAE] =	sst s2  }
0xb: {  	[smem:$0x3FAF] =	sst s3  }
0xc: {  	[smem:$0x3FB0] =	sst s4  }
0xd: {  	[smem:$0x3FB1] =	sst s5  }
0xe: {  	[smem:$0x3FB2] =	sst s6  }
0xf: {  	[smem:$0x3FB3] =	sst s7  }
0x10: {  	[smem:$0x3FB4] =	sst s8  }
0x11: {  	[smem:$0x3FB5] =	sst s9;
	s0 =	simm.s32 @!p0 $0x0  }
0x12: {  	s1 =	sld [smem:$0x3F9B];
	s0 =	simm.s32 @p0 $0x1  }
0x13: {  	[smem:$0x3FB6] =	sst s0;
	s0 =	simm.s32 @!p1 $0x0  }
0x14: {  	s2 =	sld [smem:$0x3F9A];
	s0 =	simm.s32 @p1 $0x1  }
0x15: {  	[smem:$0x3FB7] =	sst s0;
	s0 =	simm.s32 @!p2 $0x0  }
0x16: {  	s3 =	sld [smem:$0x3FDB];
	s0 =	simm.s32 @p2 $0x1  }
0x17: {  	s4 =	simm.s32 $0x1BF5;
	[smem:$0x3FB9] =	sst s0  }
0x18: {  	s0 =	sld [smem:$0x3F9C];
	_ =	swait.ge [sflag:s4], $0x0  }
0x19: {  	s7 =	sld [smem:$0x3F9D]  }
0x1a: {  	s8 =	sadd.s32 $0xFFFFE003, lr  }
0x1b: {  	s9 =	sadd.s32 $0xFFFFFEF7, lr;
	s5 =	simm.s32 $0xFFFFFFFF;
	p2 =	slt.u32 s8, $0xFFFFF086  }
0x1c: {  	p1 =	slt.u32 s9, $0xF7A;
	s5 =	simm.s32 @!p2 $0x0  }
0x1d: {  	s5 =	simm.s32 @p1 $0x1;
	p0 =	seq.s32 s7, s2  }
0x1e: {  	s7 =	smul.u32 @!p0 $0xF7A, s2;
	p2 =	seq.s32 @!p0 s5, $0x0  }
0x1f: {  	s9 =	smul.u32 $0xF7A, s1;
	s8 =	simm.s32 @!p0 $0x1BF5;
	p2 =	por !p2, p0  }
0x20: {  	[sflag:s8] =	ssyncset.s32 @!p0 $0xFFFFF086;
	s6 =	sadd.s32 @!p0 s3, s7;
	s7 =	simm.s32 @!p0 $0x108  }
0x21: {  	s3 =	sadd.s32 s3, s9;
	s6 =	sadd.s32 @!p0 $0x88, s6;
	s7 =	simm.s32 @p2 $0x1082  }
0x22: {  	[simem:s7], [sflag:s8] =	dma.local @!p0 [hbm:s6], $0xF7A  }
0x23: {  	s9 =	sor.u32 $0xD0000000, s2;
	s6 =	simm.s32 $0x108;
	_ =	swait.ge @!p0 [sflag:s8], $0x0  }
0x24: {  	s3 =	sadd.s32 $0x88, s3;
	s6 =	simm.s32 @!p1 $0x1082;
	[sflag:s4] =	ssyncset.s32 $0xFFFFF086  }
0x25: {  	[simem:s6], [sflag:s4] =	dma.local [hbm:s3], $0xF7A  }
0x26: {  	[smem:$0x3F9D] =	sst s1;
	(tag) =	ssettag s2;
	_ =	strace s9  }
0x27: {  	s1 =	sld [smem:$0x3FAD]  }
0x28: {  	s2 =	sld [smem:$0x3FAE]  }
0x29: {  	s4 =	sld [smem:$0x3FB0]  }
0x2a: {  	p0 =	seq.s32 s5, $0x0;
	s5 =	sld [smem:$0x3FB1]  }
0x2b: {  	s6 =	sld [smem:$0x3FB2]  }
0x2c: {  	s7 =	sld [smem:$0x3FB3]  }
0x2d: {  	s3 =	simm.s32 $0x108;
	s8 =	sld [smem:$0x3FB4]  }
0x2e: {  	s3 =	simm.s32 @!p0 $0x1082;
	s9 =	sld [smem:$0x3FB5]  }
0x2f: {  	lr =	sadd.s32 s0, s3;
	s0 =	sld [smem:$0x3FAC]  }
0x30: {  	s3 =	sld [smem:$0x3FAF]  }
0x31: {  	[smem:$0x3FB8] =	sst s10  }
0x32: {  	s10 =	sld [smem:$0x3FB6];
	_ =	sdelay $0x3  }
0x33: {  	p0 =	seq.s32 s10, $0x1;
	s10 =	sld [smem:$0x3FB8];
	_ =	sdelay $0x3  }
0x34: {  	[smem:$0x3FB8] =	sst s10  }
0x35: {  	s10 =	sld [smem:$0x3FB7];
	_ =	sdelay $0x3  }
0x36: {  	p1 =	seq.s32 s10, $0x1;
	s10 =	sld [smem:$0x3FB8];
	_ =	sdelay $0x3  }
0x37: {  	[smem:$0x3FB8] =	sst s10  }
0x38: {  	s10 =	sld [smem:$0x3FB9]  }
0x39: {  	_ = 	snop;
	(pc) =	sbr.ind lr, $3  }
0x3a: {  	_ = 	snop  }
0x3b: {  	_ = 	snop  }
0x3c: {  	p2 =	seq.s32 s10, $0x1;
	s10 =	sld [smem:$0x3FB8]  }
0x3d: {  	_ =	shalt  }
0x3e: {  	_ =	shalt  }
0x3f: {  	_ =	shalt  }
0x40: {  	_ =	shalt  }
0x41: {  	_ =	shalt  }
0x42: {  	_ =	shalt  }
0x43: {  	_ =	shalt  }
0x44: {  	_ =	shalt  }
0x45: {  	_ =	shalt  }
0x46: {  	_ =	shalt  }
0x47: {  	_ =	shalt  }
0x48: {  	_ =	shalt  }
0x49: {  	_ =	shalt  }
0x4a: {  	_ =	shalt  }
0x4b: {  	_ =	shalt  }
0x4c: {  	_ =	shalt  }
0x4d: {  	_ =	shalt  }
0x4e: {  	_ =	shalt  }
0x4f: {  	_ =	shalt  }
0x50: {  	_ =	shalt  }
0x51: {  	_ =	shalt  }
0x52: {  	_ =	shalt  }
0x53: {  	_ =	shalt  }
0x54: {  	_ =	shalt  }
0x55: {  	_ =	shalt  }
0x56: {  	_ =	shalt  }
0x57: {  	_ =	shalt  }
0x58: {  	_ =	shalt  }
0x59: {  	_ =	shalt  }
0x5a: {  	_ =	shalt  }
0x5b: {  	_ =	shalt  }
0x5c: {  	_ =	shalt  }
0x5d: {  	_ =	shalt  }
0x5e: {  	_ =	shalt  }
0x5f: {  	_ =	shalt  }
0x60: {  	_ =	shalt  }
0x61: {  	_ =	shalt  }
0x62: {  	_ =	shalt  }
0x63: {  	_ =	shalt  }
0x64: {  	_ =	shalt  }
0x65: {  	_ =	shalt  }
0x66: {  	_ =	shalt  }
0x67: {  	_ =	shalt  }
0x68: {  	_ =	shalt  }
0x69: {  	_ =	shalt  }
0x6a: {  	_ =	shalt  }
0x6b: {  	_ =	shalt  }
0x6c: {  	_ =	shalt  }
0x6d: {  	_ =	shalt  }
0x6e: {  	_ =	shalt  }
0x6f: {  	_ =	shalt  }
0x70: {  	_ =	shalt  }
0x71: {  	_ =	shalt  }
0x72: {  	_ =	shalt  }
0x73: {  	_ =	shalt  }
0x74: {  	_ =	shalt  }
0x75: {  	_ =	shalt  }
0x76: {  	_ =	shalt  }
0x77: {  	_ =	shalt  }
0x78: {  	_ =	shalt  }
0x79: {  	_ =	shalt  }
0x7a: {  	_ =	shalt  }
0x7b: {  	_ =	shalt  }
0x7c: {  	_ =	shalt  }
0x7d: {  	_ =	shalt  }
0x7e: {  	_ =	shalt  }
0x7f: {  	_ =	shalt  }
0x80: {  	_ =	shalt  }
0x81: {  	_ =	shalt  }
0x82: {  	_ =	shalt  }
0x83: {  	_ =	shalt  }
0x84: {  	_ =	shalt  }
0x85: {  	_ =	shalt  }
0x86: {  	_ =	shalt  }
0x87: {  	_ =	shalt  }
.Lfunc_end0:
.L_simem_size_0:
called_computation_lowered:
.L_overlay_start_0:
0x88: {  	s2 =	sld [smem:$0x3FD9]  }
0x89: {  	s3 =	sld [smem:$0x3FFE];
	_ =	sdelay $0x1  }
0x8a: {  	s1 =	srdreg.scid  }
0x8b: {  	s0 =	sand.u32 $0x1, s1  }
0x8c: {  	s17 =	sshll.u32 s0, $0xA;
	s2 =	sadd.s32 s3, s2  }
0x8d: {  	s2 =	sadd.s32 s2, s17  }
0x8e: {  	[smem:$0x3FC4] =	sst s2  }
0x8f: {  	_ = 	snop  }
0x90: {  	s2 =	sld [smem:$0x3FD0];
	(tm) =	ssettm $0x1  }
0x91: {  	s18 =	sld [smem:$0x3FFB];
	_ =	sdelay $0x3  }
0x92: {  	_ =	strace s18  }
0x93: {  	s3 =	sld [smem:$0x3FFC];
	_ =	sdelay $0x3  }
0x94: {  	_ =	strace s3  }
0x95: {  	s3 =	sld [smem:$0x3FFD];
	_ =	sdelay $0x3  }
0x96: {  	_ =	strace s3  }
0x97: {  	_ =	strace $0x8FFFFFFF  }
0x98: {  	s19 =	sld [smem:$0x3FDB];
	_ =	sdelay $0x1  }
0x99: {  	s4 =	simm.s32 $_scs_section_size  }
0x9a: {  	s5 =	simm.s32 $_size__tile_overlayer_lowered;
	s6 =	simm.s32 $_tile_overlayer_lowered  }
0x9b: {  	s22 =	simm.s32 $0x1BFF;
	s21 =	sshll.u32 s6, $0x1;
	s3 =	sadd.s32 s4, s19  }
0x9c: {  	s7 =	simm.s32 $0x0;
	s20 =	sshll.u32 s5, $0x1;
	s5 =	sadd.s32 s21, s3  }
0x9d: {  	[timem:s7], [sflag:s22] =	dma.local [hbm:s5], s20  }
0x9e: {  	_ =	swait.ge [sflag:s22], s20  }
0x9f: {  	s4 =	ssub.s32 $0x0, s20;
	[sflag:s22] =	ssyncset.done $0x0  }
0xa0: {  	[sflag:s22] =	ssyncadd.s32 s4;
	_ =	sdelay $0x1  }
0xa1: {  	s23 =	simm.s32 $0x1B8B  }
0xa2: {  	_ =	swait.ge [sflag:s23], $0x1  }
0xa3: {  	[sflag:s23] =	ssyncset.done $0x0  }
0xa4: {  	s25 =	simm.s32 $0x1B8E;
	s24 =	sld [smem:$0x3FFE];
	[sflag:s23] =	ssyncadd.s32 $0xFFFFFFFF  }
0xa5: {  	s26 =	simm.s32 $execute0_lowered;
	[smem:$0x3FD2] =	sst s25  }
0xa6: {  	s5 =	sshll.u32 s26, $0x1;
	_ =	strace $0x80000046;
	[dreg:$0x1] =	wrdreg $0xFFFFFFFF  }
0xa7: {  	s28 =	simm.s32 $_size_execute0_lowered;
	s3 =	sadd.s32 s3, s5;
	[dreg:$0x0] =	wrdreg $0x0  }
0xa8: {  	s5 =	sshll.u32 s28, $0x1;
	[dreg:$0x2] =	wrdreg s3  }
0xa9: {  	[dreg:$0x3] =	wrdreg s5  }
0xaa: {  	[dreg:$0x4] =	wrdreg $0xC0  }
0xab: {  	_ =	task [dreg:s7], $0x5FFFF  }
0xac: {  	[dreg:$0x1] =	wrdreg $0xFFFFFFFF  }
0xad: {  	[dreg:$0x0] =	wrdreg $0x60  }
0xae: {  	[dreg:$0x2] =	wrdreg s24  }
0xaf: {  	[dreg:$0x3] =	wrdreg s2  }
0xb0: {  	[dreg:$0x4] =	wrdreg $0x0  }
0xb1: {  	[dreg:$0x5] =	wrdreg $0x140000  }
0xb2: {  	[dreg:$0x6] =	wrdreg $0x9  }
0xb3: {  	_ =	task.clear_ibuf [dreg:s7], $0x7FFFF;
	_ =	strace $0x90000046  }
0xb4: {  	s29 =	simm.s32 $0x9;
	_ =	strace $0x80000048  }
0xb5: {  	_ =	swait.ge [sflag:s29], $0x1  }
0xb6: {  	[sflag:s29] =	ssyncadd.s32 $0xFFFFFFFF  }
0xb7: {  	_ =	strace $0x90000048  }
0xb8: {  	_ =	sfence  }
0xb9: {  	s30 =	sld [smem:$0x0];
	_ =	sdelay $0x2  }
0xba: {  	s31 =	sshll.u32 s1, $0xD;
	s1 =	sshrl.u32 s1, $0x2  }
0xbb: {  	s3 =	sand.u32 $0x4000, s31;
	s1 =	sadd.s32 s1, s30  }
0xbc: {  	s0 =	sor.u32 s3, s0;
	s1 =	sshll.u32 s1, $0x11  }
0xbd: {  	s0 =	sor.u32 s1, s0  }
0xbe: {  	s0 =	sadd.s32 $0x8F2B, s0  }
0xbf: {  	[sflag:s0] =	ssyncadd.remote.s32 $0x1  }
0xc0: {  	_ =	sfence.sel $0xFFFF  }
0xc1: {  	[dreg:$0x0] =	wrdreg $0xFFFFFFFF;
	(pc) =	sbr.abs _section_cstart, $3  }
0xc2: {  	[dreg:$0x1] =	wrdreg $0xFFFFFFFF  }
0xc3: {  	_ =	task.clear_ibuf [dreg:s7], $0x2FFFF;
	_ =	strace $0x9FFFFFFF  }
0xc4: {  	(tm) =	ssettm $0x7FFFFFFF  }
0xc5: {  	_ =	shalt  }
tec
execute0_lowered:
.L_overlay_start_1:
0x0: {  	(tag) =	ssettag $0x1  }
0x1: {  	s2 =	rddreg [dreg:$0x0]  }
0x2: {  	s1 =	rddreg [dreg:$0x1]  }
0x3: {  	s0 =	srdreg.scid;
	s21 =	stileid.u32  }
0x4: {  	s3 =	rddreg [dreg:$0x2];
	s9 =	smul.u32 $0x14000, s21  }
0x5: {  	s4 =	rddreg [dreg:$0x3];
	s5 =	simm.s32 $0x0;
	s11 =	smul.u32 $0x2800, s21  }
0x6: {  	s10 =	sand.u32 $0x1, s0;
	[smem:$0x7FF] =	sst s5;
	s14 =	smul.u32 $0x280, s21  }
0x7: {  	s6 =	sadd.s32 $0x1200, s2;
	s25 =	sshll.u32 s21, $0x4;
	s0 =	smul.u32 $0x140000, s10  }
0x8: {  	s7 =	smul.u32 $0x28000, s10;
	_ =	strace $0x80000047;
	s8 =	ssub.s32 $0x2, s10  }
0x9: {  	s13 =	sshll.u32 s10, $0x4;
	s10 =	sshll.u32 s10, $0x8;
	s12 =	sshrl.u32 s8, $0x1  }
0xa: {  	s22 =	sadd.s32 s9, s3;
	s16 =	sadd.s32 $0xF0, s14;
	s0 =	sadd.s32 s9, s0  }
0xb: {  	s7 =	sadd.s32 s11, s7;
	s19 =	sshll.u32 s16, $0x7;
	s0 =	sshrl.u32 s0, $0x3  }
0xc: {  	[dreg:$0xa] =	wrdreg s22;
	s7 =	sshrl.u32 s7, $0x3;
	s0 =	sadd.s32 s0, s2  }
0xd: {  	s2 =	sadd.s32 s7, s2;
	s7 =	ssub.s32 s8, s12;
	s8 =	sor.u32 s21, s13  }
0xe: {  	s12 =	sor.u32 $0x50, s14;
	s13 =	sadd.s32 $0xA0, s14;
	s20 =	sor.u32 $0xC0, s8  }
0xf: {  	s21 =	smul.u32 $0xA000, s21;
	s23 =	sor.u32 $0xE0, s8;
	[dreg:$0x5] =	wrdreg s20  }
0x10: {  	s17 =	sshll.u32 s12, $0x7;
	s24 =	sadd.s32 $0xA84, s8;
	[dreg:$0x6] =	wrdreg s23  }
0x11: {  	s15 =	sshll.u32 s13, $0x7;
	s0 =	sadd.s32 $0x33200, s0;
	[dreg:$0x7] =	wrdreg s24  }
0x12: {  	s12 =	sshll.u32 s12, $0x4;
	s9 =	sadd.s32 s17, s3;
	[smem:$0x7F3] =	sst s0  }
0x13: {  	p0 =	sgt.u32 s8, $0x3;
	s18 =	sadd.s32 s15, s3;
	[dreg:$0xb] =	wrdreg s9  }
0x14: {  	s15 =	sadd.s32 $0x140, s14;
	s12 =	sadd.s32 s12, s4;
	[dreg:$0xc] =	wrdreg s18  }
0x15: {  	s9 =	sadd.s32 s19, s3;
	s17 =	sshll.u32 s15, $0x7;
	[dreg:$0x13] =	wrdreg s12  }
0x16: {  	s18 =	sadd.s32 $0xAA4, s8;
	s8 =	sshll.u32 s8, $0x4;
	[dreg:$0xd] =	wrdreg s9  }
0x17: {  	s17 =	sadd.s32 s17, s3;
	s9 =	sadd.s32 s25, s1;
	[dreg:$0x8] =	wrdreg s18  }
0x18: {  	s8 =	sadd.s32 s1, s8;
	[dreg:$0xe] =	wrdreg s17;
	s17 =	sadd.s32 $0x190, s14  }
0x19: {  	s10 =	sadd.s32 s10, s9;
	[smem:$0x7FC] =	sst s8;
	s26 =	sshll.u32 s17, $0x7  }
0x1a: {  	[dreg:$0x9] =	wrdreg s10;
	s10 =	sadd.s32 $0x1E0, s14;
	s14 =	sadd.s32 $0x230, s14  }
0x1b: {  	s19 =	sshll.u32 s10, $0x7;
	s20 =	sshll.u32 s14, $0x7;
	s18 =	sadd.s32 s26, s3  }
0x1c: {  	s26 =	sshll.u32 s13, $0x4;
	[dreg:$0xf] =	wrdreg s18;
	s23 =	sadd.s32 s19, s3  }
0x1d: {  	s13 =	sshll.u32 s16, $0x4;
	s24 =	sadd.s32 s20, s3;
	[dreg:$0x10] =	wrdreg s23  }
0x1e: {  	s16 =	sshll.u32 s15, $0x4;
	s12 =	sadd.s32 s26, s4;
	[dreg:$0x11] =	wrdreg s24  }
0x1f: {  	s10 =	sshll.u32 s10, $0x4;
	s18 =	sadd.s32 s16, s4;
	[dreg:$0x14] =	wrdreg s12  }
0x20: {  	s10 =	sadd.s32 s10, s4;
	[dreg:$0x16] =	wrdreg s18  }
0x21: {  	s25 =	sshrl.u32 s21, $0x2;
	s19 =	sadd.s32 s11, s4;
	[dreg:$0x18] =	wrdreg s10  }
0x22: {  	s21 =	sshll.u32 s14, $0x4;
	s12 =	sadd.s32 s13, s4;
	[dreg:$0x12] =	wrdreg s19  }
0x23: {  	s11 =	sadd.s32 s25, s4;
	s23 =	sadd.s32 s21, s4;
	[dreg:$0x15] =	wrdreg s12  }
0x24: {  	s24 =	sadd.s32 $0x100, s11;
	[dreg:$0x19] =	wrdreg s23  }
0x25: {  	s25 =	sadd.s32 $0x200, s11;
	[dreg:$0x1a] =	wrdreg s24  }
0x26: {  	s26 =	sadd.s32 $0x300, s11;
	[dreg:$0x1b] =	wrdreg s25  }
0x27: {  	s13 =	sadd.s32 $0x600, s11;
	[dreg:$0x1c] =	wrdreg s26  }
0x28: {  	s14 =	sadd.s32 $0x700, s11;
	[dreg:$0x1e] =	wrdreg s13  }
0x29: {  	s15 =	sadd.s32 $0x800, s11;
	[dreg:$0x1f] =	wrdreg s14  }
0x2a: {  	s16 =	sadd.s32 $0x900, s11;
	[smem:$0x7D7] =	sst s15  }
0x2b: {  	s20 =	sshll.u32 s17, $0x4;
	s17 =	sadd.s32 $0xB00, s11;
	[smem:$0x7D8] =	sst s16  }
0x2c: {  	s18 =	sadd.s32 $0xC00, s11;
	[smem:$0x7D9] =	sst s17  }
0x2d: {  	s21 =	sadd.s32 $0xE00, s11;
	[smem:$0x7DA] =	sst s18  }
0x2e: {  	s12 =	sadd.s32 s20, s4;
	[smem:$0x7DC] =	sst s21  }
0x2f: {  	s20 =	sadd.s32 $0xD00, s11;
	[dreg:$0x17] =	wrdreg s12  }
0x30: {  	s23 =	sadd.s32 $0x1000, s11;
	[smem:$0x7DB] =	sst s20  }
0x31: {  	s24 =	sadd.s32 $0x1100, s11;
	[smem:$0x7DD] =	sst s23  }
0x32: {  	s25 =	sadd.s32 $0x1200, s11;
	[smem:$0x7DE] =	sst s24  }
0x33: {  	s26 =	sadd.s32 $0x1300, s11;
	[smem:$0x7DF] =	sst s25  }
0x34: {  	s13 =	sadd.s32 $0x1600, s11;
	[smem:$0x7E0] =	sst s26  }
0x35: {  	s14 =	sadd.s32 $0x1700, s11;
	[smem:$0x7E2] =	sst s13  }
0x36: {  	s15 =	sadd.s32 $0x1800, s11;
	[smem:$0x7E3] =	sst s14  }
0x37: {  	s16 =	sadd.s32 $0x1A00, s11;
	[smem:$0x7E4] =	sst s15  }
0x38: {  	s17 =	sadd.s32 $0x1B00, s11;
	[smem:$0x7E5] =	sst s16  }
0x39: {  	s18 =	sadd.s32 $0x1C00, s11;
	[smem:$0x7E6] =	sst s17  }
0x3a: {  	s21 =	sadd.s32 $0x1F00, s11;
	[smem:$0x7E7] =	sst s18  }
0x3b: {  	s12 =	sadd.s32 $0x400, s11;
	[smem:$0x7E9] =	sst s21  }
0x3c: {  	s20 =	sadd.s32 $0x1D00, s11;
	[dreg:$0x1d] =	wrdreg s12  }
0x3d: {  	s23 =	sadd.s32 $0x2000, s11;
	[smem:$0x7E8] =	sst s20  }
0x3e: {  	s24 =	sadd.s32 $0x2100, s11;
	[smem:$0x7EA] =	sst s23  }
0x3f: {  	s25 =	sadd.s32 $0x2200, s11;
	[smem:$0x7EB] =	sst s24  }
0x40: {  	s26 =	sadd.s32 $0x2400, s11;
	[smem:$0x7EC] =	sst s25  }
0x41: {  	s13 =	sadd.s32 $0x2600, s11;
	[smem:$0x7ED] =	sst s26  }
0x42: {  	s28 =	simm.s32 $0x1E900;
	s14 =	sadd.s32 $0x2700, s11;
	[smem:$0x7EF] =	sst s13  }
0x43: {  	s29 =	simm.s32 $0x1EB00;
	s15 =	sadd.s32 $0x9C00, s9;
	[smem:$0x7F0] =	sst s14  }
0x44: {  	s30 =	simm.s32 $0x1E980;
	s9 =	sadd.s32 $0x13840, s9;
	[smem:$0x7F1] =	sst s15  }
0x45: {  	s31 =	simm.s32 $0x1EB80;
	s16 =	sadd.s32 $0x29200, s2;
	[smem:$0x7F2] =	sst s9  }
0x46: {  	s0 =	simm.s32 $0x5;
	s17 =	smax.u32 s7, $0x1;
	[smem:$0x7F4] =	sst s16  }
0x47: {  	s10 =	simm.s32 $0x1A800;
	s18 =	sadd.s32 $0x9C40, s8;
	[smem:$0x7F5] =	sst s17  }
0x48: {  	s21 =	sadd.s32 $0x9E40, s8;
	s7 =	simm.s32 $0x0;
	[smem:$0x7F6] =	sst s18  }
0x49: {  	s12 =	sadd.s32 $0x1500, s11;
	s20 =	sadd.s32 $0x200, s8;
	[smem:$0x7F8] =	sst s21  }
0x4a: {  	s23 =	sadd.s32 $0x400, s8;
	s24 =	sadd.s32 $0xA040, s8;
	s25 =	sadd.s32 $0x600, s8  }
0x4b: {  	s26 =	sadd.s32 $0xA240, s8;
	s21 =	simm.s32 $0xA;
	[smem:$0x7E1] =	sst s12  }
0x4c: {  	s8 =	simm.s32 $0x80;
	s9 =	simm.s32 $0x6;
	[smem:$0x7F7] =	sst s20  }
0x4d: {  	s13 =	simm.s32 $0x3;
	s14 =	simm.s32 $0x7;
	[smem:$0x7F9] =	sst s23  }
0x4e: {  	s16 =	simm.s32 $0x2;
	s17 =	simm.s32 $0x4;
	[smem:$0x7FA] =	sst s24  }
0x4f: {  	s18 =	simm.s32 $0x8;
	s12 =	sadd.s32 $0x2500, s11;
	[smem:$0x7FB] =	sst s25  }
0x50: {  	[smem:$0x7FD] =	sst s26;
	s20 =	simm.s32 $0x16800;
	s23 =	simm.s32 $0x1E800  }
0x51: {  	v0 =	vimm.f32 $0.0e+00;
	vm0 =	vcmask $0x300;
	s24 =	simm.s32 $0x1EA00;
	s25 =	simm.s32 $0x1E880;
	s26 =	simm.s32 $0x1EA80  }
0x52: {  	v1 =	vsel vm0, $0x3F800000, v0;
	s11 =	simm.s32 $0x1;
	[smem:$0x7EE] =	sst s12;
	s12 =	simm.s32 $0x1EC00  }
.LBB2_1:
0x53: {  	s2 =	simm.s32 $0x16840  }
0x54: {  	[tilespmem:s2+$0xFFFFFFD0] =	vst v0  }
0x55: {  	[tilespmem:s2+$0xFFFFFFE0] =	vst v0  }
0x56: {  	[tilespmem:s2+$0xFFFFFFF0] =	vst v0  }
0x57: {  	[tilespmem:s2+$0x0] =	vst v0  }
0x58: {  	[tilespmem:s2+$0x10] =	vst v0  }
0x59: {  	[tilespmem:s2+$0x20] =	vst v0  }
0x5a: {  	[tilespmem:s2+$0x30] =	vst v0  }
0x5b: {  	[smem:$0x7D6] =	sst s7;
	s15 =	simm.s32 $0x0;
	s7 =	simm.s32 $0x40;
	[tilespmem:s2+$0xFFFFFFC0] =	vst v0  }
.LBB2_2:
0x5c: {  	p1 =	sne.s32 s7, $0x13C0;
	[tilespmem:s15+$0x1EC00] =	vst v1;
	s2 =	sadd.s32 $0x80, s2  }
0x5d: {  	[tilespmem:s2+$0xFFFFFFD0] =	vst v0  }
0x5e: {  	[tilespmem:s2+$0xFFFFFFE0] =	vst v0  }
0x5f: {  	[tilespmem:s2+$0xFFFFFFF0] =	vst v0  }
.Ltmp0:
0x60: {  	[tilespmem:s2+$0x0] =	vst v0;
	(pc) =	sbr.rel @p1 .LBB2_2-.Ltmp0, $4  }
0x61: {  	[tilespmem:s2+$0x10] =	vst v0  }
0x62: {  	[tilespmem:s2+$0x20] =	vst v0  }
0x63: {  	[tilespmem:s2+$0x30] =	vst v0  }
0x64: {  	s15 =	sshra.s32 s7, $0x2;
	s7 =	sadd.s32 $0x40, s7;
	[tilespmem:s2+$0xFFFFFFC0] =	vst v0  }
0x65: {  	[tilespmem:s15+$0x1EC00] =	vst v1  }
0x66: {  	[tilespmem:$0x1F400] =	vst v0  }
0x67: {  	[tilespmem:$0x1F410] =	vst v0  }
0x68: {  	[tilespmem:$0x1F420] =	vst v0  }
0x69: {  	[tilespmem:$0x1F430] =	vst v0  }
0x6a: {  	[tilespmem:$0x1F440] =	vst v0  }
0x6b: {  	[tilespmem:$0x1F450] =	vst v0  }
0x6c: {  	[tilespmem:$0x1F460] =	vst v0  }
0x6d: {  	[tilespmem:$0x1F470] =	vst v0  }
0x6e: {  	[tilespmem:$0x1F480] =	vst v0  }
0x6f: {  	[tilespmem:$0x1F490] =	vst v0  }
0x70: {  	[tilespmem:$0x1F4A0] =	vst v0  }
0x71: {  	[tilespmem:$0x1F4B0] =	vst v0  }
0x72: {  	[tilespmem:$0x1F4C0] =	vst v0  }
0x73: {  	[tilespmem:$0x1F4D0] =	vst v0  }
0x74: {  	[tilespmem:$0x1F4E0] =	vst v0  }
0x75: {  	[tilespmem:$0x1F4F0] =	vst v0  }
0x76: {  	[tilespmem:$0x1F100] =	vst v1  }
0x77: {  	[tilespmem:$0x1F110] =	vst v1  }
0x78: {  	[tilespmem:$0x1F120] =	vst v1  }
0x79: {  	[tilespmem:$0x1F130] =	vst v1  }
0x7a: {  	[tilespmem:$0x1F140] =	vst v1  }
0x7b: {  	[tilespmem:$0x1F150] =	vst v1  }
0x7c: {  	[tilespmem:$0x1F160] =	vst v1  }
0x7d: {  	[tilespmem:$0x1F170] =	vst v1  }
0x7e: {  	[tilespmem:$0x1F180] =	vst v1  }
0x7f: {  	[tilespmem:$0x1F190] =	vst v1  }
0x80: {  	[tilespmem:$0x1F1A0] =	vst v1  }
0x81: {  	[tilespmem:$0x1F1B0] =	vst v1  }
0x82: {  	[tilespmem:$0x1F1C0] =	vst v1  }
0x83: {  	[tilespmem:$0x1F1D0] =	vst v1  }
0x84: {  	[tilespmem:$0x1F1E0] =	vst v1  }
0x85: {  	[tilespmem:$0x1F1F0] =	vst v1  }
0x86: {  	[tilespmem:$0x1F200] =	vst v1  }
0x87: {  	[tilespmem:$0x1F210] =	vst v1  }
0x88: {  	[tilespmem:$0x1F220] =	vst v1  }
0x89: {  	[tilespmem:$0x1F230] =	vst v1  }
0x8a: {  	[tilespmem:$0x1F240] =	vst v1  }
0x8b: {  	[tilespmem:$0x1F250] =	vst v1  }
0x8c: {  	[tilespmem:$0x1F260] =	vst v1  }
0x8d: {  	[tilespmem:$0x1F270] =	vst v1  }
0x8e: {  	[tilespmem:$0x1F280] =	vst v1  }
0x8f: {  	[tilespmem:$0x1F290] =	vst v1  }
0x90: {  	[tilespmem:$0x1F2A0] =	vst v1  }
0x91: {  	[tilespmem:$0x1F2B0] =	vst v1  }
0x92: {  	[tilespmem:$0x1F2C0] =	vst v1  }
0x93: {  	[tilespmem:$0x1F2D0] =	vst v1  }
0x94: {  	[tilespmem:$0x1F2E0] =	vst v1  }
0x95: {  	[tilespmem:$0x1F2F0] =	vst v1  }
0x96: {  	[tilespmem:$0x1F300] =	vst v1  }
0x97: {  	[tilespmem:$0x1F310] =	vst v1  }
0x98: {  	[tilespmem:$0x1F320] =	vst v1  }
0x99: {  	[tilespmem:$0x1F330] =	vst v1  }
0x9a: {  	[tilespmem:$0x1F340] =	vst v1  }
0x9b: {  	[tilespmem:$0x1F350] =	vst v1  }
0x9c: {  	[tilespmem:$0x1F360] =	vst v1  }
0x9d: {  	[tilespmem:$0x1F370] =	vst v1  }
0x9e: {  	[tilespmem:$0x1F380] =	vst v1  }
0x9f: {  	[tilespmem:$0x1F390] =	vst v1  }
0xa0: {  	[tilespmem:$0x1F3A0] =	vst v1  }
0xa1: {  	[tilespmem:$0x1F3B0] =	vst v1  }
0xa2: {  	[tilespmem:$0x1F3C0] =	vst v1  }
0xa3: {  	[tilespmem:$0x1F3D0] =	vst v1  }
0xa4: {  	[tilespmem:$0x1F3E0] =	vst v1  }
0xa5: {  	[tilespmem:$0x1F3F0] =	vst v1  }
0xa6: {  	[spmem:s22] =	stream.linear.scatter [tilespmem:s20], [sflag:$0xA], $0x2800, $0x38;
	[tilespmem:$0x1F500] =	vst v63  }
0xa7: {  	_ =	swait.ge [sflag:s21], $0x2800  }
0xa8: {  	[sflag:s21] =	ssyncset.done $0x0  }
0xa9: {  	s2 =	rddreg [dreg:$0xb];
	[sflag:s21] =	ssyncadd.s32 $0xFFFFD800  }
0xaa: {  	[spmem:s2] =	stream.linear.scatter [tilespmem:s20], [sflag:$0xA], $0x2800, $0x38;
	[tilespmem:$0x1F500] =	vst v63  }
0xab: {  	_ =	swait.ge [sflag:s21], $0x2800  }
0xac: {  	[sflag:s21] =	ssyncset.done $0x0  }
0xad: {  	s22 =	rddreg [dreg:$0xc];
	[sflag:s21] =	ssyncadd.s32 $0xFFFFD800  }
0xae: {  	[spmem:s22] =	stream.linear.scatter [tilespmem:s20], [sflag:$0xA], $0x2800, $0x38;
	[tilespmem:$0x1F500] =	vst v63  }
0xaf: {  	_ =	swait.ge [sflag:s21], $0x2800  }
0xb0: {  	[sflag:s21] =	ssyncset.done $0x0  }
0xb1: {  	s7 =	rddreg [dreg:$0xd];
	[sflag:s21] =	ssyncadd.s32 $0xFFFFD800  }
0xb2: {  	[spmem:s7] =	stream.linear.scatter [tilespmem:s20], [sflag:$0xA], $0x2800, $0x38;
	[tilespmem:$0x1F500] =	vst v63  }
0xb3: {  	_ =	swait.ge [sflag:s21], $0x2800  }
0xb4: {  	[sflag:s21] =	ssyncset.done $0x0  }
0xb5: {  	s15 =	rddreg [dreg:$0xe];
	[sflag:s21] =	ssyncadd.s32 $0xFFFFD800  }
0xb6: {  	[spmem:s15] =	stream.linear.scatter [tilespmem:s20], [sflag:$0xA], $0x2800, $0x38;
	[tilespmem:$0x1F500] =	vst v63  }
0xb7: {  	_ =	swait.ge [sflag:s21], $0x2800  }
0xb8: {  	[sflag:s21] =	ssyncset.done $0x0  }
0xb9: {  	s22 =	rddreg [dreg:$0xf];
	[sflag:s21] =	ssyncadd.s32 $0xFFFFD800  }
0xba: {  	[spmem:s22] =	stream.linear.scatter [tilespmem:s20], [sflag:$0xA], $0x2800, $0x38;
	[tilespmem:$0x1F500] =	vst v63  }
0xbb: {  	_ =	swait.ge [sflag:s21], $0x2800  }
0xbc: {  	[sflag:s21] =	ssyncset.done $0x0  }
0xbd: {  	s7 =	rddreg [dreg:$0x10];
	[sflag:s21] =	ssyncadd.s32 $0xFFFFD800  }
0xbe: {  	[spmem:s7] =	stream.linear.scatter [tilespmem:s20], [sflag:$0xA], $0x2800, $0x38;
	[tilespmem:$0x1F500] =	vst v63  }
0xbf: {  	_ =	swait.ge [sflag:s21], $0x2800  }
0xc0: {  	[sflag:s21] =	ssyncset.done $0x0  }
0xc1: {  	s15 =	rddreg [dreg:$0x11];
	[sflag:s21] =	ssyncadd.s32 $0xFFFFD800  }
0xc2: {  	[spmem:s15] =	stream.linear.scatter [tilespmem:s20], [sflag:$0xA], $0x2800, $0x38;
	[tilespmem:$0x1F500] =	vst v63  }
0xc3: {  	_ =	swait.ge [sflag:s21], $0x2800  }
0xc4: {  	[sflag:s21] =	ssyncset.done $0x0  }
0xc5: {  	s7 =	simm.s32 $0x1F400;
	[sflag:s21] =	ssyncadd.s32 $0xFFFFD800  }
0xc6: {  	[spmem:s19] =	stream.linear.scatter [tilespmem:s7], [sflag:$0xA], $0x100, $0x38;
	[tilespmem:$0x1F500] =	vst v63  }
0xc7: {  	_ =	swait.ge [sflag:s21], $0x100  }
0xc8: {  	[sflag:s21] =	ssyncset.done $0x0  }
0xc9: {  	s22 =	rddreg [dreg:$0x1a];
	[sflag:s21] =	ssyncadd.s32 $0xFFFFFF00  }
0xca: {  	[spmem:s22] =	stream.linear.scatter [tilespmem:s7], [sflag:$0xA], $0x100, $0x38;
	[tilespmem:$0x1F500] =	vst v63  }
0xcb: {  	_ =	swait.ge [sflag:s21], $0x100  }
0xcc: {  	[sflag:s21] =	ssyncset.done $0x0  }
0xcd: {  	s15 =	rddreg [dreg:$0x1b];
	[sflag:s21] =	ssyncadd.s32 $0xFFFFFF00  }
0xce: {  	[spmem:s15] =	stream.linear.scatter [tilespmem:s7], [sflag:$0xA], $0x100, $0x38;
	[tilespmem:$0x1F500] =	vst v63  }
0xcf: {  	_ =	swait.ge [sflag:s21], $0x100  }
0xd0: {  	[sflag:s21] =	ssyncset.done $0x0  }
0xd1: {  	s19 =	rddreg [dreg:$0x1c];
	[sflag:s21] =	ssyncadd.s32 $0xFFFFFF00  }
0xd2: {  	[spmem:s19] =	stream.linear.scatter [tilespmem:s7], [sflag:$0xA], $0x100, $0x38;
	[tilespmem:$0x1F500] =	vst v63  }
0xd3: {  	_ =	swait.ge [sflag:s21], $0x100  }
0xd4: {  	[sflag:s21] =	ssyncset.done $0x0  }
0xd5: {  	s22 =	rddreg [dreg:$0x1d];
	[sflag:s21] =	ssyncadd.s32 $0xFFFFFF00  }
0xd6: {  	[spmem:s22] =	stream.linear.scatter [tilespmem:s7], [sflag:$0xA], $0x100, $0x38;
	[tilespmem:$0x1F500] =	vst v63  }
0xd7: {  	_ =	swait.ge [sflag:s21], $0x100  }
0xd8: {  	[sflag:s21] =	ssyncset.done $0x0  }
0xd9: {  	s15 =	rddreg [dreg:$0x13];
	[sflag:s21] =	ssyncadd.s32 $0xFFFFFF00  }
0xda: {  	[spmem:s15] =	stream.linear.scatter [tilespmem:s7], [sflag:$0xA], $0x100, $0x38;
	[tilespmem:$0x1F500] =	vst v63  }
0xdb: {  	_ =	swait.ge [sflag:s21], $0x100  }
0xdc: {  	[sflag:s21] =	ssyncset.done $0x0  }
0xdd: {  	s19 =	rddreg [dreg:$0x1e];
	[sflag:s21] =	ssyncadd.s32 $0xFFFFFF00  }
0xde: {  	[spmem:s19] =	stream.linear.scatter [tilespmem:s7], [sflag:$0xA], $0x100, $0x38;
	[tilespmem:$0x1F500] =	vst v63  }
0xdf: {  	_ =	swait.ge [sflag:s21], $0x100  }
0xe0: {  	[sflag:s21] =	ssyncset.done $0x0  }
0xe1: {  	s22 =	rddreg [dreg:$0x1f];
	[sflag:s21] =	ssyncadd.s32 $0xFFFFFF00  }
0xe2: {  	[spmem:s22] =	stream.linear.scatter [tilespmem:s7], [sflag:$0xA], $0x100, $0x38;
	[tilespmem:$0x1F500] =	vst v63  }
0xe3: {  	_ =	swait.ge [sflag:s21], $0x100  }
0xe4: {  	s15 =	sld [smem:$0x7D7]  }
0xe5: {  	[sflag:s21] =	ssyncset.done $0x0  }
0xe6: {  	[sflag:s21] =	ssyncadd.s32 $0xFFFFFF00  }
0xe7: {  	[spmem:s15] =	stream.linear.scatter [tilespmem:s7], [sflag:$0xA], $0x100, $0x38;
	[tilespmem:$0x1F500] =	vst v63  }
0xe8: {  	_ =	swait.ge [sflag:s21], $0x100  }
0xe9: {  	s19 =	sld [smem:$0x7D8]  }
0xea: {  	[sflag:s21] =	ssyncset.done $0x0  }
0xeb: {  	[sflag:s21] =	ssyncadd.s32 $0xFFFFFF00  }
0xec: {  	[spmem:s19] =	stream.linear.scatter [tilespmem:s7], [sflag:$0xA], $0x100, $0x38;
	[tilespmem:$0x1F500] =	vst v63  }
0xed: {  	_ =	swait.ge [sflag:s21], $0x100  }
0xee: {  	[sflag:s21] =	ssyncset.done $0x0  }
0xef: {  	s22 =	rddreg [dreg:$0x14];
	[sflag:s21] =	ssyncadd.s32 $0xFFFFFF00  }
0xf0: {  	[spmem:s22] =	stream.linear.scatter [tilespmem:s7], [sflag:$0xA], $0x100, $0x38;
	[tilespmem:$0x1F500] =	vst v63  }
0xf1: {  	_ =	swait.ge [sflag:s21], $0x100  }
0xf2: {  	s15 =	sld [smem:$0x7D9]  }
0xf3: {  	[sflag:s21] =	ssyncset.done $0x0  }
0xf4: {  	[sflag:s21] =	ssyncadd.s32 $0xFFFFFF00  }
0xf5: {  	[spmem:s15] =	stream.linear.scatter [tilespmem:s7], [sflag:$0xA], $0x100, $0x38;
	[tilespmem:$0x1F500] =	vst v63  }
0xf6: {  	_ =	swait.ge [sflag:s21], $0x100  }
0xf7: {  	s19 =	sld [smem:$0x7DA]  }
0xf8: {  	[sflag:s21] =	ssyncset.done $0x0  }
0xf9: {  	[sflag:s21] =	ssyncadd.s32 $0xFFFFFF00  }
0xfa: {  	[spmem:s19] =	stream.linear.scatter [tilespmem:s7], [sflag:$0xA], $0x100, $0x38;
	[tilespmem:$0x1F500] =	vst v63  }
0xfb: {  	_ =	swait.ge [sflag:s21], $0x100  }
0xfc: {  	s22 =	sld [smem:$0x7DB]  }
0xfd: {  	[sflag:s21] =	ssyncset.done $0x0  }
0xfe: {  	[sflag:s21] =	ssyncadd.s32 $0xFFFFFF00  }
0xff: {  	[spmem:s22] =	stream.linear.scatter [tilespmem:s7], [sflag:$0xA], $0x100, $0x38;
	[tilespmem:$0x1F500] =	vst v63  }
0x100: {  	_ =	swait.ge [sflag:s21], $0x100  }
0x101: {  	s15 =	sld [smem:$0x7DC]  }
0x102: {  	[sflag:s21] =	ssyncset.done $0x0  }
0x103: {  	[sflag:s21] =	ssyncadd.s32 $0xFFFFFF00  }
0x104: {  	[spmem:s15] =	stream.linear.scatter [tilespmem:s7], [sflag:$0xA], $0x100, $0x38;
	[tilespmem:$0x1F500] =	vst v63  }
0x105: {  	_ =	swait.ge [sflag:s21], $0x100  }
0x106: {  	[sflag:s21] =	ssyncset.done $0x0  }
0x107: {  	s19 =	rddreg [dreg:$0x15];
	[sflag:s21] =	ssyncadd.s32 $0xFFFFFF00  }
0x108: {  	[spmem:s19] =	stream.linear.scatter [tilespmem:s7], [sflag:$0xA], $0x100, $0x38;
	[tilespmem:$0x1F500] =	vst v63  }
0x109: {  	_ =	swait.ge [sflag:s21], $0x100  }
0x10a: {  	s22 =	sld [smem:$0x7DD]  }
0x10b: {  	[sflag:s21] =	ssyncset.done $0x0  }
0x10c: {  	[sflag:s21] =	ssyncadd.s32 $0xFFFFFF00  }
0x10d: {  	[spmem:s22] =	stream.linear.scatter [tilespmem:s7], [sflag:$0xA], $0x100, $0x38;
	[tilespmem:$0x1F500] =	vst v63  }
0x10e: {  	_ =	swait.ge [sflag:s21], $0x100  }
0x10f: {  	s15 =	sld [smem:$0x7DE]  }
0x110: {  	[sflag:s21] =	ssyncset.done $0x0  }
0x111: {  	[sflag:s21] =	ssyncadd.s32 $0xFFFFFF00  }
0x112: {  	[spmem:s15] =	stream.linear.scatter [tilespmem:s7], [sflag:$0xA], $0x100, $0x38;
	[tilespmem:$0x1F500] =	vst v63  }
0x113: {  	_ =	swait.ge [sflag:s21], $0x100  }
0x114: {  	s19 =	sld [smem:$0x7DF]  }
0x115: {  	[sflag:s21] =	ssyncset.done $0x0  }
0x116: {  	[sflag:s21] =	ssyncadd.s32 $0xFFFFFF00  }
0x117: {  	[spmem:s19] =	stream.linear.scatter [tilespmem:s7], [sflag:$0xA], $0x100, $0x38;
	[tilespmem:$0x1F500] =	vst v63  }
0x118: {  	_ =	swait.ge [sflag:s21], $0x100  }
0x119: {  	s22 =	sld [smem:$0x7E0]  }
0x11a: {  	[sflag:s21] =	ssyncset.done $0x0  }
0x11b: {  	[sflag:s21] =	ssyncadd.s32 $0xFFFFFF00  }
0x11c: {  	[spmem:s22] =	stream.linear.scatter [tilespmem:s7], [sflag:$0xA], $0x100, $0x38;
	[tilespmem:$0x1F500] =	vst v63  }
0x11d: {  	_ =	swait.ge [sflag:s21], $0x100  }
0x11e: {  	[sflag:s21] =	ssyncset.done $0x0  }
0x11f: {  	s15 =	rddreg [dreg:$0x16];
	[sflag:s21] =	ssyncadd.s32 $0xFFFFFF00  }
0x120: {  	[spmem:s15] =	stream.linear.scatter [tilespmem:s7], [sflag:$0xA], $0x100, $0x38;
	[tilespmem:$0x1F500] =	vst v63  }
0x121: {  	_ =	swait.ge [sflag:s21], $0x100  }
0x122: {  	s19 =	sld [smem:$0x7E1]  }
0x123: {  	[sflag:s21] =	ssyncset.done $0x0  }
0x124: {  	[sflag:s21] =	ssyncadd.s32 $0xFFFFFF00  }
0x125: {  	[spmem:s19] =	stream.linear.scatter [tilespmem:s7], [sflag:$0xA], $0x100, $0x38;
	[tilespmem:$0x1F500] =	vst v63  }
0x126: {  	_ =	swait.ge [sflag:s21], $0x100  }
0x127: {  	s22 =	sld [smem:$0x7E2]  }
0x128: {  	[sflag:s21] =	ssyncset.done $0x0  }
0x129: {  	[sflag:s21] =	ssyncadd.s32 $0xFFFFFF00  }
0x12a: {  	[spmem:s22] =	stream.linear.scatter [tilespmem:s7], [sflag:$0xA], $0x100, $0x38;
	[tilespmem:$0x1F500] =	vst v63  }
0x12b: {  	_ =	swait.ge [sflag:s21], $0x100  }
0x12c: {  	s15 =	sld [smem:$0x7E3]  }
0x12d: {  	[sflag:s21] =	ssyncset.done $0x0  }
0x12e: {  	[sflag:s21] =	ssyncadd.s32 $0xFFFFFF00  }
0x12f: {  	[spmem:s15] =	stream.linear.scatter [tilespmem:s7], [sflag:$0xA], $0x100, $0x38;
	[tilespmem:$0x1F500] =	vst v63  }
0x130: {  	_ =	swait.ge [sflag:s21], $0x100  }
0x131: {  	s19 =	sld [smem:$0x7E4]  }
0x132: {  	[sflag:s21] =	ssyncset.done $0x0  }
0x133: {  	[sflag:s21] =	ssyncadd.s32 $0xFFFFFF00  }
0x134: {  	[spmem:s19] =	stream.linear.scatter [tilespmem:s7], [sflag:$0xA], $0x100, $0x38;
	[tilespmem:$0x1F500] =	vst v63  }
0x135: {  	_ =	swait.ge [sflag:s21], $0x100  }
0x136: {  	[sflag:s21] =	ssyncset.done $0x0  }
0x137: {  	s22 =	rddreg [dreg:$0x17];
	[sflag:s21] =	ssyncadd.s32 $0xFFFFFF00  }
0x138: {  	[spmem:s22] =	stream.linear.scatter [tilespmem:s7], [sflag:$0xA], $0x100, $0x38;
	[tilespmem:$0x1F500] =	vst v63  }
0x139: {  	_ =	swait.ge [sflag:s21], $0x100  }
0x13a: {  	s15 =	sld [smem:$0x7E5]  }
0x13b: {  	[sflag:s21] =	ssyncset.done $0x0  }
0x13c: {  	[sflag:s21] =	ssyncadd.s32 $0xFFFFFF00  }
0x13d: {  	[spmem:s15] =	stream.linear.scatter [tilespmem:s7], [sflag:$0xA], $0x100, $0x38;
	[tilespmem:$0x1F500] =	vst v63  }
0x13e: {  	_ =	swait.ge [sflag:s21], $0x100  }
0x13f: {  	s19 =	sld [smem:$0x7E6]  }
0x140: {  	[sflag:s21] =	ssyncset.done $0x0  }
0x141: {  	[sflag:s21] =	ssyncadd.s32 $0xFFFFFF00  }
0x142: {  	[spmem:s19] =	stream.linear.scatter [tilespmem:s7], [sflag:$0xA], $0x100, $0x38;
	[tilespmem:$0x1F500] =	vst v63  }
0x143: {  	_ =	swait.ge [sflag:s21], $0x100  }
0x144: {  	s22 =	sld [smem:$0x7E7]  }
0x145: {  	[sflag:s21] =	ssyncset.done $0x0  }
0x146: {  	[sflag:s21] =	ssyncadd.s32 $0xFFFFFF00  }
0x147: {  	[spmem:s22] =	stream.linear.scatter [tilespmem:s7], [sflag:$0xA], $0x100, $0x38;
	[tilespmem:$0x1F500] =	vst v63  }
0x148: {  	_ =	swait.ge [sflag:s21], $0x100  }
0x149: {  	s15 =	sld [smem:$0x7E8]  }
0x14a: {  	[sflag:s21] =	ssyncset.done $0x0  }
0x14b: {  	[sflag:s21] =	ssyncadd.s32 $0xFFFFFF00  }
0x14c: {  	[spmem:s15] =	stream.linear.scatter [tilespmem:s7], [sflag:$0xA], $0x100, $0x38;
	[tilespmem:$0x1F500] =	vst v63  }
0x14d: {  	_ =	swait.ge [sflag:s21], $0x100  }
0x14e: {  	[sflag:s21] =	ssyncset.done $0x0  }
0x14f: {  	s19 =	rddreg [dreg:$0x18];
	[sflag:s21] =	ssyncadd.s32 $0xFFFFFF00  }
0x150: {  	[spmem:s19] =	stream.linear.scatter [tilespmem:s7], [sflag:$0xA], $0x100, $0x38;
	[tilespmem:$0x1F500] =	vst v63  }
0x151: {  	_ =	swait.ge [sflag:s21], $0x100  }
0x152: {  	s22 =	sld [smem:$0x7E9]  }
0x153: {  	[sflag:s21] =	ssyncset.done $0x0  }
0x154: {  	[sflag:s21] =	ssyncadd.s32 $0xFFFFFF00  }
0x155: {  	[spmem:s22] =	stream.linear.scatter [tilespmem:s7], [sflag:$0xA], $0x100, $0x38;
	[tilespmem:$0x1F500] =	vst v63  }
0x156: {  	_ =	swait.ge [sflag:s21], $0x100  }
0x157: {  	s15 =	sld [smem:$0x7EA]  }
0x158: {  	[sflag:s21] =	ssyncset.done $0x0  }
0x159: {  	[sflag:s21] =	ssyncadd.s32 $0xFFFFFF00  }
0x15a: {  	[spmem:s15] =	stream.linear.scatter [tilespmem:s7], [sflag:$0xA], $0x100, $0x38;
	[tilespmem:$0x1F500] =	vst v63  }
0x15b: {  	_ =	swait.ge [sflag:s21], $0x100  }
0x15c: {  	s19 =	sld [smem:$0x7EB]  }
0x15d: {  	[sflag:s21] =	ssyncset.done $0x0  }
0x15e: {  	[sflag:s21] =	ssyncadd.s32 $0xFFFFFF00  }
0x15f: {  	[spmem:s19] =	stream.linear.scatter [tilespmem:s7], [sflag:$0xA], $0x100, $0x38;
	[tilespmem:$0x1F500] =	vst v63  }
0x160: {  	_ =	swait.ge [sflag:s21], $0x100  }
0x161: {  	s22 =	sld [smem:$0x7EC]  }
0x162: {  	[sflag:s21] =	ssyncset.done $0x0  }
0x163: {  	[sflag:s21] =	ssyncadd.s32 $0xFFFFFF00  }
0x164: {  	[spmem:s22] =	stream.linear.scatter [tilespmem:s7], [sflag:$0xA], $0x100, $0x38;
	[tilespmem:$0x1F500] =	vst v63  }
0x165: {  	_ =	swait.ge [sflag:s21], $0x100  }
0x166: {  	[sflag:s21] =	ssyncset.done $0x0  }
0x167: {  	s15 =	rddreg [dreg:$0x19];
	[sflag:s21] =	ssyncadd.s32 $0xFFFFFF00  }
0x168: {  	[spmem:s15] =	stream.linear.scatter [tilespmem:s7], [sflag:$0xA], $0x100, $0x38;
	[tilespmem:$0x1F500] =	vst v63  }
0x169: {  	_ =	swait.ge [sflag:s21], $0x100  }
0x16a: {  	s19 =	sld [smem:$0x7ED]  }
0x16b: {  	[sflag:s21] =	ssyncset.done $0x0  }
0x16c: {  	[sflag:s21] =	ssyncadd.s32 $0xFFFFFF00  }
0x16d: {  	[spmem:s19] =	stream.linear.scatter [tilespmem:s7], [sflag:$0xA], $0x100, $0x38;
	[tilespmem:$0x1F500] =	vst v63  }
0x16e: {  	_ =	swait.ge [sflag:s21], $0x100  }
0x16f: {  	s22 =	sld [smem:$0x7EE]  }
0x170: {  	[sflag:s21] =	ssyncset.done $0x0  }
0x171: {  	[sflag:s21] =	ssyncadd.s32 $0xFFFFFF00  }
0x172: {  	[spmem:s22] =	stream.linear.scatter [tilespmem:s7], [sflag:$0xA], $0x100, $0x38;
	[tilespmem:$0x1F500] =	vst v63  }
0x173: {  	_ =	swait.ge [sflag:s21], $0x100  }
0x174: {  	s15 =	sld [smem:$0x7EF]  }
0x175: {  	[sflag:s21] =	ssyncset.done $0x0  }
0x176: {  	[sflag:s21] =	ssyncadd.s32 $0xFFFFFF00  }
0x177: {  	[spmem:s15] =	stream.linear.scatter [tilespmem:s7], [sflag:$0xA], $0x100, $0x38;
	[tilespmem:$0x1F500] =	vst v63  }
0x178: {  	_ =	swait.ge [sflag:s21], $0x100  }
0x179: {  	s19 =	sld [smem:$0x7F0]  }
0x17a: {  	[sflag:s21] =	ssyncset.done $0x0  }
0x17b: {  	[sflag:s21] =	ssyncadd.s32 $0xFFFFFF00  }
0x17c: {  	[spmem:s19] =	stream.linear.scatter [tilespmem:s7], [sflag:$0xA], $0x100, $0x38;
	[tilespmem:$0x1F500] =	vst v63  }
0x17d: {  	_ =	swait.ge [sflag:s21], $0x100  }
0x17e: {  	[sflag:s21] =	ssyncset.done $0x0  }
0x17f: {  	[sflag:s21] =	ssyncadd.s32 $0xFFFFFF00  }
0x180: {  	[bflag:$0x0] =	sbarrier.arrive $0xFFFF  }
0x181: {  	s22 =	sld [smem:$0x7FC];
	_ =	sdelay $0x1  }
0x182: {  	s2 =	simm.s32 $0x0;
	s15 =	sld [smem:$0x7F6]  }
0x183: {  	[tilespmem:s23], [sflag:$0x5] =	stream.linear.gather [hbm4b:s22+s2], $0x80, $0x38;
	[tilespmem:$0x1F500] =	vst v63  }
0x184: {  	s19 =	sld [smem:$0x7F7]  }
0x185: {  	[tilespmem:s24], [sflag:$0x5] =	stream.linear.gather [hbm4b:s15+s2], $0x80, $0x38;
	[tilespmem:$0x1F500] =	vst v63  }
0x186: {  	s22 =	sld [smem:$0x7F8]  }
0x187: {  	[tilespmem:s25], [sflag:$0x6] =	stream.linear.gather [hbm4b:s19+s2], $0x80, $0x38;
	[tilespmem:$0x1F500] =	vst v63  }
0x188: {  	s15 =	sld [smem:$0x7F9]  }
0x189: {  	[tilespmem:s26], [sflag:$0x6] =	stream.linear.gather [hbm4b:s22+s2], $0x80, $0x38;
	[tilespmem:$0x1F500] =	vst v63  }
0x18a: {  	s19 =	sld [smem:$0x7FA]  }
0x18b: {  	[tilespmem:s28], [sflag:$0x7] =	stream.linear.gather [hbm4b:s15+s2], $0x80, $0x38;
	[tilespmem:$0x1F500] =	vst v63  }
0x18c: {  	s22 =	sld [smem:$0x7FB]  }
0x18d: {  	[tilespmem:s29], [sflag:$0x7] =	stream.linear.gather [hbm4b:s19+s2], $0x80, $0x38;
	[tilespmem:$0x1F500] =	vst v63  }
0x18e: {  	s15 =	sld [smem:$0x7FD]  }
0x18f: {  	[tilespmem:s30], [sflag:$0x8] =	stream.linear.gather [hbm4b:s22+s2], $0x80, $0x38;
	[tilespmem:$0x1F500] =	vst v63  }
0x190: {  	_ = 	snop  }
0x191: {  	[tilespmem:s31], [sflag:$0x8] =	stream.linear.gather [hbm4b:s15+s2], $0x80, $0x38;
	[tilespmem:$0x1F500] =	vst v63  }
0x192: {  	_ =	swait.ge [sflag:s0], $0x80  }
0x193: {  	[sflag:s0] =	ssyncset.done $0x0  }
0x194: {  	[sflag:s0] =	ssyncadd.s32 $0xFFFFFF80  }
0x195: {  	_ =	swait.ge [sflag:s0], $0x80  }
0x196: {  	[sflag:s0] =	ssyncset.done $0x0  }
0x197: {  	[sflag:s0] =	ssyncadd.s32 $0xFFFFFF80  }
0x198: {  	[tilespmem:s20], [sflag:$0x1] =	stream.indirect.gather [hbm4b:s6+s8], $0x80, s23, s8, $0xb8;
	[tilespmem:$0x1F500] =	vst v63  }
0x199: {  	_ =	swait.ge [sflag:s9], $0x80  }
0x19a: {  	[sflag:s9] =	ssyncset.done $0x0  }
0x19b: {  	[sflag:s9] =	ssyncadd.s32 $0xFFFFFF80  }
0x19c: {  	_ =	swait.ge [sflag:s9], $0x80  }
0x19d: {  	[sflag:s9] =	ssyncset.done $0x0  }
0x19e: {  	[sflag:s9] =	ssyncadd.s32 $0xFFFFFF80  }
0x19f: {  	[tilespmem:s10], [sflag:$0x2] =	stream.indirect.gather [hbm4b:s6+s8], $0x80, s25, s8, $0xb8;
	[tilespmem:$0x1F500] =	vst v63  }
0x1a0: {  	_ =	swait.ge [sflag:s11], $0x4000  }
0x1a1: {  	[sflag:s11] =	ssyncset.done $0x0  }
0x1a2: {  	[sflag:s11] =	ssyncadd.s32 $0xFFFFC000  }
0x1a3: {  	[spmem:s3] =	stream.indirect.scatter.add.f32 [tilespmem:s20], [sflag:$0x3], $0x80, s24, s8, $0xb8;
	[tilespmem:$0x1F500] =	vst v63  }
0x1a4: {  	_ = 	snop  }
0x1a5: {  	[spmem:s4] =	stream.indirect.scatter.add.f32 [tilespmem:s12], [sflag:$0x3], $0x10, s24, s8, $0xb8;
	[tilespmem:$0x1F500] =	vst v63  }
0x1a6: {  	_ =	swait.ge [sflag:s13], $0x4000  }
0x1a7: {  	[sflag:s13] =	ssyncset.done $0x0  }
0x1a8: {  	[sflag:s13] =	ssyncadd.s32 $0xFFFFC000  }
0x1a9: {  	_ =	swait.ge [sflag:s13], $0x800  }
0x1aa: {  	s19 =	rddreg [dreg:$0x9]  }
0x1ab: {  	[sflag:s13] =	ssyncset.done $0x0;
	s7 =	sadd.s32 $0x0, s19  }
0x1ac: {  	[sflag:s13] =	ssyncadd.s32 $0xFFFFF800;
	s22 =	sadd.s32 $0x800, s7  }
0x1ad: {  	[tilespmem:s23], [sflag:$0x5] =	stream.linear.gather [hbm4b:s22+s5], $0x80, $0x38;
	[tilespmem:$0x1F500] =	vst v63  }
0x1ae: {  	s19 =	sadd.s32 $0xA440, s7  }
0x1af: {  	[tilespmem:s24], [sflag:$0x5] =	stream.linear.gather [hbm4b:s19+s5], $0x80, $0x38;
	[tilespmem:$0x1F500] =	vst v63  }
0x1b0: {  	_ =	swait.ge [sflag:s14], $0x80  }
0x1b1: {  	[sflag:s14] =	ssyncset.done $0x0  }
0x1b2: {  	[sflag:s14] =	ssyncadd.s32 $0xFFFFFF80  }
0x1b3: {  	_ =	swait.ge [sflag:s14], $0x80  }
0x1b4: {  	[sflag:s14] =	ssyncset.done $0x0  }
0x1b5: {  	[sflag:s14] =	ssyncadd.s32 $0xFFFFFF80  }
0x1b6: {  	[tilespmem:s20], [sflag:$0x1] =	stream.indirect.gather [hbm4b:s6+s8], $0x80, s28, s8, $0xb8;
	[tilespmem:$0x1F500] =	vst v63  }
0x1b7: {  	_ =	swait.ge [sflag:s16], $0x4000  }
0x1b8: {  	[sflag:s16] =	ssyncset.done $0x0  }
0x1b9: {  	[sflag:s16] =	ssyncadd.s32 $0xFFFFC000  }
0x1ba: {  	[spmem:s3] =	stream.indirect.scatter.add.f32 [tilespmem:s10], [sflag:$0x4], $0x80, s26, s8, $0xb8;
	[tilespmem:$0x1F500] =	vst v63  }
0x1bb: {  	_ = 	snop  }
0x1bc: {  	[spmem:s4] =	stream.indirect.scatter.add.f32 [tilespmem:s12], [sflag:$0x4], $0x10, s26, s8, $0xb8;
	[tilespmem:$0x1F500] =	vst v63  }
0x1bd: {  	_ =	swait.ge [sflag:s17], $0x4000  }
0x1be: {  	[sflag:s17] =	ssyncset.done $0x0  }
0x1bf: {  	[sflag:s17] =	ssyncadd.s32 $0xFFFFC000  }
0x1c0: {  	_ =	swait.ge [sflag:s17], $0x800  }
0x1c1: {  	[sflag:s17] =	ssyncset.done $0x0  }
0x1c2: {  	s22 =	sadd.s32 $0xA00, s7;
	[sflag:s17] =	ssyncadd.s32 $0xFFFFF800  }
0x1c3: {  	[tilespmem:s25], [sflag:$0x6] =	stream.linear.gather [hbm4b:s22+s5], $0x80, $0x38;
	[tilespmem:$0x1F500] =	vst v63  }
0x1c4: {  	s7 =	sadd.s32 $0xA640, s7  }
0x1c5: {  	[tilespmem:s26], [sflag:$0x6] =	stream.linear.gather [hbm4b:s7+s5], $0x80, $0x38;
	[tilespmem:$0x1F500] =	vst v63  }
0x1c6: {  	_ =	swait.ge [sflag:s18], $0x80  }
0x1c7: {  	[sflag:s18] =	ssyncset.done $0x0  }
0x1c8: {  	[sflag:s18] =	ssyncadd.s32 $0xFFFFFF80  }
0x1c9: {  	_ =	swait.ge [sflag:s18], $0x80  }
0x1ca: {  	[sflag:s18] =	ssyncset.done $0x0  }
0x1cb: {  	[sflag:s18] =	ssyncadd.s32 $0xFFFFFF80  }
0x1cc: {  	[tilespmem:s10], [sflag:$0x2] =	stream.indirect.gather [hbm4b:s6+s8], $0x80, s30, s8, $0xb8;
	[tilespmem:$0x1F500] =	vst v63  }
0x1cd: {  	_ =	swait.ge [sflag:s11], $0x4000  }
0x1ce: {  	[sflag:s11] =	ssyncset.done $0x0  }
0x1cf: {  	[sflag:s11] =	ssyncadd.s32 $0xFFFFC000  }
0x1d0: {  	[spmem:s3] =	stream.indirect.scatter.add.f32 [tilespmem:s20], [sflag:$0x3], $0x80, s29, s8, $0xb8;
	[tilespmem:$0x1F500] =	vst v63  }
0x1d1: {  	_ = 	snop  }
0x1d2: {  	[spmem:s4] =	stream.indirect.scatter.add.f32 [tilespmem:s12], [sflag:$0x3], $0x10, s29, s8, $0xb8;
	[tilespmem:$0x1F500] =	vst v63  }
0x1d3: {  	_ =	swait.ge [sflag:s13], $0x4000  }
0x1d4: {  	[sflag:s13] =	ssyncset.done $0x0  }
0x1d5: {  	[sflag:s13] =	ssyncadd.s32 $0xFFFFC000  }
0x1d6: {  	s19 =	smin.u32 s2, $0x47;
	_ =	swait.ge [sflag:s13], $0x800  }
0x1d7: {  	s15 =	sshll.u32 s19, $0x5;
	s7 =	rddreg [dreg:$0x5]  }
0x1d8: {  	s22 =	rddreg [dreg:$0x7];
	s7 =	sadd.s32 s7, s15  }
0x1d9: {  	[sflag:s13] =	ssyncset.done $0x0;
	s15 =	sadd.s32 s15, s22;
	s7 =	sshll.u32 s7, $0x4  }
0x1da: {  	[sflag:s13] =	ssyncadd.s32 $0xFFFFF800;
	s15 =	sshll.u32 s15, $0x4;
	s7 =	sadd.s32 s1, s7  }
0x1db: {  	[tilespmem:s28], [sflag:$0x7] =	stream.linear.gather [hbm4b:s7+s5], $0x80, $0x38;
	[tilespmem:$0x1F500] =	vst v63  }
0x1dc: {  	s7 =	sadd.s32 s1, s15  }
0x1dd: {  	[tilespmem:s29], [sflag:$0x7] =	stream.linear.gather [hbm4b:s7+s5], $0x80, $0x38;
	[tilespmem:$0x1F500] =	vst v63  }
0x1de: {  	_ =	swait.ge [sflag:s0], $0x80  }
0x1df: {  	[sflag:s0] =	ssyncset.done $0x0  }
0x1e0: {  	[sflag:s0] =	ssyncadd.s32 $0xFFFFFF80  }
0x1e1: {  	_ =	swait.ge [sflag:s0], $0x80  }
0x1e2: {  	[sflag:s0] =	ssyncset.done $0x0  }
0x1e3: {  	[sflag:s0] =	ssyncadd.s32 $0xFFFFFF80  }
0x1e4: {  	[tilespmem:s20], [sflag:$0x1] =	stream.indirect.gather [hbm4b:s6+s8], $0x80, s23, s8, $0xb8;
	[tilespmem:$0x1F500] =	vst v63  }
0x1e5: {  	_ =	swait.ge [sflag:s16], $0x4000  }
0x1e6: {  	[sflag:s16] =	ssyncset.done $0x0  }
0x1e7: {  	[sflag:s16] =	ssyncadd.s32 $0xFFFFC000  }
0x1e8: {  	[spmem:s3] =	stream.indirect.scatter.add.f32 [tilespmem:s10], [sflag:$0x4], $0x80, s31, s8, $0xb8;
	[tilespmem:$0x1F500] =	vst v63  }
0x1e9: {  	_ = 	snop  }
0x1ea: {  	[spmem:s4] =	stream.indirect.scatter.add.f32 [tilespmem:s12], [sflag:$0x4], $0x10, s31, s8, $0xb8;
	[tilespmem:$0x1F500] =	vst v63  }
0x1eb: {  	_ =	swait.ge [sflag:s17], $0x4000  }
0x1ec: {  	[sflag:s17] =	ssyncset.done $0x0  }
0x1ed: {  	[sflag:s17] =	ssyncadd.s32 $0xFFFFC000  }
0x1ee: {  	s19 =	smin.u32 s2, $0x46;
	_ =	swait.ge [sflag:s17], $0x800  }
0x1ef: {  	s15 =	sshll.u32 s19, $0x5;
	s7 =	rddreg [dreg:$0x6]  }
0x1f0: {  	s22 =	rddreg [dreg:$0x8];
	s7 =	sadd.s32 s7, s15  }
0x1f1: {  	[sflag:s17] =	ssyncset.done $0x0;
	s15 =	sadd.s32 s15, s22;
	s7 =	sshll.u32 s7, $0x4  }
0x1f2: {  	[sflag:s17] =	ssyncadd.s32 $0xFFFFF800;
	s22 =	sshll.u32 s15, $0x4;
	s7 =	sadd.s32 s1, s7  }
0x1f3: {  	[tilespmem:s30], [sflag:$0x8] =	stream.linear.gather [hbm4b:s7+s5], $0x80, $0x38;
	[tilespmem:$0x1F500] =	vst v63  }
0x1f4: {  	s7 =	sadd.s32 s1, s22  }
0x1f5: {  	[tilespmem:s31], [sflag:$0x8] =	stream.linear.gather [hbm4b:s7+s5], $0x80, $0x38;
	[tilespmem:$0x1F500] =	vst v63  }
0x1f6: {  	_ =	swait.ge [sflag:s9], $0x80  }
0x1f7: {  	[sflag:s9] =	ssyncset.done $0x0  }
0x1f8: {  	[sflag:s9] =	ssyncadd.s32 $0xFFFFFF80  }
0x1f9: {  	_ =	swait.ge [sflag:s9], $0x80  }
0x1fa: {  	[sflag:s9] =	ssyncset.done $0x0  }
0x1fb: {  	[sflag:s9] =	ssyncadd.s32 $0xFFFFFF80  }
0x1fc: {  	[tilespmem:s10], [sflag:$0x2] =	stream.indirect.gather [hbm4b:s6+s8], $0x80, s25, s8, $0xb8;
	[tilespmem:$0x1F500] =	vst v63  }
0x1fd: {  	_ =	swait.ge [sflag:s11], $0x4000  }
0x1fe: {  	[sflag:s11] =	ssyncset.done $0x0  }
0x1ff: {  	s7 =	simm.s32 $0x800;
	[sflag:s11] =	ssyncadd.s32 $0xFFFFC000  }
0x200: {  	[spmem:s3] =	stream.indirect.scatter.add.f32 [tilespmem:s20], [sflag:$0x3], $0x80, s24, s8, $0xb8;
	[tilespmem:$0x1F500] =	vst v63  }
.LBB2_4:
0x201: {  	[spmem:s4] =	stream.indirect.scatter.add.f32 [tilespmem:s12], [sflag:$0x3], $0x10, s24, s8, $0xb8;
	[tilespmem:$0x1F500] =	vst v63  }
0x202: {  	_ =	swait.ge [sflag:s13], $0x4000  }
0x203: {  	[sflag:s13] =	ssyncset.done $0x0  }
0x204: {  	[sflag:s13] =	ssyncadd.s32 $0xFFFFC000  }
0x205: {  	_ =	swait.ge [sflag:s13], $0x800  }
0x206: {  	s15 =	smov.u32 s7;
	s19 =	rddreg [dreg:$0x9]  }
0x207: {  	[sflag:s13] =	ssyncset.done $0x0;
	s15 =	sadd.s32 s15, s19  }
0x208: {  	[sflag:s13] =	ssyncadd.s32 $0xFFFFF800;
	s19 =	sadd.s32 $0x800, s15  }
0x209: {  	[tilespmem:s23], [sflag:$0x5] =	stream.linear.gather [hbm4b:s19+s5], $0x80, $0x38;
	[tilespmem:$0x1F500] =	vst v63  }
0x20a: {  	s22 =	sadd.s32 $0xA440, s15  }
0x20b: {  	[tilespmem:s24], [sflag:$0x5] =	stream.linear.gather [hbm4b:s22+s5], $0x80, $0x38;
	[tilespmem:$0x1F500] =	vst v63  }
0x20c: {  	_ =	swait.ge [sflag:s14], $0x80  }
0x20d: {  	[sflag:s14] =	ssyncset.done $0x0  }
0x20e: {  	[sflag:s14] =	ssyncadd.s32 $0xFFFFFF80  }
0x20f: {  	_ =	swait.ge [sflag:s14], $0x80  }
0x210: {  	[sflag:s14] =	ssyncset.done $0x0  }
0x211: {  	[sflag:s14] =	ssyncadd.s32 $0xFFFFFF80  }
0x212: {  	[tilespmem:s20], [sflag:$0x1] =	stream.indirect.gather [hbm4b:s6+s8], $0x80, s28, s8, $0xb8;
	[tilespmem:$0x1F500] =	vst v63  }
0x213: {  	_ =	swait.ge [sflag:s16], $0x4000  }
0x214: {  	[sflag:s16] =	ssyncset.done $0x0  }
0x215: {  	[sflag:s16] =	ssyncadd.s32 $0xFFFFC000  }
0x216: {  	[spmem:s3] =	stream.indirect.scatter.add.f32 [tilespmem:s10], [sflag:$0x4], $0x80, s26, s8, $0xb8;
	[tilespmem:$0x1F500] =	vst v63  }
0x217: {  	_ = 	snop  }
0x218: {  	[spmem:s4] =	stream.indirect.scatter.add.f32 [tilespmem:s12], [sflag:$0x4], $0x10, s26, s8, $0xb8;
	[tilespmem:$0x1F500] =	vst v63  }
0x219: {  	_ =	swait.ge [sflag:s17], $0x4000  }
0x21a: {  	[sflag:s17] =	ssyncset.done $0x0  }
0x21b: {  	[sflag:s17] =	ssyncadd.s32 $0xFFFFC000  }
0x21c: {  	_ =	swait.ge [sflag:s17], $0x800  }
0x21d: {  	[sflag:s17] =	ssyncset.done $0x0  }
0x21e: {  	s22 =	sadd.s32 $0xA00, s15;
	[sflag:s17] =	ssyncadd.s32 $0xFFFFF800  }
0x21f: {  	[tilespmem:s25], [sflag:$0x6] =	stream.linear.gather [hbm4b:s22+s5], $0x80, $0x38;
	[tilespmem:$0x1F500] =	vst v63  }
0x220: {  	s15 =	sadd.s32 $0xA640, s15  }
0x221: {  	[tilespmem:s26], [sflag:$0x6] =	stream.linear.gather [hbm4b:s15+s5], $0x80, $0x38;
	[tilespmem:$0x1F500] =	vst v63  }
0x222: {  	_ =	swait.ge [sflag:s18], $0x80  }
0x223: {  	[sflag:s18] =	ssyncset.done $0x0  }
0x224: {  	[sflag:s18] =	ssyncadd.s32 $0xFFFFFF80  }
0x225: {  	_ =	swait.ge [sflag:s18], $0x80  }
0x226: {  	[sflag:s18] =	ssyncset.done $0x0  }
0x227: {  	[sflag:s18] =	ssyncadd.s32 $0xFFFFFF80  }
0x228: {  	[tilespmem:s10], [sflag:$0x2] =	stream.indirect.gather [hbm4b:s6+s8], $0x80, s30, s8, $0xb8;
	[tilespmem:$0x1F500] =	vst v63  }
0x229: {  	_ =	swait.ge [sflag:s11], $0x4000  }
0x22a: {  	[sflag:s11] =	ssyncset.done $0x0  }
0x22b: {  	[sflag:s11] =	ssyncadd.s32 $0xFFFFC000  }
0x22c: {  	[spmem:s3] =	stream.indirect.scatter.add.f32 [tilespmem:s20], [sflag:$0x3], $0x80, s29, s8, $0xb8;
	[tilespmem:$0x1F500] =	vst v63  }
0x22d: {  	_ = 	snop  }
0x22e: {  	[spmem:s4] =	stream.indirect.scatter.add.f32 [tilespmem:s12], [sflag:$0x3], $0x10, s29, s8, $0xb8;
	[tilespmem:$0x1F500] =	vst v63  }
0x22f: {  	_ =	swait.ge [sflag:s13], $0x4000  }
0x230: {  	[sflag:s13] =	ssyncset.done $0x0  }
0x231: {  	s2 =	sadd.s32 $0x4, s2;
	[sflag:s13] =	ssyncadd.s32 $0xFFFFC000  }
0x232: {  	s22 =	smin.u32 s2, $0x47;
	_ =	swait.ge [sflag:s13], $0x800  }
0x233: {  	s19 =	sshll.u32 s22, $0x5;
	s15 =	rddreg [dreg:$0x5]  }
0x234: {  	s22 =	rddreg [dreg:$0x7];
	s15 =	sadd.s32 s15, s19  }
0x235: {  	[sflag:s13] =	ssyncset.done $0x0;
	s19 =	sadd.s32 s19, s22;
	s15 =	sshll.u32 s15, $0x4  }
0x236: {  	[sflag:s13] =	ssyncadd.s32 $0xFFFFF800;
	s19 =	sshll.u32 s19, $0x4;
	s15 =	sadd.s32 s1, s15  }
0x237: {  	[tilespmem:s28], [sflag:$0x7] =	stream.linear.gather [hbm4b:s15+s5], $0x80, $0x38;
	[tilespmem:$0x1F500] =	vst v63  }
0x238: {  	s15 =	sadd.s32 s1, s19  }
0x239: {  	[tilespmem:s29], [sflag:$0x7] =	stream.linear.gather [hbm4b:s15+s5], $0x80, $0x38;
	[tilespmem:$0x1F500] =	vst v63  }
0x23a: {  	_ =	swait.ge [sflag:s0], $0x80  }
0x23b: {  	[sflag:s0] =	ssyncset.done $0x0  }
0x23c: {  	[sflag:s0] =	ssyncadd.s32 $0xFFFFFF80  }
0x23d: {  	_ =	swait.ge [sflag:s0], $0x80  }
0x23e: {  	[sflag:s0] =	ssyncset.done $0x0  }
0x23f: {  	[sflag:s0] =	ssyncadd.s32 $0xFFFFFF80  }
0x240: {  	[tilespmem:s20], [sflag:$0x1] =	stream.indirect.gather [hbm4b:s6+s8], $0x80, s23, s8, $0xb8;
	[tilespmem:$0x1F500] =	vst v63  }
0x241: {  	_ =	swait.ge [sflag:s16], $0x4000  }
0x242: {  	[sflag:s16] =	ssyncset.done $0x0  }
0x243: {  	[sflag:s16] =	ssyncadd.s32 $0xFFFFC000  }
0x244: {  	[spmem:s3] =	stream.indirect.scatter.add.f32 [tilespmem:s10], [sflag:$0x4], $0x80, s31, s8, $0xb8;
	[tilespmem:$0x1F500] =	vst v63  }
0x245: {  	_ = 	snop  }
0x246: {  	[spmem:s4] =	stream.indirect.scatter.add.f32 [tilespmem:s12], [sflag:$0x4], $0x10, s31, s8, $0xb8;
	[tilespmem:$0x1F500] =	vst v63  }
0x247: {  	_ =	swait.ge [sflag:s17], $0x4000  }
0x248: {  	[sflag:s17] =	ssyncset.done $0x0  }
0x249: {  	[sflag:s17] =	ssyncadd.s32 $0xFFFFC000  }
0x24a: {  	s22 =	smin.u32 s2, $0x46;
	_ =	swait.ge [sflag:s17], $0x800  }
0x24b: {  	s15 =	sshll.u32 s22, $0x5;
	s19 =	rddreg [dreg:$0x6]  }
0x24c: {  	s22 =	rddreg [dreg:$0x8];
	s19 =	sadd.s32 s19, s15  }
0x24d: {  	[sflag:s17] =	ssyncset.done $0x0;
	s15 =	sadd.s32 s15, s22;
	s19 =	sshll.u32 s19, $0x4  }
0x24e: {  	[sflag:s17] =	ssyncadd.s32 $0xFFFFF800;
	s15 =	sshll.u32 s15, $0x4;
	s19 =	sadd.s32 s1, s19  }
0x24f: {  	[tilespmem:s30], [sflag:$0x8] =	stream.linear.gather [hbm4b:s19+s5], $0x80, $0x38;
	[tilespmem:$0x1F500] =	vst v63  }
0x250: {  	s15 =	sadd.s32 s1, s15  }
0x251: {  	[tilespmem:s31], [sflag:$0x8] =	stream.linear.gather [hbm4b:s15+s5], $0x80, $0x38;
	[tilespmem:$0x1F500] =	vst v63  }
0x252: {  	_ =	swait.ge [sflag:s9], $0x80  }
0x253: {  	[sflag:s9] =	ssyncset.done $0x0  }
0x254: {  	[sflag:s9] =	ssyncadd.s32 $0xFFFFFF80  }
0x255: {  	_ =	swait.ge [sflag:s9], $0x80  }
0x256: {  	[sflag:s9] =	ssyncset.done $0x0  }
0x257: {  	p1 =	sne.s32 s7, $0x9000;
	[sflag:s9] =	ssyncadd.s32 $0xFFFFFF80  }
0x258: {  	[tilespmem:s10], [sflag:$0x2] =	stream.indirect.gather [hbm4b:s6+s8], $0x80, s25, s8, $0xb8;
	[tilespmem:$0x1F500] =	vst v63  }
.Ltmp1:
0x259: {  	_ = 	snop;
	(pc) =	sbr.rel @p1 .LBB2_4-.Ltmp1, $4  }
0x25a: {  	_ =	swait.ge [sflag:s11], $0x4000  }
0x25b: {  	[sflag:s11] =	ssyncset.done $0x0  }
0x25c: {  	s7 =	sadd.s32 $0x800, s7;
	[sflag:s11] =	ssyncadd.s32 $0xFFFFC000  }
0x25d: {  	[spmem:s3] =	stream.indirect.scatter.add.f32 [tilespmem:s20], [sflag:$0x3], $0x80, s24, s8, $0xb8;
	[tilespmem:$0x1F500] =	vst v63  }
0x25e: {  	[spmem:s4] =	stream.indirect.scatter.add.f32 [tilespmem:s12], [sflag:$0x3], $0x10, s24, s8, $0xb8;
	[tilespmem:$0x1F500] =	vst v63  }
0x25f: {  	_ =	swait.ge [sflag:s16], $0x4000  }
0x260: {  	[sflag:s16] =	ssyncset.done $0x0  }
0x261: {  	[sflag:s16] =	ssyncadd.s32 $0xFFFFC000  }
0x262: {  	[spmem:s3] =	stream.indirect.scatter.add.f32 [tilespmem:s10], [sflag:$0x4], $0x80, s26, s8, $0xb8;
	[tilespmem:$0x1F500] =	vst v63  }
0x263: {  	_ = 	snop  }
0x264: {  	[spmem:s4] =	stream.indirect.scatter.add.f32 [tilespmem:s12], [sflag:$0x4], $0x10, s26, s8, $0xb8;
	[tilespmem:$0x1F500] =	vst v63  }
0x265: {  	_ =	swait.ge [sflag:s13], $0x4000  }
0x266: {  	[sflag:s13] =	ssyncset.done $0x0  }
0x267: {  	[sflag:s13] =	ssyncadd.s32 $0xFFFFC000  }
0x268: {  	_ =	swait.ge [sflag:s13], $0x800  }
0x269: {  	[sflag:s13] =	ssyncset.done $0x0  }
0x26a: {  	[sflag:s13] =	ssyncadd.s32 $0xFFFFF800  }
0x26b: {  	_ =	swait.ge [sflag:s17], $0x4000  }
0x26c: {  	[sflag:s17] =	ssyncset.done $0x0  }
0x26d: {  	[sflag:s17] =	ssyncadd.s32 $0xFFFFC000  }
0x26e: {  	_ =	swait.ge [sflag:s17], $0x800  }
0x26f: {  	[sflag:s17] =	ssyncset.done $0x0  }
0x270: {  	[sflag:s17] =	ssyncadd.s32 $0xFFFFF800  }
0x271: {  	_ =	swait.ge [sflag:s14], $0x80  }
0x272: {  	[sflag:s14] =	ssyncset.done $0x0  }
0x273: {  	[sflag:s14] =	ssyncadd.s32 $0xFFFFFF80  }
0x274: {  	_ =	swait.ge [sflag:s14], $0x80  }
0x275: {  	[sflag:s14] =	ssyncset.done $0x0  }
0x276: {  	[sflag:s14] =	ssyncadd.s32 $0xFFFFFF80  }
0x277: {  	_ =	swait.ge [sflag:s18], $0x80  }
0x278: {  	[sflag:s18] =	ssyncset.done $0x0  }
0x279: {  	[sflag:s18] =	ssyncadd.s32 $0xFFFFFF80  }
0x27a: {  	_ =	swait.ge [sflag:s18], $0x80  }
0x27b: {  	s15 =	sld [smem:$0x7F1]  }
0x27c: {  	s2 =	simm.s32 @!p0 $0x0;
	[sflag:s18] =	ssyncset.done $0x0  }
0x27d: {  	s7 =	simm.s32 @!p0 $0x1E800;
	s19 =	sld [smem:$0x7F2];
	[sflag:s18] =	ssyncadd.s32 $0xFFFFFF80  }
0x27e: {  	[tilespmem:s7], [sflag:$0x9] =	stream.linear.gather @!p0 [hbm4b:s15+s2], $0x80, $0x38;
	[tilespmem:$0x1F500] =	vst v63  }
0x27f: {  	s15 =	simm.s32 @!p0 $0x1EA00  }
0x280: {  	[tilespmem:s15], [sflag:$0x9] =	stream.linear.gather @!p0 [hbm4b:s19+s2], $0x80, $0x38;
	[tilespmem:$0x1F500] =	vst v63  }
0x281: {  	s2 =	simm.s32 @!p0 $0x9  }
0x282: {  	_ =	swait.ge @!p0 [sflag:s2], $0x80  }
0x283: {  	[sflag:s2] =	ssyncset.done @!p0 $0x0  }
0x284: {  	[sflag:s2] =	ssyncadd.s32 @!p0 $0xFFFFFF80  }
0x285: {  	_ =	swait.ge @!p0 [sflag:s2], $0x80  }
0x286: {  	[sflag:s2] =	ssyncset.done @!p0 $0x0  }
0x287: {  	s22 =	simm.s32 @!p0 $0x16800;
	s19 =	simm.s32 @!p0 $0x80;
	[sflag:s2] =	ssyncadd.s32 @!p0 $0xFFFFFF80  }
0x288: {  	[tilespmem:s22], [sflag:$0x9] =	stream.indirect.gather @!p0 [hbm4b:s6+s19], $0x80, s7, s19, $0xb8;
	[tilespmem:$0x1F500] =	vst v63  }
0x289: {  	_ =	swait.ge @!p0 [sflag:s2], $0x4000  }
0x28a: {  	[sflag:s2] =	ssyncset.done @!p0 $0x0  }
0x28b: {  	[sflag:s2] =	ssyncadd.s32 @!p0 $0xFFFFC000;
	s2 =	simm.s32 @!p0 $0xA  }
0x28c: {  	[spmem:s3] =	stream.indirect.scatter.add.f32 @!p0 [tilespmem:s22], [sflag:$0xA], $0x80, s15, s19, $0xb8;
	[tilespmem:$0x1F500] =	vst v63  }
0x28d: {  	_ =	swait.ge @!p0 [sflag:s2], $0x4000  }
0x28e: {  	[sflag:s2] =	ssyncset.done @!p0 $0x0  }
0x28f: {  	s7 =	simm.s32 @!p0 $0x1EC00;
	[sflag:s2] =	ssyncadd.s32 @!p0 $0xFFFFC000  }
0x290: {  	[spmem:s4] =	stream.indirect.scatter.add.f32 @!p0 [tilespmem:s7], [sflag:$0xA], $0x10, s15, s19, $0xb8;
	[tilespmem:$0x1F500] =	vst v63  }
0x291: {  	_ =	swait.ge @!p0 [sflag:s2], $0x800  }
0x292: {  	[sflag:s2] =	ssyncset.done @!p0 $0x0  }
0x293: {  	[sflag:s2] =	ssyncadd.s32 @!p0 $0xFFFFF800  }
0x294: {  	[bflag:$0x0] =	sbarrier.arrive $0xFFFF  }
0x295: {  	s7 =	stileid.u32;
	s19 =	sld [smem:$0x7F3]  }
0x296: {  	s2 =	sshll.u32 s7, $0x6;
	s22 =	rddreg [dreg:$0xa]  }
0x297: {  	s2 =	sor.u32 $0x1C0A, s2;
	s15 =	sshrl.u32 s22, $0x3  }
0x298: {  	[hbm:s19], [sflag:s2] =	dma.local [spmem:s15], $0x2800  }
0x299: {  	_ =	swait.ge [sflag:s21], $0x2800  }
0x29a: {  	s15 =	sld [smem:$0x7F4]  }
0x29b: {  	[sflag:s21] =	ssyncset.done $0x0;
	s19 =	rddreg [dreg:$0x12]  }
0x29c: {  	[sflag:s21] =	ssyncadd.s32 $0xFFFFD800;
	s7 =	sshrl.u32 s19, $0x3  }
0x29d: {  	[hbm:s15], [sflag:s2] =	dma.local [spmem:s7], $0x500  }
0x29e: {  	_ =	swait.ge [sflag:s21], $0x500  }
0x29f: {  	s2 =	sld [smem:$0x7D6]  }
0x2a0: {  	s15 =	sld [smem:$0x7F5];
	_ =	sdelay $0x1  }
0x2a1: {  	s7 =	sadd.s32 $0x1, s2  }
0x2a2: {  	p1 =	sne.s32 s7, s15  }
.Ltmp2:
0x2a3: {  	_ = 	snop;
	(pc) =	sbr.rel @p1 .LBB2_1-.Ltmp2, $3  }
0x2a4: {  	_ =	sdelay $0x1  }
0x2a5: {  	[sflag:s21] =	ssyncset.done $0x0  }
0x2a6: {  	[sflag:s21] =	ssyncadd.s32 $0xFFFFFB00  }
0x2a7: {  	_ =	sfence.sel $0x180000  }
0x2a8: {  	[bflag:$0x0] =	sbarrier.arrive $0xFFFF  }
0x2a9: {  	_ =	strace $0x90000047  }
0x2aa: {  	s0 =	stileid.u32;
	[bflag:$0x2] =	sbarrier.arrive $0xFFFF  }
0x2ab: {  	p0 =	sne.s32 s0, $0x0;
	s0 =	rddreg [dreg:$0x4]  }
0x2ac: {  	s0 =	sadd.s32 @!p0 $0x100000, s0  }
0x2ad: {  	[sflag:s0] =	ssyncadd.tile.s32 @!p0 $0x1;
	_ =	shalt  }
.Lfunc_end2:
_tile_overlayer_lowered:
.L_overlay_start_2:
0x2ae: {  	(tag) =	ssettag $0x2  }
0x2af: {  	s0 =	rddreg [dreg:$0x0];
	s2 =	stileid.u32  }
0x2b0: {  	s1 =	rddreg [dreg:$0x1];
	p0 =	sne.s32 s2, $0x0  }
0x2b1: {  	s3 =	rddreg [dreg:$0x2];
	[bflag:$0x3] =	sbarrier.arrive $0xFFFF;
	s2 =	simm.s32 @!p0 $0x1C0A  }
0x2b2: {  	[timem:s3], [sflag:s2] =	dma.local @!p0 [hbm:s0], s1  }
0x2b3: {  	s0 =	simm.s32 @!p0 $0xA  }
0x2b4: {  	_ =	swait.ge @!p0 [sflag:s0], s1  }
0x2b5: {  	s1 =	ssub.s32 @!p0 $0x0, s1;
	[sflag:s0] =	ssyncset.done @!p0 $0x0  }
0x2b6: {  	[sflag:s0] =	ssyncadd.s32 @!p0 s1  }
0x2b7: {  	[bflag:$0x3] =	sbarrier.arrive $0xFFFF  }
0x2b8: {  	_ =	shalt  }

</sc_bundles>
